<compile_context>
chip_gen: v7x
topology: tpu7x:2x2x1
jax: 0.10.2.dev20260603
libtpu: 0.0.44.dev20260713+nightly
codegen_flags: <defaults>
</compile_context>

<pallas_src>
import functools

import jax
import jax.numpy as jnp
from jax import lax
from jax.experimental import pallas as pl
from jax.experimental.pallas import tpu as pltpu
from jax.experimental.pallas import tpu_sc as plsc

B_, N_, F_ = 4, 1024, 128
H_, C_ = 4, 128
HC_ = H_ * C_
K_ = 512


def _stj(astack, xp):
    return jax.lax.dot_general(astack, xp, (((0,), (1,)), ((), ())),
                               preferred_element_type=jnp.float32)


def _leaky(x):
    return jnp.maximum(x, 0.2 * x)


def _heads(maskf, st, xp, n):
    outs = []
    for h in range(H_):
        s = st[h]
        t = st[H_ + h]
        mhat = _leaky(s + jnp.max(t))
        a = (s - mhat)[:, None] + t[None, :]
        b2 = (0.2 * s - mhat)[:, None] + (0.2 * t)[None, :]
        p = jnp.exp(jnp.maximum(a, b2)) * maskf
        v = jnp.concatenate(
            [xp[:, h * C_:(h + 1) * C_], jnp.ones((n, 128), jnp.float32)],
            axis=1)
        oh = jnp.dot(p, v, preferred_element_type=jnp.float32)
        outs.append(oh[:, :C_] * (1.0 / oh[:, C_:C_ + 1]))
    return outs


def _gat_cat(maskf, st, xp, n):
    return jnp.concatenate(_heads(maskf, st, xp, n), axis=1)


def _gat_mean(maskf, st, xp, n):
    o = _heads(maskf, st, xp, n)
    return jnp.maximum((o[0] + o[1] + o[2] + o[3]) * (1.0 / H_), 0.0)


def _diag_mask(pos, n):
    r = jax.lax.broadcasted_iota(jnp.int32, (n, n), 0)
    c = jax.lax.broadcasted_iota(jnp.int32, (n, n), 1)
    return pos | (r == c)


def _enc_body(x_ref, adj_ref, w0a_ref, a0a_ref, w0b_ref, a0b_ref, pk_ref,
              m_ref, d_ref, g_ref, y_ref):
    m = _diag_mask(adj_ref[0] > 0, N_)
    m_ref[0] = m.astype(jnp.int8)
    maskf = m.astype(jnp.float32)
    xp = jnp.dot(x_ref[0], w0a_ref[...], preferred_element_type=jnp.float32)
    h0a = _gat_cat(maskf, _stj(a0a_ref[...], xp), xp, N_)
    xp = jnp.dot(h0a, w0b_ref[...], preferred_element_type=jnp.float32)
    h = _gat_mean(maskf, _stj(a0b_ref[...], xp), xp, N_)
    d_ref[0] = h
    pk = pk_ref[0]
    kn = pk / (jnp.sqrt(jnp.sum(pk * pk)) + 1e-12)
    y = jnp.sum(h * kn[None, :], axis=1)
    y_ref[0, 0, :] = y
    g_ref[0] = h * jnp.tanh(y)[:, None]


def _enc_call(X, A, w0a, a0a, w0b, a0b, pk):
    return pl.pallas_call(
        _enc_body, grid=(B_,),
        in_specs=[
            pl.BlockSpec((1, N_, F_), lambda i: (i, 0, 0)),
            pl.BlockSpec((1, N_, N_), lambda i: (i, 0, 0)),
            pl.BlockSpec((F_, HC_), lambda i: (0, 0)),
            pl.BlockSpec((HC_, 8), lambda i: (0, 0)),
            pl.BlockSpec((HC_, HC_), lambda i: (0, 0)),
            pl.BlockSpec((HC_, 8), lambda i: (0, 0)),
            pl.BlockSpec((1, C_), lambda i: (0, 0)),
        ],
        out_specs=[
            pl.BlockSpec((1, N_, N_), lambda i: (i, 0, 0)),
            pl.BlockSpec((1, N_, C_), lambda i: (i, 0, 0)),
            pl.BlockSpec((1, N_, C_), lambda i: (i, 0, 0)),
            pl.BlockSpec((1, 1, N_), lambda i: (i, 0, 0)),
        ],
        out_shape=[
            jax.ShapeDtypeStruct((B_, N_, N_), jnp.int8),
            jax.ShapeDtypeStruct((B_, N_, C_), jnp.float32),
            jax.ShapeDtypeStruct((B_, N_, C_), jnp.float32),
            jax.ShapeDtypeStruct((B_, 1, N_), jnp.float32),
        ],
    )(X, A, w0a, a0a, w0b, a0b, pk)


def _mid_body(hp_ref, ar_ref, oh_ref, w1a_ref, a1a_ref, w1b_ref, a1b_ref,
              o_ref):
    ap = jnp.dot(ar_ref[0], oh_ref[0], preferred_element_type=jnp.float32)
    maskf = _diag_mask(ap > 0, K_).astype(jnp.float32)
    xp = jnp.dot(hp_ref[0], w1a_ref[...], preferred_element_type=jnp.float32)
    h1a = _gat_cat(maskf, _stj(a1a_ref[...], xp), xp, K_)
    xp = jnp.dot(h1a, w1b_ref[...], preferred_element_type=jnp.float32)
    o_ref[0] = _gat_mean(maskf, _stj(a1b_ref[...], xp), xp, K_)


def _mid_call(hp, Ar, oh, w1a, a1a, w1b, a1b):
    return pl.pallas_call(
        _mid_body, grid=(B_,),
        in_specs=[
            pl.BlockSpec((1, K_, C_), lambda i: (i, 0, 0)),
            pl.BlockSpec((1, K_, N_), lambda i: (i, 0, 0)),
            pl.BlockSpec((1, N_, K_), lambda i: (i, 0, 0)),
            pl.BlockSpec((C_, HC_), lambda i: (0, 0)),
            pl.BlockSpec((HC_, 8), lambda i: (0, 0)),
            pl.BlockSpec((HC_, HC_), lambda i: (0, 0)),
            pl.BlockSpec((HC_, 8), lambda i: (0, 0)),
        ],
        out_specs=pl.BlockSpec((1, K_, C_), lambda i: (i, 0, 0)),
        out_shape=jax.ShapeDtypeStruct((B_, K_, C_), jnp.float32),
    )(hp, Ar, oh, w1a, a1a, w1b, a1b)


def _dec_body(hu0_ref, x_ref, d_ref, m_ref, wua_ref, aua_ref, wub_ref,
              aub_ref, weah_ref, weal_ref, aea_ref, web_ref, aeb_ref, o_ref):
    maskf = m_ref[0].astype(jnp.float32)
    xp = jnp.dot(hu0_ref[0], wua_ref[...], preferred_element_type=jnp.float32)
    hua = _gat_cat(maskf, _stj(aua_ref[...], xp), xp, N_)
    xp = jnp.dot(hua, wub_ref[...], preferred_element_type=jnp.float32)
    hu = _gat_mean(maskf, _stj(aub_ref[...], xp), xp, N_) + d_ref[0]
    xp = jnp.dot(hu, weah_ref[...], preferred_element_type=jnp.float32)
    xp = xp + jnp.dot(x_ref[0], weal_ref[...],
                      preferred_element_type=jnp.float32)
    hea = _gat_cat(maskf, _stj(aea_ref[...], xp), xp, N_)
    xp = jnp.dot(hea, web_ref[...], preferred_element_type=jnp.float32)
    o_ref[0] = _gat_mean(maskf, _stj(aeb_ref[...], xp), xp, N_)


def _dec_call(hu0, X, down, mask8, wua, aua, wub, aub, weah, weal, aea,
              web, aeb):
    return pl.pallas_call(
        _dec_body, grid=(B_,),
        in_specs=[
            pl.BlockSpec((1, N_, C_), lambda i: (i, 0, 0)),
            pl.BlockSpec((1, N_, F_), lambda i: (i, 0, 0)),
            pl.BlockSpec((1, N_, C_), lambda i: (i, 0, 0)),
            pl.BlockSpec((1, N_, N_), lambda i: (i, 0, 0)),
            pl.BlockSpec((C_, HC_), lambda i: (0, 0)),
            pl.BlockSpec((HC_, 8), lambda i: (0, 0)),
            pl.BlockSpec((HC_, HC_), lambda i: (0, 0)),
            pl.BlockSpec((HC_, 8), lambda i: (0, 0)),
            pl.BlockSpec((C_, HC_), lambda i: (0, 0)),
            pl.BlockSpec((F_, HC_), lambda i: (0, 0)),
            pl.BlockSpec((HC_, 8), lambda i: (0, 0)),
            pl.BlockSpec((HC_, HC_), lambda i: (0, 0)),
            pl.BlockSpec((HC_, 8), lambda i: (0, 0)),
        ],
        out_specs=pl.BlockSpec((1, N_, C_), lambda i: (i, 0, 0)),
        out_shape=jax.ShapeDtypeStruct((B_, N_, C_), jnp.float32),
    )(hu0, X, down, mask8, wua, aua, wub, aub, weah, weal, aea, web, aeb)


_NC, _NS = 2, 16


def _sc_pool(A2, hg2, idx2, eye, zrows):
    mesh = plsc.VectorSubcoreMesh(core_axis_name="c", subcore_axis_name="s")

    @functools.partial(
        pl.kernel, mesh=mesh,
        out_type=[jax.ShapeDtypeStruct((B_ * K_, N_), jnp.float32),
                  jax.ShapeDtypeStruct((B_ * K_, C_), jnp.float32),
                  jax.ShapeDtypeStruct((B_ * N_, K_), jnp.float32)],
        scratch_types=[
            pltpu.VMEM((64,), jnp.int32),
            pltpu.VMEM((64, N_), jnp.float32),
            pltpu.VMEM((64, C_), jnp.float32),
            pltpu.VMEM((64, K_), jnp.float32),
            pltpu.SemaphoreType.DMA,
            pltpu.SemaphoreType.DMA,
            pltpu.SemaphoreType.DMA,
        ],
    )
    def k(a_hbm, hg_hbm, idx_hbm, eye_hbm, z_hbm, ar_hbm, hp_hbm, oh_hbm,
          rowabs_v, arows_v, hrows_v, zbuf, sem1, sem2, sem3):
        w = lax.axis_index("c") * _NS + lax.axis_index("s")
        b = w // 8
        pltpu.sync_copy(idx_hbm.at[pl.ds(w * 64, 64)], rowabs_v)
        for q in range(4):
            sl = pl.ds(q * 16, 16)
            rowabs_v[sl] = rowabs_v[sl] + b * N_
        cp1 = pltpu.async_copy(a_hbm.at[rowabs_v], arows_v, sem1)
        cp2 = pltpu.async_copy(hg_hbm.at[rowabs_v], hrows_v, sem2)
        pltpu.sync_copy(z_hbm, zbuf)
        pltpu.sync_copy(zbuf, oh_hbm.at[pl.ds(w * 128, 64)])
        pltpu.sync_copy(zbuf, oh_hbm.at[pl.ds(w * 128 + 64, 64)])
        cp1.wait()
        cp2.wait()
        pltpu.sync_copy(arows_v, ar_hbm.at[pl.ds(w * 64, 64)])
        pltpu.sync_copy(hrows_v, hp_hbm.at[pl.ds(w * 64, 64)])
        plsc.subcore_barrier()
        pltpu.sync_copy(eye_hbm.at[pl.ds((w % 8) * 64, 64)], zbuf)
        pltpu.async_copy(zbuf, oh_hbm.at[rowabs_v], sem3).wait()

    return k(A2, hg2, idx2, eye, zrows)


def _sc_unpool(h1b2, idx2, zrows):
    mesh = plsc.VectorSubcoreMesh(core_axis_name="c", subcore_axis_name="s")

    @functools.partial(
        pl.kernel, mesh=mesh,
        out_type=jax.ShapeDtypeStruct((B_ * N_, C_), jnp.float32),
        scratch_types=[
            pltpu.VMEM((64, C_), jnp.float32),
            pltpu.VMEM((32, C_), jnp.float32),
            pltpu.VMEM((32,), jnp.int32),
            pltpu.SemaphoreType.DMA,
        ],
    )
    def k(h_hbm, idx_hbm, z_hbm, out_hbm, zbuf, rbuf, iabs, sem):
        c = lax.axis_index("c")
        sid = lax.axis_index("s")
        pltpu.sync_copy(z_hbm, zbuf)
        for bb in range(2):
            b = c * 2 + bb
            pltpu.sync_copy(zbuf, out_hbm.at[pl.ds(b * N_ + sid * 64, 64)])
        plsc.subcore_barrier()
        for bb in range(2):
            b = c * 2 + bb
            base = b * K_ + sid * 32
            pltpu.sync_copy(idx_hbm.at[pl.ds(base, 32)], iabs)
            for q in range(2):
                sl = pl.ds(q * 16, 16)
                iabs[sl] = iabs[sl] + b * N_
            pltpu.sync_copy(h_hbm.at[pl.ds(base, 32)], rbuf)
            pltpu.async_copy(rbuf, out_hbm.at[iabs], sem).wait()

    return k(h1b2, idx2, zrows)


def kernel(X, A, W0a, a0a_s, a0a_n, W0b, a0b_s, a0b_n, pk,
           W1a, a1a_s, a1a_n, W1b, a1b_s, a1b_n,
           Wua, aua_s, aua_n, Wub, aub_s, aub_n,
           Wea, aea_s, aea_n, Web, aeb_s, aeb_n):
    def wf(w):
        return w.reshape(w.shape[0], HC_)

    def av(a_s, a_n):
        z = jnp.zeros((HC_, 2 * H_), jnp.float32)
        for h in range(H_):
            z = z.at[h * C_:(h + 1) * C_, h].set(a_s[h])
            z = z.at[h * C_:(h + 1) * C_, H_ + h].set(a_n[h])
        return z

    mask8, down, hg, y = _enc_call(X, A, wf(W0a), av(a0a_s, a0a_n),
                                   wf(W0b), av(a0b_s, a0b_n),
                                   pk.reshape(1, F_))

    _, idx = jax.lax.top_k(y[:, 0, :], K_)

    idxf = idx.reshape(B_ * K_)
    Ar2, hp2, oh2 = _sc_pool(A.reshape(B_ * N_, N_), hg.reshape(B_ * N_, C_),
                             idxf, jnp.eye(K_, dtype=jnp.float32),
                             jnp.zeros((64, K_), jnp.float32))

    h1b = _mid_call(hp2.reshape(B_, K_, C_), Ar2.reshape(B_, K_, N_),
                    oh2.reshape(B_, N_, K_), wf(W1a), av(a1a_s, a1a_n),
                    wf(W1b), av(a1b_s, a1b_n))

    hu0 = _sc_unpool(h1b.reshape(B_ * K_, C_), idxf,
                     jnp.zeros((64, C_), jnp.float32)).reshape(B_, N_, C_)

    return _dec_call(hu0, X, down, mask8, wf(Wua), av(aua_s, aua_n),
                     wf(Wub), av(aub_s, aub_n), wf(Wea[:C_]), wf(Wea[C_:]),
                     av(aea_s, aea_n), wf(Web), av(aeb_s, aeb_n))

# --- scband reference (transcript-rebuilt; emitter-appended) ---
"""Pipeline reference for scband-graph-unet-53309134078320 (READ-ONLY COPY).

The authoritative reference and input builder live on the scoring server;
editing this copy changes nothing except your own understanding.
"""

import jax, jax.numpy as jnp
import numpy as np

B, N, F = 4, 1024, 128
H, C = 4, 128
K_POOL = 512
NEG = -1e9

_PARAM_SPECS = [
    ("W0a", (F, H, C)), ("a0a_s", (H, C)), ("a0a_n", (H, C)),
    ("W0b", (H * C, H, C)), ("a0b_s", (H, C)), ("a0b_n", (H, C)),
    ("pk", (F,)),
    ("W1a", (C, H, C)), ("a1a_s", (H, C)), ("a1a_n", (H, C)),
    ("W1b", (H * C, H, C)), ("a1b_s", (H, C)), ("a1b_n", (H, C)),
    ("Wua", (C, H, C)), ("aua_s", (H, C)), ("aua_n", (H, C)),
    ("Wub", (H * C, H, C)), ("aub_s", (H, C)), ("aub_n", (H, C)),
    ("Wea", (2 * C, H, C)), ("aea_s", (H, C)), ("aea_n", (H, C)),
    ("Web", (H * C, H, C)), ("aeb_s", (H, C)), ("aeb_n", (H, C)),
]


def setup_inputs(seed: int = 0) -> dict:
    key = jax.random.key(seed)
    ks = jax.random.split(key, len(_PARAM_SPECS) + 2)
    inp = {}
    inp["X"] = jax.random.normal(ks[0], (B, N, F), dtype=jnp.float32)
    inp["A"] = jax.random.uniform(ks[1], (B, N, N), dtype=jnp.float32)
    for i, (nm, sh) in enumerate(_PARAM_SPECS):
        scale = 1.0 / np.sqrt(max(1.0, float(np.prod(sh[:-1]))))
        inp[nm] = jax.random.normal(ks[i + 2], sh, dtype=jnp.float32) * scale
    return inp


def _gat(X, A, W, a_s, a_n, concat, act):
    # dense-batch GraphAttention (GAT) layer, self-loops added to mask
    Xp = jnp.einsum('bnf,fhc->bnhc', X, W)
    s = jnp.einsum('bnhc,hc->bnh', Xp, a_s)
    t = jnp.einsum('bnhc,hc->bnh', Xp, a_n)
    logits = jax.nn.leaky_relu(s[:, :, None, :] + t[:, None, :, :], 0.2)
    n = X.shape[1]
    mask = (A + jnp.eye(n, dtype=A.dtype))[..., None] > 0
    logits = jnp.where(mask, logits, NEG)
    attn = jax.nn.softmax(logits, axis=2)
    out = jnp.einsum('bnmh,bmhc->bnhc', attn, Xp)
    if concat:
        out = out.reshape(out.shape[0], out.shape[1], -1)
    else:
        out = out.mean(axis=2)
    if act is not None:
        out = act(out)
    return out


def _gat_conv(X, A, Wa, aa_s, aa_n, Wb, ab_s, ab_n):
    # GATConvLayer with filter_size=2: concat-head GAT then head-averaged GAT + relu
    h = _gat(X, A, Wa, aa_s, aa_n, True, None)
    h = _gat(h, A, Wb, ab_s, ab_n, False, jax.nn.relu)
    return h


def reference(X, A, W0a, a0a_s, a0a_n, W0b, a0b_s, a0b_n, pk,
              W1a, a1a_s, a1a_n, W1b, a1b_s, a1b_n,
              Wua, aua_s, aua_n, Wub, aub_s, aub_n,
              Wea, aea_s, aea_n, Web, aeb_s, aeb_n):
    orig = X
    # encoder: start GATConvLayer
    h = _gat_conv(X, A, W0a, a0a_s, a0a_n, W0b, a0b_s, a0b_n)
    down = h
    # GraphPool (top_k)
    kn = pk / (jnp.linalg.norm(pk) + 1e-12)
    y = jnp.einsum('bnf,f->bn', h, kn)
    _, idx = jax.lax.top_k(y, K_POOL)
    hg = h * jnp.tanh(y)[..., None]
    hp = jnp.take_along_axis(hg, idx[:, :, None], axis=1)
    Ap = jnp.take_along_axis(A, idx[:, :, None], axis=1)
    Ap = jnp.take_along_axis(Ap, idx[:, None, :], axis=2)
    # bottleneck GATConvLayer on pooled graph
    hb = _gat_conv(hp, Ap, W1a, a1a_s, a1a_n, W1b, a1b_s, a1b_n)
    # decoder: GraphUnpool (scatter rows back) + up GAT + skip add
    bidx = jnp.arange(X.shape[0])[:, None]
    hu = jnp.zeros((X.shape[0], N, hb.shape[-1]), dtype=hb.dtype).at[bidx, idx].set(hb)
    hu = _gat_conv(hu, A, Wua, aua_s, aua_n, Wub, aub_s, aub_n)
    hu = hu + down
    # concat with original features, final GATConvLayer -> out_dim
    hc = jnp.concatenate([hu, orig], axis=-1)
    out = _gat_conv(hc, A, Wea, aea_s, aea_n, Web, aeb_s, aeb_n)
    return out

if __name__ == "__main__":
    import jax
    _d = setup_inputs()
    print(jax.jit(kernel)(*tuple(_d.values())))

</pallas_src>

<mosaic_0001>
#map = affine_map<(d0, d1) -> (0, 0)>
#map1 = affine_map<(d0, d1) -> (0)>
module attributes {stable_mosaic.version = 14 : i64} {
  func.func @k(%arg0: i32, %arg1: i32, %arg2: memref<2048x128xf32, #tpu.memory_space<hbm>>, %arg3: memref<2048xi32, #tpu.memory_space<hbm>>, %arg4: memref<64x128xf32, #tpu.memory_space<hbm>>, %arg5: memref<4096x128xf32, #tpu.memory_space<hbm>>, %arg6: memref<64x128xf32, #tpu.memory_space<vmem>>, %arg7: memref<32x128xf32, #tpu.memory_space<vmem>>, %arg8: memref<32xi32, #tpu.memory_space<vmem>>, %arg9: memref<!tpu.dma_semaphore, #tpu.memory_space<semaphore_mem>>) attributes {dimension_semantics = [#tpu.dimension_semantics<core_parallel>, #tpu.dimension_semantics<subcore_parallel>], iteration_bounds = array<i64: 2, 16>, scalar_prefetch = 0 : i64, scratch_operands = 4 : i64, tpu.core_type = #tpu.core_type<sc_vector_subcore>, window_params = [{transform_indices = #map}, {transform_indices = #map1}, {transform_indices = #map}, {transform_indices = #map}]} {
    "tpu.region"() ({
      %run_scoped3A = tpu.sem_alloc : memref<!tpu.dma_semaphore, #tpu.memory_space<semaphore_mem>>
      tpu.enqueue_dma source(%arg4 : memref<64x128xf32, #tpu.memory_space<hbm>>) target(%arg6 : memref<64x128xf32, #tpu.memory_space<vmem>>) target_semaphore(%run_scoped3A : memref<!tpu.dma_semaphore, #tpu.memory_space<semaphore_mem>>)
      tpu.wait_dma2 semaphore(%run_scoped3A : memref<!tpu.dma_semaphore, #tpu.memory_space<semaphore_mem>>) src(%arg4 : memref<64x128xf32, #tpu.memory_space<hbm>>) dst(%arg6 : memref<64x128xf32, #tpu.memory_space<vmem>>)
      tpu.yield
    }) : () -> ()
    %mul3A = arith.constant 2 : i32
    %mul3A_0 = arith.muli %arg0, %mul3A : i32
    %add3A = arith.constant 0 : i32
    %add3A_1 = arith.addi %mul3A_0, %add3A : i32
    %mul3A_2 = arith.constant 1024 : i32
    %mul3A_3 = arith.muli %add3A_1, %mul3A_2 : i32
    %mul3A_4 = arith.constant 64 : i32
    %mul3A_5 = arith.muli %arg1, %mul3A_4 : i32
    %add3A_6 = arith.addi %mul3A_3, %mul3A_5 : i32
    "tpu.region"() ({
      %run_scoped3A = tpu.sem_alloc : memref<!tpu.dma_semaphore, #tpu.memory_space<semaphore_mem>>
      %dma_start3A_86 = arith.constant 0 : i32
      %dma_start3A_87 = tpu.memref_slice %arg5[%add3A_6, %dma_start3A_86] : memref<4096x128xf32, #tpu.memory_space<hbm>> -> memref<64x128xf32, #tpu.memory_space<hbm>>
      %dma_start3A_88 = arith.constant 0 : i32
      %dma_start3A_89 = tpu.memref_slice %arg5[%add3A_6, %dma_start3A_88] : memref<4096x128xf32, #tpu.memory_space<hbm>> -> memref<64x128xf32, #tpu.memory_space<hbm>>
      tpu.enqueue_dma source(%arg6 : memref<64x128xf32, #tpu.memory_space<vmem>>) target(%dma_start3A_89 : memref<64x128xf32, #tpu.memory_space<hbm>>) target_semaphore(%run_scoped3A : memref<!tpu.dma_semaphore, #tpu.memory_space<semaphore_mem>>)
      %dma_wait3A_90 = arith.constant 0 : i32
      %dma_wait3A_91 = tpu.memref_slice %arg5[%add3A_6, %dma_wait3A_90] : memref<4096x128xf32, #tpu.memory_space<hbm>> -> memref<64x128xf32, #tpu.memory_space<hbm>>
      %dma_wait3A_92 = arith.constant 0 : i32
      %dma_wait3A_93 = tpu.memref_slice %arg5[%add3A_6, %dma_wait3A_92] : memref<4096x128xf32, #tpu.memory_space<hbm>> -> memref<64x128xf32, #tpu.memory_space<hbm>>
      tpu.wait_dma2 semaphore(%run_scoped3A : memref<!tpu.dma_semaphore, #tpu.memory_space<semaphore_mem>>) src(%arg6 : memref<64x128xf32, #tpu.memory_space<vmem>>) dst(%dma_wait3A_93 : memref<64x128xf32, #tpu.memory_space<hbm>>)
      tpu.yield
    }) : () -> ()
    %mul3A_7 = arith.constant 2 : i32
    %mul3A_8 = arith.muli %arg0, %mul3A_7 : i32
    %add3A_9 = arith.constant 1 : i32
    %add3A_10 = arith.addi %mul3A_8, %add3A_9 : i32
    %mul3A_11 = arith.constant 1024 : i32
    %mul3A_12 = arith.muli %add3A_10, %mul3A_11 : i32
    %mul3A_13 = arith.constant 64 : i32
    %mul3A_14 = arith.muli %arg1, %mul3A_13 : i32
    %add3A_15 = arith.addi %mul3A_12, %mul3A_14 : i32
    "tpu.region"() ({
      %run_scoped3A = tpu.sem_alloc : memref<!tpu.dma_semaphore, #tpu.memory_space<semaphore_mem>>
      %dma_start3A_86 = arith.constant 0 : i32
      %dma_start3A_87 = tpu.memref_slice %arg5[%add3A_15, %dma_start3A_86] : memref<4096x128xf32, #tpu.memory_space<hbm>> -> memref<64x128xf32, #tpu.memory_space<hbm>>
      %dma_start3A_88 = arith.constant 0 : i32
      %dma_start3A_89 = tpu.memref_slice %arg5[%add3A_15, %dma_start3A_88] : memref<4096x128xf32, #tpu.memory_space<hbm>> -> memref<64x128xf32, #tpu.memory_space<hbm>>
      tpu.enqueue_dma source(%arg6 : memref<64x128xf32, #tpu.memory_space<vmem>>) target(%dma_start3A_89 : memref<64x128xf32, #tpu.memory_space<hbm>>) target_semaphore(%run_scoped3A : memref<!tpu.dma_semaphore, #tpu.memory_space<semaphore_mem>>)
      %dma_wait3A_90 = arith.constant 0 : i32
      %dma_wait3A_91 = tpu.memref_slice %arg5[%add3A_15, %dma_wait3A_90] : memref<4096x128xf32, #tpu.memory_space<hbm>> -> memref<64x128xf32, #tpu.memory_space<hbm>>
      %dma_wait3A_92 = arith.constant 0 : i32
      %dma_wait3A_93 = tpu.memref_slice %arg5[%add3A_15, %dma_wait3A_92] : memref<4096x128xf32, #tpu.memory_space<hbm>> -> memref<64x128xf32, #tpu.memory_space<hbm>>
      tpu.wait_dma2 semaphore(%run_scoped3A : memref<!tpu.dma_semaphore, #tpu.memory_space<semaphore_mem>>) src(%arg6 : memref<64x128xf32, #tpu.memory_space<vmem>>) dst(%dma_wait3A_93 : memref<64x128xf32, #tpu.memory_space<hbm>>)
      tpu.yield
    }) : () -> ()
    %barrier3A = arith.constant 0 : index
    tpu.barrier barrier_id(%barrier3A)
    %mul3A_16 = arith.constant 2 : i32
    %mul3A_17 = arith.muli %arg0, %mul3A_16 : i32
    %add3A_18 = arith.constant 0 : i32
    %add3A_19 = arith.addi %mul3A_17, %add3A_18 : i32
    %mul3A_20 = arith.constant 512 : i32
    %mul3A_21 = arith.muli %add3A_19, %mul3A_20 : i32
    %mul3A_22 = arith.constant 32 : i32
    %mul3A_23 = arith.muli %arg1, %mul3A_22 : i32
    %add3A_24 = arith.addi %mul3A_21, %mul3A_23 : i32
    "tpu.region"() ({
      %run_scoped3A = tpu.sem_alloc : memref<!tpu.dma_semaphore, #tpu.memory_space<semaphore_mem>>
      %dma_start3A_86 = tpu.memref_slice %arg3[%add3A_24] : memref<2048xi32, #tpu.memory_space<hbm>> -> memref<32xi32, #tpu.memory_space<hbm>>
      %dma_start3A_87 = tpu.memref_slice %arg3[%add3A_24] : memref<2048xi32, #tpu.memory_space<hbm>> -> memref<32xi32, #tpu.memory_space<hbm>>
      tpu.enqueue_dma source(%dma_start3A_87 : memref<32xi32, #tpu.memory_space<hbm>>) target(%arg8 : memref<32xi32, #tpu.memory_space<vmem>>) target_semaphore(%run_scoped3A : memref<!tpu.dma_semaphore, #tpu.memory_space<semaphore_mem>>)
      %dma_wait3A_88 = tpu.memref_slice %arg3[%add3A_24] : memref<2048xi32, #tpu.memory_space<hbm>> -> memref<32xi32, #tpu.memory_space<hbm>>
      %dma_wait3A_89 = tpu.memref_slice %arg3[%add3A_24] : memref<2048xi32, #tpu.memory_space<hbm>> -> memref<32xi32, #tpu.memory_space<hbm>>
      tpu.wait_dma2 semaphore(%run_scoped3A : memref<!tpu.dma_semaphore, #tpu.memory_space<semaphore_mem>>) src(%dma_wait3A_89 : memref<32xi32, #tpu.memory_space<hbm>>) dst(%arg8 : memref<32xi32, #tpu.memory_space<vmem>>)
      tpu.yield
    }) : () -> ()
    %get3A = arith.constant 0 : index
    %get3A_25 = tpu.vector_load %arg8[%get3A] {strides = array<i32>} : memref<32xi32, #tpu.memory_space<vmem>>, vector<16xi32>,
    %get3A_26 = vector.shape_cast %get3A_25 : vector<16xi32> to vector<16xi32>
    %mul3A_27 = arith.constant 1024 : i32
    %mul3A_28 = arith.muli %add3A_19, %mul3A_27 : i32
    %add3A_29 = vector.broadcast %mul3A_28 : i32 to vector<16xi32>
    %add3A_30 = arith.addi %get3A_26, %add3A_29 : vector<16xi32>
    %swap3A = arith.constant 0 : index
    %swap3A_31 = tpu.vector_load %arg8[%swap3A] {strides = array<i32>} : memref<32xi32, #tpu.memory_space<vmem>>, vector<16xi32>,
    %swap3A_32 = vector.shape_cast %swap3A_31 : vector<16xi32> to vector<16xi32>
    %swap3A_33 = vector.shape_cast %add3A_30 : vector<16xi32> to vector<16xi32>
    tpu.vector_store %arg8[%swap3A], %swap3A_33 {strides = array<i32>} : memref<32xi32, #tpu.memory_space<vmem>>, vector<16xi32>,
    %get3A_34 = arith.constant 16 : index
    %get3A_35 = tpu.vector_load %arg8[%get3A_34] {strides = array<i32>} : memref<32xi32, #tpu.memory_space<vmem>>, vector<16xi32>,
    %get3A_36 = vector.shape_cast %get3A_35 : vector<16xi32> to vector<16xi32>
    %mul3A_37 = arith.constant 1024 : i32
    %mul3A_38 = arith.muli %add3A_19, %mul3A_37 : i32
    %add3A_39 = vector.broadcast %mul3A_38 : i32 to vector<16xi32>
    %add3A_40 = arith.addi %get3A_36, %add3A_39 : vector<16xi32>
    %swap3A_41 = arith.constant 16 : index
    %swap3A_42 = tpu.vector_load %arg8[%swap3A_41] {strides = array<i32>} : memref<32xi32, #tpu.memory_space<vmem>>, vector<16xi32>,
    %swap3A_43 = vector.shape_cast %swap3A_42 : vector<16xi32> to vector<16xi32>
    %swap3A_44 = vector.shape_cast %add3A_40 : vector<16xi32> to vector<16xi32>
    tpu.vector_store %arg8[%swap3A_41], %swap3A_44 {strides = array<i32>} : memref<32xi32, #tpu.memory_space<vmem>>, vector<16xi32>,
    "tpu.region"() ({
      %run_scoped3A = tpu.sem_alloc : memref<!tpu.dma_semaphore, #tpu.memory_space<semaphore_mem>>
      %dma_start3A_86 = arith.constant 0 : i32
      %dma_start3A_87 = tpu.memref_slice %arg2[%add3A_24, %dma_start3A_86] : memref<2048x128xf32, #tpu.memory_space<hbm>> -> memref<32x128xf32, #tpu.memory_space<hbm>>
      %dma_start3A_88 = arith.constant 0 : i32
      %dma_start3A_89 = tpu.memref_slice %arg2[%add3A_24, %dma_start3A_88] : memref<2048x128xf32, #tpu.memory_space<hbm>> -> memref<32x128xf32, #tpu.memory_space<hbm>>
      tpu.enqueue_dma source(%dma_start3A_89 : memref<32x128xf32, #tpu.memory_space<hbm>>) target(%arg7 : memref<32x128xf32, #tpu.memory_space<vmem>>) target_semaphore(%run_scoped3A : memref<!tpu.dma_semaphore, #tpu.memory_space<semaphore_mem>>)
      %dma_wait3A_90 = arith.constant 0 : i32
      %dma_wait3A_91 = tpu.memref_slice %arg2[%add3A_24, %dma_wait3A_90] : memref<2048x128xf32, #tpu.memory_space<hbm>> -> memref<32x128xf32, #tpu.memory_space<hbm>>
      %dma_wait3A_92 = arith.constant 0 : i32
      %dma_wait3A_93 = tpu.memref_slice %arg2[%add3A_24, %dma_wait3A_92] : memref<2048x128xf32, #tpu.memory_space<hbm>> -> memref<32x128xf32, #tpu.memory_space<hbm>>
      tpu.wait_dma2 semaphore(%run_scoped3A : memref<!tpu.dma_semaphore, #tpu.memory_space<semaphore_mem>>) src(%dma_wait3A_93 : memref<32x128xf32, #tpu.memory_space<hbm>>) dst(%arg7 : memref<32x128xf32, #tpu.memory_space<vmem>>)
      tpu.yield
    }) : () -> ()
    %dma_start3A = arith.constant 0 : i32
    %dma_start3A_45 = arith.constant 0 : i32
    %dma_start3A_46 = tpu.memref_slice %arg5[%dma_start3A, %dma_start3A_45] : memref<4096x128xf32, #tpu.memory_space<hbm>> -> memref<4096x128xf32, #tpu.memory_space<hbm>>
    tpu.enqueue_indirect_dma source(%arg7 : memref<32x128xf32, #tpu.memory_space<vmem>>) target(%dma_start3A_46 : memref<4096x128xf32, #tpu.memory_space<hbm>>) offsets(%arg8 : memref<32xi32, #tpu.memory_space<vmem>>) semaphore(%arg9 : memref<!tpu.dma_semaphore, #tpu.memory_space<semaphore_mem>>)
    %dma_wait3A = arith.constant 0 : i32
    %dma_wait3A_47 = arith.constant 0 : i32
    %dma_wait3A_48 = tpu.memref_slice %arg5[%dma_wait3A, %dma_wait3A_47] : memref<4096x128xf32, #tpu.memory_space<hbm>> -> memref<4096x128xf32, #tpu.memory_space<hbm>>
    tpu.wait_indirect_dma semaphore(%arg9 : memref<!tpu.dma_semaphore, #tpu.memory_space<semaphore_mem>>) src(%arg7 : memref<32x128xf32, #tpu.memory_space<vmem>>) dst(%dma_wait3A_48 : memref<4096x128xf32, #tpu.memory_space<hbm>>)
    %mul3A_49 = arith.constant 2 : i32
    %mul3A_50 = arith.muli %arg0, %mul3A_49 : i32
    %add3A_51 = arith.constant 1 : i32
    %add3A_52 = arith.addi %mul3A_50, %add3A_51 : i32
    %mul3A_53 = arith.constant 512 : i32
    %mul3A_54 = arith.muli %add3A_52, %mul3A_53 : i32
    %mul3A_55 = arith.constant 32 : i32
    %mul3A_56 = arith.muli %arg1, %mul3A_55 : i32
    %add3A_57 = arith.addi %mul3A_54, %mul3A_56 : i32
    "tpu.region"() ({
      %run_scoped3A = tpu.sem_alloc : memref<!tpu.dma_semaphore, #tpu.memory_space<semaphore_mem>>
      %dma_start3A_86 = tpu.memref_slice %arg3[%add3A_57] : memref<2048xi32, #tpu.memory_space<hbm>> -> memref<32xi32, #tpu.memory_space<hbm>>
      %dma_start3A_87 = tpu.memref_slice %arg3[%add3A_57] : memref<2048xi32, #tpu.memory_space<hbm>> -> memref<32xi32, #tpu.memory_space<hbm>>
      tpu.enqueue_dma source(%dma_start3A_87 : memref<32xi32, #tpu.memory_space<hbm>>) target(%arg8 : memref<32xi32, #tpu.memory_space<vmem>>) target_semaphore(%run_scoped3A : memref<!tpu.dma_semaphore, #tpu.memory_space<semaphore_mem>>)
      %dma_wait3A_88 = tpu.memref_slice %arg3[%add3A_57] : memref<2048xi32, #tpu.memory_space<hbm>> -> memref<32xi32, #tpu.memory_space<hbm>>
      %dma_wait3A_89 = tpu.memref_slice %arg3[%add3A_57] : memref<2048xi32, #tpu.memory_space<hbm>> -> memref<32xi32, #tpu.memory_space<hbm>>
      tpu.wait_dma2 semaphore(%run_scoped3A : memref<!tpu.dma_semaphore, #tpu.memory_space<semaphore_mem>>) src(%dma_wait3A_89 : memref<32xi32, #tpu.memory_space<hbm>>) dst(%arg8 : memref<32xi32, #tpu.memory_space<vmem>>)
      tpu.yield
    }) : () -> ()
    %get3A_58 = arith.constant 0 : index
    %get3A_59 = tpu.vector_load %arg8[%get3A_58] {strides = array<i32>} : memref<32xi32, #tpu.memory_space<vmem>>, vector<16xi32>,
    %get3A_60 = vector.shape_cast %get3A_59 : vector<16xi32> to vector<16xi32>
    %mul3A_61 = arith.constant 1024 : i32
    %mul3A_62 = arith.muli %add3A_52, %mul3A_61 : i32
    %add3A_63 = vector.broadcast %mul3A_62 : i32 to vector<16xi32>
    %add3A_64 = arith.addi %get3A_60, %add3A_63 : vector<16xi32>
    %swap3A_65 = arith.constant 0 : index
    %swap3A_66 = tpu.vector_load %arg8[%swap3A_65] {strides = array<i32>} : memref<32xi32, #tpu.memory_space<vmem>>, vector<16xi32>,
    %swap3A_67 = vector.shape_cast %swap3A_66 : vector<16xi32> to vector<16xi32>
    %swap3A_68 = vector.shape_cast %add3A_64 : vector<16xi32> to vector<16xi32>
    tpu.vector_store %arg8[%swap3A_65], %swap3A_68 {strides = array<i32>} : memref<32xi32, #tpu.memory_space<vmem>>, vector<16xi32>,
    %get3A_69 = arith.constant 16 : index
    %get3A_70 = tpu.vector_load %arg8[%get3A_69] {strides = array<i32>} : memref<32xi32, #tpu.memory_space<vmem>>, vector<16xi32>,
    %get3A_71 = vector.shape_cast %get3A_70 : vector<16xi32> to vector<16xi32>
    %mul3A_72 = arith.constant 1024 : i32
    %mul3A_73 = arith.muli %add3A_52, %mul3A_72 : i32
    %add3A_74 = vector.broadcast %mul3A_73 : i32 to vector<16xi32>
    %add3A_75 = arith.addi %get3A_71, %add3A_74 : vector<16xi32>
    %swap3A_76 = arith.constant 16 : index
    %swap3A_77 = tpu.vector_load %arg8[%swap3A_76] {strides = array<i32>} : memref<32xi32, #tpu.memory_space<vmem>>, vector<16xi32>,
    %swap3A_78 = vector.shape_cast %swap3A_77 : vector<16xi32> to vector<16xi32>
    %swap3A_79 = vector.shape_cast %add3A_75 : vector<16xi32> to vector<16xi32>
    tpu.vector_store %arg8[%swap3A_76], %swap3A_79 {strides = array<i32>} : memref<32xi32, #tpu.memory_space<vmem>>, vector<16xi32>,
    "tpu.region"() ({
      %run_scoped3A = tpu.sem_alloc : memref<!tpu.dma_semaphore, #tpu.memory_space<semaphore_mem>>
      %dma_start3A_86 = arith.constant 0 : i32
      %dma_start3A_87 = tpu.memref_slice %arg2[%add3A_57, %dma_start3A_86] : memref<2048x128xf32, #tpu.memory_space<hbm>> -> memref<32x128xf32, #tpu.memory_space<hbm>>
      %dma_start3A_88 = arith.constant 0 : i32
      %dma_start3A_89 = tpu.memref_slice %arg2[%add3A_57, %dma_start3A_88] : memref<2048x128xf32, #tpu.memory_space<hbm>> -> memref<32x128xf32, #tpu.memory_space<hbm>>
      tpu.enqueue_dma source(%dma_start3A_89 : memref<32x128xf32, #tpu.memory_space<hbm>>) target(%arg7 : memref<32x128xf32, #tpu.memory_space<vmem>>) target_semaphore(%run_scoped3A : memref<!tpu.dma_semaphore, #tpu.memory_space<semaphore_mem>>)
      %dma_wait3A_90 = arith.constant 0 : i32
      %dma_wait3A_91 = tpu.memref_slice %arg2[%add3A_57, %dma_wait3A_90] : memref<2048x128xf32, #tpu.memory_space<hbm>> -> memref<32x128xf32, #tpu.memory_space<hbm>>
      %dma_wait3A_92 = arith.constant 0 : i32
      %dma_wait3A_93 = tpu.memref_slice %arg2[%add3A_57, %dma_wait3A_92] : memref<2048x128xf32, #tpu.memory_space<hbm>> -> memref<32x128xf32, #tpu.memory_space<hbm>>
      tpu.wait_dma2 semaphore(%run_scoped3A : memref<!tpu.dma_semaphore, #tpu.memory_space<semaphore_mem>>) src(%dma_wait3A_93 : memref<32x128xf32, #tpu.memory_space<hbm>>) dst(%arg7 : memref<32x128xf32, #tpu.memory_space<vmem>>)
      tpu.yield
    }) : () -> ()
    %dma_start3A_80 = arith.constant 0 : i32
    %dma_start3A_81 = arith.constant 0 : i32
    %dma_start3A_82 = tpu.memref_slice %arg5[%dma_start3A_80, %dma_start3A_81] : memref<4096x128xf32, #tpu.memory_space<hbm>> -> memref<4096x128xf32, #tpu.memory_space<hbm>>
    tpu.enqueue_indirect_dma source(%arg7 : memref<32x128xf32, #tpu.memory_space<vmem>>) target(%dma_start3A_82 : memref<4096x128xf32, #tpu.memory_space<hbm>>) offsets(%arg8 : memref<32xi32, #tpu.memory_space<vmem>>) semaphore(%arg9 : memref<!tpu.dma_semaphore, #tpu.memory_space<semaphore_mem>>)
    %dma_wait3A_83 = arith.constant 0 : i32
    %dma_wait3A_84 = arith.constant 0 : i32
    %dma_wait3A_85 = tpu.memref_slice %arg5[%dma_wait3A_83, %dma_wait3A_84] : memref<4096x128xf32, #tpu.memory_space<hbm>> -> memref<4096x128xf32, #tpu.memory_space<hbm>>
    tpu.wait_indirect_dma semaphore(%arg9 : memref<!tpu.dma_semaphore, #tpu.memory_space<semaphore_mem>>) src(%arg7 : memref<32x128xf32, #tpu.memory_space<vmem>>) dst(%dma_wait3A_85 : memref<4096x128xf32, #tpu.memory_space<hbm>>)
    return
  }
}

#map = affine_map<(d0, d1) -> (0, 0)>
#map1 = affine_map<(d0, d1) -> (0)>
module attributes {stable_mosaic.version = 14 : i64} {
  func.func @k(%arg0: i32, %arg1: i32, %arg2: memref<4096x1024xf32, #tpu.memory_space<hbm>>, %arg3: memref<4096x128xf32, #tpu.memory_space<hbm>>, %arg4: memref<2048xi32, #tpu.memory_space<hbm>>, %arg5: memref<512x512xf32, #tpu.memory_space<hbm>>, %arg6: memref<64x512xf32, #tpu.memory_space<hbm>>, %arg7: memref<2048x1024xf32, #tpu.memory_space<hbm>>, %arg8: memref<2048x128xf32, #tpu.memory_space<hbm>>, %arg9: memref<4096x512xf32, #tpu.memory_space<hbm>>, %arg10: memref<64xi32, #tpu.memory_space<vmem>>, %arg11: memref<64x1024xf32, #tpu.memory_space<vmem>>, %arg12: memref<64x128xf32, #tpu.memory_space<vmem>>, %arg13: memref<64x512xf32, #tpu.memory_space<vmem>>, %arg14: memref<!tpu.dma_semaphore, #tpu.memory_space<semaphore_mem>>, %arg15: memref<!tpu.dma_semaphore, #tpu.memory_space<semaphore_mem>>, %arg16: memref<!tpu.dma_semaphore, #tpu.memory_space<semaphore_mem>>) attributes {dimension_semantics = [#tpu.dimension_semantics<core_parallel>, #tpu.dimension_semantics<subcore_parallel>], iteration_bounds = array<i64: 2, 16>, scalar_prefetch = 0 : i64, scratch_operands = 7 : i64, tpu.core_type = #tpu.core_type<sc_vector_subcore>, window_params = [{transform_indices = #map}, {transform_indices = #map}, {transform_indices = #map1}, {transform_indices = #map}, {transform_indices = #map}, {transform_indices = #map}, {transform_indices = #map}, {transform_indices = #map}]} {
    %mul3A = arith.constant 16 : i32
    %mul3A_0 = arith.muli %arg0, %mul3A : i32
    %add3A = arith.addi %mul3A_0, %arg1 : i32
    %jit3A = arith.constant 8 : i32
    %div3A = arith.divsi %add3A, %jit3A : i32
    %sign3A = arith.constant 0 : i32
    %sign3A_1 = arith.cmpi sgt, %add3A, %sign3A : i32
    %sign3A_2 = arith.extui %sign3A_1 : i1 to i32
    %sign3A_3 = arith.constant 0 : i32
    %sign3A_4 = arith.cmpi slt, %add3A, %sign3A_3 : i32
    %sign3A_5 = arith.extui %sign3A_4 : i1 to i32
    %sign3A_6 = arith.subi %sign3A_2, %sign3A_5 : i32
    %sign3A_7 = arith.constant 0 : i32
    %sign3A_8 = arith.cmpi sgt, %jit3A, %sign3A_7 : i32
    %sign3A_9 = arith.extui %sign3A_8 : i1 to i32
    %sign3A_10 = arith.constant 0 : i32
    %sign3A_11 = arith.cmpi slt, %jit3A, %sign3A_10 : i32
    %sign3A_12 = arith.extui %sign3A_11 : i1 to i32
    %sign3A_13 = arith.subi %sign3A_9, %sign3A_12 : i32
    %ne3A = arith.cmpi ne, %sign3A_6, %sign3A_13 : i32
    %rem3A = arith.remsi %add3A, %jit3A : i32
    %ne3A_14 = arith.constant 0 : i32
    %ne3A_15 = arith.cmpi ne, %rem3A, %ne3A_14 : i32
    %and3A = arith.andi %ne3A, %ne3A_15 : i1
    %sub3A = arith.constant 1 : i32
    %sub3A_16 = arith.subi %div3A, %sub3A : i32
    %select_n3A = arith.select %and3A, %sub3A_16, %div3A : i32
    %mul3A_17 = arith.constant 64 : i32
    %mul3A_18 = arith.muli %add3A, %mul3A_17 : i32
    "tpu.region"() ({
      %run_scoped3A = tpu.sem_alloc : memref<!tpu.dma_semaphore, #tpu.memory_space<semaphore_mem>>
      %dma_start3A_103 = tpu.memref_slice %arg4[%mul3A_18] : memref<2048xi32, #tpu.memory_space<hbm>> -> memref<64xi32, #tpu.memory_space<hbm>>
      %dma_start3A_104 = tpu.memref_slice %arg4[%mul3A_18] : memref<2048xi32, #tpu.memory_space<hbm>> -> memref<64xi32, #tpu.memory_space<hbm>>
      tpu.enqueue_dma source(%dma_start3A_104 : memref<64xi32, #tpu.memory_space<hbm>>) target(%arg10 : memref<64xi32, #tpu.memory_space<vmem>>) target_semaphore(%run_scoped3A : memref<!tpu.dma_semaphore, #tpu.memory_space<semaphore_mem>>)
      %dma_wait3A_105 = tpu.memref_slice %arg4[%mul3A_18] : memref<2048xi32, #tpu.memory_space<hbm>> -> memref<64xi32, #tpu.memory_space<hbm>>
      %dma_wait3A_106 = tpu.memref_slice %arg4[%mul3A_18] : memref<2048xi32, #tpu.memory_space<hbm>> -> memref<64xi32, #tpu.memory_space<hbm>>
      tpu.wait_dma2 semaphore(%run_scoped3A : memref<!tpu.dma_semaphore, #tpu.memory_space<semaphore_mem>>) src(%dma_wait3A_106 : memref<64xi32, #tpu.memory_space<hbm>>) dst(%arg10 : memref<64xi32, #tpu.memory_space<vmem>>)
      tpu.yield
    }) : () -> ()
    %get3A = arith.constant 0 : index
    %get3A_19 = tpu.vector_load %arg10[%get3A] {strides = array<i32>} : memref<64xi32, #tpu.memory_space<vmem>>, vector<16xi32>,
    %get3A_20 = vector.shape_cast %get3A_19 : vector<16xi32> to vector<16xi32>
    %mul3A_21 = arith.constant 1024 : i32
    %mul3A_22 = arith.muli %select_n3A, %mul3A_21 : i32
    %add3A_23 = vector.broadcast %mul3A_22 : i32 to vector<16xi32>
    %add3A_24 = arith.addi %get3A_20, %add3A_23 : vector<16xi32>
    %swap3A = arith.constant 0 : index
    %swap3A_25 = tpu.vector_load %arg10[%swap3A] {strides = array<i32>} : memref<64xi32, #tpu.memory_space<vmem>>, vector<16xi32>,
    %swap3A_26 = vector.shape_cast %swap3A_25 : vector<16xi32> to vector<16xi32>
    %swap3A_27 = vector.shape_cast %add3A_24 : vector<16xi32> to vector<16xi32>
    tpu.vector_store %arg10[%swap3A], %swap3A_27 {strides = array<i32>} : memref<64xi32, #tpu.memory_space<vmem>>, vector<16xi32>,
    %get3A_28 = arith.constant 16 : index
    %get3A_29 = tpu.vector_load %arg10[%get3A_28] {strides = array<i32>} : memref<64xi32, #tpu.memory_space<vmem>>, vector<16xi32>,
    %get3A_30 = vector.shape_cast %get3A_29 : vector<16xi32> to vector<16xi32>
    %mul3A_31 = arith.constant 1024 : i32
    %mul3A_32 = arith.muli %select_n3A, %mul3A_31 : i32
    %add3A_33 = vector.broadcast %mul3A_32 : i32 to vector<16xi32>
    %add3A_34 = arith.addi %get3A_30, %add3A_33 : vector<16xi32>
    %swap3A_35 = arith.constant 16 : index
    %swap3A_36 = tpu.vector_load %arg10[%swap3A_35] {strides = array<i32>} : memref<64xi32, #tpu.memory_space<vmem>>, vector<16xi32>,
    %swap3A_37 = vector.shape_cast %swap3A_36 : vector<16xi32> to vector<16xi32>
    %swap3A_38 = vector.shape_cast %add3A_34 : vector<16xi32> to vector<16xi32>
    tpu.vector_store %arg10[%swap3A_35], %swap3A_38 {strides = array<i32>} : memref<64xi32, #tpu.memory_space<vmem>>, vector<16xi32>,
    %get3A_39 = arith.constant 32 : index
    %get3A_40 = tpu.vector_load %arg10[%get3A_39] {strides = array<i32>} : memref<64xi32, #tpu.memory_space<vmem>>, vector<16xi32>,
    %get3A_41 = vector.shape_cast %get3A_40 : vector<16xi32> to vector<16xi32>
    %mul3A_42 = arith.constant 1024 : i32
    %mul3A_43 = arith.muli %select_n3A, %mul3A_42 : i32
    %add3A_44 = vector.broadcast %mul3A_43 : i32 to vector<16xi32>
    %add3A_45 = arith.addi %get3A_41, %add3A_44 : vector<16xi32>
    %swap3A_46 = arith.constant 32 : index
    %swap3A_47 = tpu.vector_load %arg10[%swap3A_46] {strides = array<i32>} : memref<64xi32, #tpu.memory_space<vmem>>, vector<16xi32>,
    %swap3A_48 = vector.shape_cast %swap3A_47 : vector<16xi32> to vector<16xi32>
    %swap3A_49 = vector.shape_cast %add3A_45 : vector<16xi32> to vector<16xi32>
    tpu.vector_store %arg10[%swap3A_46], %swap3A_49 {strides = array<i32>} : memref<64xi32, #tpu.memory_space<vmem>>, vector<16xi32>,
    %get3A_50 = arith.constant 48 : index
    %get3A_51 = tpu.vector_load %arg10[%get3A_50] {strides = array<i32>} : memref<64xi32, #tpu.memory_space<vmem>>, vector<16xi32>,
    %get3A_52 = vector.shape_cast %get3A_51 : vector<16xi32> to vector<16xi32>
    %mul3A_53 = arith.constant 1024 : i32
    %mul3A_54 = arith.muli %select_n3A, %mul3A_53 : i32
    %add3A_55 = vector.broadcast %mul3A_54 : i32 to vector<16xi32>
    %add3A_56 = arith.addi %get3A_52, %add3A_55 : vector<16xi32>
    %swap3A_57 = arith.constant 48 : index
    %swap3A_58 = tpu.vector_load %arg10[%swap3A_57] {strides = array<i32>} : memref<64xi32, #tpu.memory_space<vmem>>, vector<16xi32>,
    %swap3A_59 = vector.shape_cast %swap3A_58 : vector<16xi32> to vector<16xi32>
    %swap3A_60 = vector.shape_cast %add3A_56 : vector<16xi32> to vector<16xi32>
    tpu.vector_store %arg10[%swap3A_57], %swap3A_60 {strides = array<i32>} : memref<64xi32, #tpu.memory_space<vmem>>, vector<16xi32>,
    %dma_start3A = arith.constant 0 : i32
    %dma_start3A_61 = arith.constant 0 : i32
    %dma_start3A_62 = tpu.memref_slice %arg2[%dma_start3A, %dma_start3A_61] : memref<4096x1024xf32, #tpu.memory_space<hbm>> -> memref<4096x1024xf32, #tpu.memory_space<hbm>>
    tpu.enqueue_indirect_dma source(%dma_start3A_62 : memref<4096x1024xf32, #tpu.memory_space<hbm>>) target(%arg11 : memref<64x1024xf32, #tpu.memory_space<vmem>>) offsets(%arg10 : memref<64xi32, #tpu.memory_space<vmem>>) semaphore(%arg14 : memref<!tpu.dma_semaphore, #tpu.memory_space<semaphore_mem>>)
    %dma_start3A_63 = arith.constant 0 : i32
    %dma_start3A_64 = arith.constant 0 : i32
    %dma_start3A_65 = tpu.memref_slice %arg3[%dma_start3A_63, %dma_start3A_64] : memref<4096x128xf32, #tpu.memory_space<hbm>> -> memref<4096x128xf32, #tpu.memory_space<hbm>>
    tpu.enqueue_indirect_dma source(%dma_start3A_65 : memref<4096x128xf32, #tpu.memory_space<hbm>>) target(%arg12 : memref<64x128xf32, #tpu.memory_space<vmem>>) offsets(%arg10 : memref<64xi32, #tpu.memory_space<vmem>>) semaphore(%arg15 : memref<!tpu.dma_semaphore, #tpu.memory_space<semaphore_mem>>)
    "tpu.region"() ({
      %run_scoped3A = tpu.sem_alloc : memref<!tpu.dma_semaphore, #tpu.memory_space<semaphore_mem>>
      tpu.enqueue_dma source(%arg6 : memref<64x512xf32, #tpu.memory_space<hbm>>) target(%arg13 : memref<64x512xf32, #tpu.memory_space<vmem>>) target_semaphore(%run_scoped3A : memref<!tpu.dma_semaphore, #tpu.memory_space<semaphore_mem>>)
      tpu.wait_dma2 semaphore(%run_scoped3A : memref<!tpu.dma_semaphore, #tpu.memory_space<semaphore_mem>>) src(%arg6 : memref<64x512xf32, #tpu.memory_space<hbm>>) dst(%arg13 : memref<64x512xf32, #tpu.memory_space<vmem>>)
      tpu.yield
    }) : () -> ()
    %mul3A_66 = arith.constant 128 : i32
    %mul3A_67 = arith.muli %add3A, %mul3A_66 : i32
    "tpu.region"() ({
      %run_scoped3A = tpu.sem_alloc : memref<!tpu.dma_semaphore, #tpu.memory_space<semaphore_mem>>
      %dma_start3A_103 = arith.constant 0 : i32
      %dma_start3A_104 = tpu.memref_slice %arg9[%mul3A_67, %dma_start3A_103] : memref<4096x512xf32, #tpu.memory_space<hbm>> -> memref<64x512xf32, #tpu.memory_space<hbm>>
      %dma_start3A_105 = arith.constant 0 : i32
      %dma_start3A_106 = tpu.memref_slice %arg9[%mul3A_67, %dma_start3A_105] : memref<4096x512xf32, #tpu.memory_space<hbm>> -> memref<64x512xf32, #tpu.memory_space<hbm>>
      tpu.enqueue_dma source(%arg13 : memref<64x512xf32, #tpu.memory_space<vmem>>) target(%dma_start3A_106 : memref<64x512xf32, #tpu.memory_space<hbm>>) target_semaphore(%run_scoped3A : memref<!tpu.dma_semaphore, #tpu.memory_space<semaphore_mem>>)
      %dma_wait3A_107 = arith.constant 0 : i32
      %dma_wait3A_108 = tpu.memref_slice %arg9[%mul3A_67, %dma_wait3A_107] : memref<4096x512xf32, #tpu.memory_space<hbm>> -> memref<64x512xf32, #tpu.memory_space<hbm>>
      %dma_wait3A_109 = arith.constant 0 : i32
      %dma_wait3A_110 = tpu.memref_slice %arg9[%mul3A_67, %dma_wait3A_109] : memref<4096x512xf32, #tpu.memory_space<hbm>> -> memref<64x512xf32, #tpu.memory_space<hbm>>
      tpu.wait_dma2 semaphore(%run_scoped3A : memref<!tpu.dma_semaphore, #tpu.memory_space<semaphore_mem>>) src(%arg13 : memref<64x512xf32, #tpu.memory_space<vmem>>) dst(%dma_wait3A_110 : memref<64x512xf32, #tpu.memory_space<hbm>>)
      tpu.yield
    }) : () -> ()
    %mul3A_68 = arith.constant 128 : i32
    %mul3A_69 = arith.muli %add3A, %mul3A_68 : i32
    %add3A_70 = arith.constant 64 : i32
    %add3A_71 = arith.addi %mul3A_69, %add3A_70 : i32
    "tpu.region"() ({
      %run_scoped3A = tpu.sem_alloc : memref<!tpu.dma_semaphore, #tpu.memory_space<semaphore_mem>>
      %dma_start3A_103 = arith.constant 0 : i32
      %dma_start3A_104 = tpu.memref_slice %arg9[%add3A_71, %dma_start3A_103] : memref<4096x512xf32, #tpu.memory_space<hbm>> -> memref<64x512xf32, #tpu.memory_space<hbm>>
      %dma_start3A_105 = arith.constant 0 : i32
      %dma_start3A_106 = tpu.memref_slice %arg9[%add3A_71, %dma_start3A_105] : memref<4096x512xf32, #tpu.memory_space<hbm>> -> memref<64x512xf32, #tpu.memory_space<hbm>>
      tpu.enqueue_dma source(%arg13 : memref<64x512xf32, #tpu.memory_space<vmem>>) target(%dma_start3A_106 : memref<64x512xf32, #tpu.memory_space<hbm>>) target_semaphore(%run_scoped3A : memref<!tpu.dma_semaphore, #tpu.memory_space<semaphore_mem>>)
      %dma_wait3A_107 = arith.constant 0 : i32
      %dma_wait3A_108 = tpu.memref_slice %arg9[%add3A_71, %dma_wait3A_107] : memref<4096x512xf32, #tpu.memory_space<hbm>> -> memref<64x512xf32, #tpu.memory_space<hbm>>
      %dma_wait3A_109 = arith.constant 0 : i32
      %dma_wait3A_110 = tpu.memref_slice %arg9[%add3A_71, %dma_wait3A_109] : memref<4096x512xf32, #tpu.memory_space<hbm>> -> memref<64x512xf32, #tpu.memory_space<hbm>>
      tpu.wait_dma2 semaphore(%run_scoped3A : memref<!tpu.dma_semaphore, #tpu.memory_space<semaphore_mem>>) src(%arg13 : memref<64x512xf32, #tpu.memory_space<vmem>>) dst(%dma_wait3A_110 : memref<64x512xf32, #tpu.memory_space<hbm>>)
      tpu.yield
    }) : () -> ()
    %dma_wait3A = arith.constant 0 : i32
    %dma_wait3A_72 = arith.constant 0 : i32
    %dma_wait3A_73 = tpu.memref_slice %arg2[%dma_wait3A, %dma_wait3A_72] : memref<4096x1024xf32, #tpu.memory_space<hbm>> -> memref<4096x1024xf32, #tpu.memory_space<hbm>>
    tpu.wait_indirect_dma semaphore(%arg14 : memref<!tpu.dma_semaphore, #tpu.memory_space<semaphore_mem>>) src(%dma_wait3A_73 : memref<4096x1024xf32, #tpu.memory_space<hbm>>) dst(%arg11 : memref<64x1024xf32, #tpu.memory_space<vmem>>)
    %dma_wait3A_74 = arith.constant 0 : i32
    %dma_wait3A_75 = arith.constant 0 : i32
    %dma_wait3A_76 = tpu.memref_slice %arg3[%dma_wait3A_74, %dma_wait3A_75] : memref<4096x128xf32, #tpu.memory_space<hbm>> -> memref<4096x128xf32, #tpu.memory_space<hbm>>
    tpu.wait_indirect_dma semaphore(%arg15 : memref<!tpu.dma_semaphore, #tpu.memory_space<semaphore_mem>>) src(%dma_wait3A_76 : memref<4096x128xf32, #tpu.memory_space<hbm>>) dst(%arg12 : memref<64x128xf32, #tpu.memory_space<vmem>>)
    %mul3A_77 = arith.constant 64 : i32
    %mul3A_78 = arith.muli %add3A, %mul3A_77 : i32
    "tpu.region"() ({
      %run_scoped3A = tpu.sem_alloc : memref<!tpu.dma_semaphore, #tpu.memory_space<semaphore_mem>>
      %dma_start3A_103 = arith.constant 0 : i32
      %dma_start3A_104 = tpu.memref_slice %arg7[%mul3A_78, %dma_start3A_103] : memref<2048x1024xf32, #tpu.memory_space<hbm>> -> memref<64x1024xf32, #tpu.memory_space<hbm>>
      %dma_start3A_105 = arith.constant 0 : i32
      %dma_start3A_106 = tpu.memref_slice %arg7[%mul3A_78, %dma_start3A_105] : memref<2048x1024xf32, #tpu.memory_space<hbm>> -> memref<64x1024xf32, #tpu.memory_space<hbm>>
      tpu.enqueue_dma source(%arg11 : memref<64x1024xf32, #tpu.memory_space<vmem>>) target(%dma_start3A_106 : memref<64x1024xf32, #tpu.memory_space<hbm>>) target_semaphore(%run_scoped3A : memref<!tpu.dma_semaphore, #tpu.memory_space<semaphore_mem>>)
      %dma_wait3A_107 = arith.constant 0 : i32
      %dma_wait3A_108 = tpu.memref_slice %arg7[%mul3A_78, %dma_wait3A_107] : memref<2048x1024xf32, #tpu.memory_space<hbm>> -> memref<64x1024xf32, #tpu.memory_space<hbm>>
      %dma_wait3A_109 = arith.constant 0 : i32
      %dma_wait3A_110 = tpu.memref_slice %arg7[%mul3A_78, %dma_wait3A_109] : memref<2048x1024xf32, #tpu.memory_space<hbm>> -> memref<64x1024xf32, #tpu.memory_space<hbm>>
      tpu.wait_dma2 semaphore(%run_scoped3A : memref<!tpu.dma_semaphore, #tpu.memory_space<semaphore_mem>>) src(%arg11 : memref<64x1024xf32, #tpu.memory_space<vmem>>) dst(%dma_wait3A_110 : memref<64x1024xf32, #tpu.memory_space<hbm>>)
      tpu.yield
    }) : () -> ()
    %mul3A_79 = arith.constant 64 : i32
    %mul3A_80 = arith.muli %add3A, %mul3A_79 : i32
    "tpu.region"() ({
      %run_scoped3A = tpu.sem_alloc : memref<!tpu.dma_semaphore, #tpu.memory_space<semaphore_mem>>
      %dma_start3A_103 = arith.constant 0 : i32
      %dma_start3A_104 = tpu.memref_slice %arg8[%mul3A_80, %dma_start3A_103] : memref<2048x128xf32, #tpu.memory_space<hbm>> -> memref<64x128xf32, #tpu.memory_space<hbm>>
      %dma_start3A_105 = arith.constant 0 : i32
      %dma_start3A_106 = tpu.memref_slice %arg8[%mul3A_80, %dma_start3A_105] : memref<2048x128xf32, #tpu.memory_space<hbm>> -> memref<64x128xf32, #tpu.memory_space<hbm>>
      tpu.enqueue_dma source(%arg12 : memref<64x128xf32, #tpu.memory_space<vmem>>) target(%dma_start3A_106 : memref<64x128xf32, #tpu.memory_space<hbm>>) target_semaphore(%run_scoped3A : memref<!tpu.dma_semaphore, #tpu.memory_space<semaphore_mem>>)
      %dma_wait3A_107 = arith.constant 0 : i32
      %dma_wait3A_108 = tpu.memref_slice %arg8[%mul3A_80, %dma_wait3A_107] : memref<2048x128xf32, #tpu.memory_space<hbm>> -> memref<64x128xf32, #tpu.memory_space<hbm>>
      %dma_wait3A_109 = arith.constant 0 : i32
      %dma_wait3A_110 = tpu.memref_slice %arg8[%mul3A_80, %dma_wait3A_109] : memref<2048x128xf32, #tpu.memory_space<hbm>> -> memref<64x128xf32, #tpu.memory_space<hbm>>
      tpu.wait_dma2 semaphore(%run_scoped3A : memref<!tpu.dma_semaphore, #tpu.memory_space<semaphore_mem>>) src(%arg12 : memref<64x128xf32, #tpu.memory_space<vmem>>) dst(%dma_wait3A_110 : memref<64x128xf32, #tpu.memory_space<hbm>>)
      tpu.yield
    }) : () -> ()
    %barrier3A = arith.constant 0 : index
    tpu.barrier barrier_id(%barrier3A)
    %jit3A_81 = arith.constant 8 : i32
    %eq3A = arith.constant 0 : i32
    %eq3A_82 = arith.cmpi eq, %jit3A_81, %eq3A : i32
    %jit3A_83 = arith.constant 1 : i32
    %select_n3A_84 = arith.select %eq3A_82, %jit3A_83, %jit3A_81 : i32
    %rem3A_85 = arith.remsi %add3A, %select_n3A_84 : i32
    %ne3A_86 = arith.constant 0 : i32
    %ne3A_87 = arith.cmpi ne, %rem3A_85, %ne3A_86 : i32
    %lt3A = arith.constant 0 : i32
    %lt3A_88 = arith.cmpi slt, %rem3A_85, %lt3A : i32
    %lt3A_89 = arith.constant 0 : i32
    %lt3A_90 = arith.cmpi slt, %select_n3A_84, %lt3A_89 : i32
    %ne3A_91 = arith.xori %lt3A_88, %lt3A_90 : i1
    %and3A_92 = arith.andi %ne3A_91, %ne3A_87 : i1
    %add3A_93 = arith.addi %rem3A_85, %select_n3A_84 : i32
    %select_n3A_94 = arith.select %and3A_92, %add3A_93, %rem3A_85 : i32
    %mul3A_95 = arith.constant 64 : i32
    %mul3A_96 = arith.muli %select_n3A_94, %mul3A_95 : i32
    "tpu.region"() ({
      %run_scoped3A = tpu.sem_alloc : memref<!tpu.dma_semaphore, #tpu.memory_space<semaphore_mem>>
      %dma_start3A_103 = arith.constant 0 : i32
      %dma_start3A_104 = tpu.memref_slice %arg5[%mul3A_96, %dma_start3A_103] : memref<512x512xf32, #tpu.memory_space<hbm>> -> memref<64x512xf32, #tpu.memory_space<hbm>>
      %dma_start3A_105 = arith.constant 0 : i32
      %dma_start3A_106 = tpu.memref_slice %arg5[%mul3A_96, %dma_start3A_105] : memref<512x512xf32, #tpu.memory_space<hbm>> -> memref<64x512xf32, #tpu.memory_space<hbm>>
      tpu.enqueue_dma source(%dma_start3A_106 : memref<64x512xf32, #tpu.memory_space<hbm>>) target(%arg13 : memref<64x512xf32, #tpu.memory_space<vmem>>) target_semaphore(%run_scoped3A : memref<!tpu.dma_semaphore, #tpu.memory_space<semaphore_mem>>)
      %dma_wait3A_107 = arith.constant 0 : i32
      %dma_wait3A_108 = tpu.memref_slice %arg5[%mul3A_96, %dma_wait3A_107] : memref<512x512xf32, #tpu.memory_space<hbm>> -> memref<64x512xf32, #tpu.memory_space<hbm>>
      %dma_wait3A_109 = arith.constant 0 : i32
      %dma_wait3A_110 = tpu.memref_slice %arg5[%mul3A_96, %dma_wait3A_109] : memref<512x512xf32, #tpu.memory_space<hbm>> -> memref<64x512xf32, #tpu.memory_space<hbm>>
      tpu.wait_dma2 semaphore(%run_scoped3A : memref<!tpu.dma_semaphore, #tpu.memory_space<semaphore_mem>>) src(%dma_wait3A_110 : memref<64x512xf32, #tpu.memory_space<hbm>>) dst(%arg13 : memref<64x512xf32, #tpu.memory_space<vmem>>)
      tpu.yield
    }) : () -> ()
    %dma_start3A_97 = arith.constant 0 : i32
    %dma_start3A_98 = arith.constant 0 : i32
    %dma_start3A_99 = tpu.memref_slice %arg9[%dma_start3A_97, %dma_start3A_98] : memref<4096x512xf32, #tpu.memory_space<hbm>> -> memref<4096x512xf32, #tpu.memory_space<hbm>>
    tpu.enqueue_indirect_dma source(%arg13 : memref<64x512xf32, #tpu.memory_space<vmem>>) target(%dma_start3A_99 : memref<4096x512xf32, #tpu.memory_space<hbm>>) offsets(%arg10 : memref<64xi32, #tpu.memory_space<vmem>>) semaphore(%arg16 : memref<!tpu.dma_semaphore, #tpu.memory_space<semaphore_mem>>)
    %dma_wait3A_100 = arith.constant 0 : i32
    %dma_wait3A_101 = arith.constant 0 : i32
    %dma_wait3A_102 = tpu.memref_slice %arg9[%dma_wait3A_100, %dma_wait3A_101] : memref<4096x512xf32, #tpu.memory_space<hbm>> -> memref<4096x512xf32, #tpu.memory_space<hbm>>
    tpu.wait_indirect_dma semaphore(%arg16 : memref<!tpu.dma_semaphore, #tpu.memory_space<semaphore_mem>>) src(%arg13 : memref<64x512xf32, #tpu.memory_space<vmem>>) dst(%dma_wait3A_102 : memref<4096x512xf32, #tpu.memory_space<hbm>>)
    return
  }
}

module attributes {stable_mosaic.version = 14 : i64} {
  func.func @_enc_body(%arg0: i32, %arg1: memref<1x1024x128xf32, #tpu.memory_space<vmem>>, %arg2: memref<1x1024x1024xf32, #tpu.memory_space<vmem>>, %arg3: memref<128x512xf32, #tpu.memory_space<vmem>>, %arg4: memref<512x8xf32, #tpu.memory_space<vmem>>, %arg5: memref<512x512xf32, #tpu.memory_space<vmem>>, %arg6: memref<512x8xf32, #tpu.memory_space<vmem>>, %arg7: memref<1x128xf32, #tpu.memory_space<vmem>>, %arg8: memref<1x1024x1024xi8, #tpu.memory_space<vmem>>, %arg9: memref<1x1024x128xf32, #tpu.memory_space<vmem>>, %arg10: memref<1x1024x128xf32, #tpu.memory_space<vmem>>, %arg11: memref<1x1x1024xf32, #tpu.memory_space<vmem>>) attributes {dimension_semantics = [#tpu.dimension_semantics<arbitrary>], iteration_bounds = array<i64: 4>, scalar_prefetch = 0 : i64, scratch_operands = 0 : i64, tpu.core_type = #tpu.core_type<tc>, window_params = [{transform_indices = @transform_0, window_bounds = array<i64: 1, 1024, 128>}, {transform_indices = @transform_1, window_bounds = array<i64: 1, 1024, 1024>}, {pipeline_mode = #tpu.pipeline_mode<synchronous>, transform_indices = @transform_2, window_bounds = array<i64: 128, 512>}, {pipeline_mode = #tpu.pipeline_mode<synchronous>, transform_indices = @transform_3, window_bounds = array<i64: 512, 8>}, {pipeline_mode = #tpu.pipeline_mode<synchronous>, transform_indices = @transform_4, window_bounds = array<i64: 512, 512>}, {pipeline_mode = #tpu.pipeline_mode<synchronous>, transform_indices = @transform_5, window_bounds = array<i64: 512, 8>}, {pipeline_mode = #tpu.pipeline_mode<synchronous>, transform_indices = @transform_6, window_bounds = array<i64: 1, 128>}, {transform_indices = @transform_7, window_bounds = array<i64: 1, 1024, 1024>}, {transform_indices = @transform_8, window_bounds = array<i64: 1, 1024, 128>}, {transform_indices = @transform_9, window_bounds = array<i64: 1, 1024, 128>}, {transform_indices = @transform_10, window_bounds = array<i64: 1, 1, 1024>}]} {
    %get3A = arith.constant 0 : index
    %get3A_0 = arith.constant 0 : index
    %get3A_1 = arith.constant 0 : index
    %get3A_2 = vector.load %arg2[%get3A, %get3A_0, %get3A_1] : memref<1x1024x1024xf32, #tpu.memory_space<vmem>>, vector<1x1024x1024xf32>
    %get3A_3 = vector.shape_cast %get3A_2 : vector<1x1024x1024xf32> to vector<1024x1024xf32>
    %gt3A = arith.constant 0.000000e+00 : f32
    %gt3A_4 = vector.broadcast %gt3A : f32 to vector<1024x1024xf32>
    %gt3A_5 = arith.cmpf ogt, %get3A_3, %gt3A_4 : vector<1024x1024xf32>
    %iota3A = tpu.iota {dimensions = array<i32: 0>} : vector<1024x1024xi32>
    %iota3A_6 = tpu.iota {dimensions = array<i32: 1>} : vector<1024x1024xi32>
    %eq3A = arith.cmpi eq, %iota3A, %iota3A_6 : vector<1024x1024xi32>
    %or3A = arith.ori %gt3A_5, %eq3A : vector<1024x1024xi1>
    %convert_element_type3A = arith.extui %or3A : vector<1024x1024xi1> to vector<1024x1024xi8>
    %swap3A = arith.constant 0 : index
    %swap3A_7 = arith.constant 0 : index
    %swap3A_8 = arith.constant 0 : index
    %swap3A_9 = vector.load %arg8[%swap3A, %swap3A_7, %swap3A_8] : memref<1x1024x1024xi8, #tpu.memory_space<vmem>>, vector<1x1024x1024xi8>
    %swap3A_10 = vector.shape_cast %swap3A_9 : vector<1x1024x1024xi8> to vector<1024x1024xi8>
    %swap3A_11 = vector.shape_cast %convert_element_type3A : vector<1024x1024xi8> to vector<1x1024x1024xi8>
    tpu.vector_store %arg8[%swap3A, %swap3A_7, %swap3A_8], %swap3A_11 {strides = array<i32>} : memref<1x1024x1024xi8, #tpu.memory_space<vmem>>, vector<1x1024x1024xi8>,
    %convert_element_type3A_12 = arith.extui %or3A : vector<1024x1024xi1> to vector<1024x1024xi32>
    %convert_element_type3A_13 = arith.sitofp %convert_element_type3A_12 : vector<1024x1024xi32> to vector<1024x1024xf32>
    %get3A_14 = arith.constant 0 : index
    %get3A_15 = arith.constant 0 : index
    %get3A_16 = arith.constant 0 : index
    %get3A_17 = vector.load %arg1[%get3A_14, %get3A_15, %get3A_16] : memref<1x1024x128xf32, #tpu.memory_space<vmem>>, vector<1x1024x128xf32>
    %get3A_18 = vector.shape_cast %get3A_17 : vector<1x1024x128xf32> to vector<1024x128xf32>
    %get3A_19 = arith.constant 0 : index
    %get3A_20 = arith.constant 0 : index
    %get3A_21 = vector.load %arg3[%get3A_19, %get3A_20] : memref<128x512xf32, #tpu.memory_space<vmem>>, vector<128x512xf32>
    %dot_general3A = arith.constant dense<0.000000e+00> : vector<1024x512xf32>
    %dot_general3A_22 = tpu.matmul %get3A_18, %get3A_21, %dot_general3A {dimension_numbers = #tpu.dot_dimension_numbers<[1], [0], [0], [1], [0, 0, 1, 1], [], []>, transpose_lhs_hint = false} : vector<1024x128xf32>, vector<128x512xf32>, vector<1024x512xf32> -> vector<1024x512xf32>
    %get3A_23 = arith.constant 0 : index
    %get3A_24 = arith.constant 0 : index
    %get3A_25 = vector.load %arg4[%get3A_23, %get3A_24] : memref<512x8xf32, #tpu.memory_space<vmem>>, vector<512x8xf32>
    %dot_general3A_26 = arith.constant dense<0.000000e+00> : vector<8x1024xf32>
    %dot_general3A_27 = tpu.matmul %get3A_25, %dot_general3A_22, %dot_general3A_26 {dimension_numbers = #tpu.dot_dimension_numbers<[0], [1], [1], [0], [0, 1, 1, 0], [], []>, transpose_lhs_hint = false} : vector<512x8xf32>, vector<1024x512xf32>, vector<8x1024xf32> -> vector<8x1024xf32>
    %slice3A = vector.extract_strided_slice %dot_general3A_27 {offsets = [0, 0], sizes = [1, 1024], strides = [1, 1]} : vector<8x1024xf32> to vector<1x1024xf32>
    %squeeze3A = vector.shape_cast %slice3A : vector<1x1024xf32> to vector<1024xf32>
    %slice3A_28 = vector.extract_strided_slice %dot_general3A_27 {offsets = [4, 0], sizes = [1, 1024], strides = [1, 1]} : vector<8x1024xf32> to vector<1x1024xf32>
    %squeeze3A_29 = vector.shape_cast %slice3A_28 : vector<1x1024xf32> to vector<1024xf32>
    %reduce_max3A = vector.shape_cast %squeeze3A_29 : vector<1024xf32> to vector<1x1024xf32>
    %reduce_max3A_30 = arith.constant dense<0xFF800000> : vector<1xf32>
    %reduce_max3A_31 = vector.multi_reduction <maximumf>, %reduce_max3A, %reduce_max3A_30 [1] : vector<1x1024xf32> to vector<1xf32>
    %reduce_max3A_32 = vector.shape_cast %reduce_max3A_31 : vector<1xf32> to vector<1x1xf32>
    %reduce_max3A_33 = vector.extract %reduce_max3A_32[0, 0] : f32 from vector<1x1xf32>
    %add3A = vector.broadcast %reduce_max3A_33 : f32 to vector<1024xf32>
    %add3A_34 = arith.addf %squeeze3A, %add3A : vector<1024xf32>
    %mul3A = arith.constant 2.000000e-01 : f32
    %mul3A_35 = vector.broadcast %mul3A : f32 to vector<1024xf32>
    %mul3A_36 = arith.mulf %mul3A_35, %add3A_34 : vector<1024xf32>
    %max3A = arith.maximumf %add3A_34, %mul3A_36 : vector<1024xf32>
    %sub3A = arith.subf %squeeze3A, %max3A : vector<1024xf32>
    %broadcast_in_dim3A = vector.shape_cast %sub3A : vector<1024xf32> to vector<1024x1xf32>
    %broadcast_in_dim3A_37 = vector.shape_cast %squeeze3A_29 : vector<1024xf32> to vector<1x1024xf32>
    %add3A_38 = vector.broadcast %broadcast_in_dim3A : vector<1024x1xf32> to vector<1024x1024xf32>
    %add3A_39 = vector.broadcast %broadcast_in_dim3A_37 : vector<1x1024xf32> to vector<1024x1024xf32>
    %add3A_40 = arith.addf %add3A_38, %add3A_39 : vector<1024x1024xf32>
    %mul3A_41 = arith.constant 2.000000e-01 : f32
    %mul3A_42 = vector.broadcast %mul3A_41 : f32 to vector<1024xf32>
    %mul3A_43 = arith.mulf %mul3A_42, %squeeze3A : vector<1024xf32>
    %sub3A_44 = arith.subf %mul3A_43, %max3A : vector<1024xf32>
    %broadcast_in_dim3A_45 = vector.shape_cast %sub3A_44 : vector<1024xf32> to vector<1024x1xf32>
    %mul3A_46 = arith.constant 2.000000e-01 : f32
    %mul3A_47 = vector.broadcast %mul3A_46 : f32 to vector<1024xf32>
    %mul3A_48 = arith.mulf %mul3A_47, %squeeze3A_29 : vector<1024xf32>
    %broadcast_in_dim3A_49 = vector.shape_cast %mul3A_48 : vector<1024xf32> to vector<1x1024xf32>
    %add3A_50 = vector.broadcast %broadcast_in_dim3A_45 : vector<1024x1xf32> to vector<1024x1024xf32>
    %add3A_51 = vector.broadcast %broadcast_in_dim3A_49 : vector<1x1024xf32> to vector<1024x1024xf32>
    %add3A_52 = arith.addf %add3A_50, %add3A_51 : vector<1024x1024xf32>
    %max3A_53 = arith.maximumf %add3A_40, %add3A_52 : vector<1024x1024xf32>
    %exp3A = math.exp %max3A_53 : vector<1024x1024xf32>
    %mul3A_54 = arith.mulf %exp3A, %convert_element_type3A_13 : vector<1024x1024xf32>
    %slice3A_55 = vector.extract_strided_slice %dot_general3A_22 {offsets = [0, 0], sizes = [1024, 128], strides = [1, 1]} : vector<1024x512xf32> to vector<1024x128xf32>
    %broadcast_in_dim3A_56 = arith.constant 1.000000e+00 : f32
    %broadcast_in_dim3A_57 = vector.broadcast %broadcast_in_dim3A_56 : f32 to vector<1024x128xf32>
    %concatenate3A = tpu.concatenate %slice3A_55, %broadcast_in_dim3A_57 in 1 : vector<1024x128xf32>, vector<1024x128xf32> -> vector<1024x256xf32>
    %dot_general3A_58 = arith.constant dense<0.000000e+00> : vector<1024x256xf32>
    %dot_general3A_59 = tpu.matmul %mul3A_54, %concatenate3A, %dot_general3A_58 {dimension_numbers = #tpu.dot_dimension_numbers<[1], [0], [0], [1], [0, 0, 1, 1], [], []>, transpose_lhs_hint = false} : vector<1024x1024xf32>, vector<1024x256xf32>, vector<1024x256xf32> -> vector<1024x256xf32>
    %slice3A_60 = vector.extract_strided_slice %dot_general3A_59 {offsets = [0, 0], sizes = [1024, 128], strides = [1, 1]} : vector<1024x256xf32> to vector<1024x128xf32>
    %slice3A_61 = vector.extract_strided_slice %dot_general3A_59 {offsets = [0, 128], sizes = [1024, 1], strides = [1, 1]} : vector<1024x256xf32> to vector<1024x1xf32>
    %div3A = arith.constant 1.000000e+00 : f32
    %div3A_62 = vector.broadcast %div3A : f32 to vector<1024x1xf32>
    %div3A_63 = arith.divf %div3A_62, %slice3A_61 : vector<1024x1xf32>
    %mul3A_64 = vector.broadcast %div3A_63 : vector<1024x1xf32> to vector<1024x128xf32>
    %mul3A_65 = arith.mulf %slice3A_60, %mul3A_64 : vector<1024x128xf32>
    %slice3A_66 = vector.extract_strided_slice %dot_general3A_27 {offsets = [1, 0], sizes = [1, 1024], strides = [1, 1]} : vector<8x1024xf32> to vector<1x1024xf32>
    %squeeze3A_67 = vector.shape_cast %slice3A_66 : vector<1x1024xf32> to vector<1024xf32>
    %slice3A_68 = vector.extract_strided_slice %dot_general3A_27 {offsets = [5, 0], sizes = [1, 1024], strides = [1, 1]} : vector<8x1024xf32> to vector<1x1024xf32>
    %squeeze3A_69 = vector.shape_cast %slice3A_68 : vector<1x1024xf32> to vector<1024xf32>
    %reduce_max3A_70 = vector.shape_cast %squeeze3A_69 : vector<1024xf32> to vector<1x1024xf32>
    %reduce_max3A_71 = arith.constant dense<0xFF800000> : vector<1xf32>
    %reduce_max3A_72 = vector.multi_reduction <maximumf>, %reduce_max3A_70, %reduce_max3A_71 [1] : vector<1x1024xf32> to vector<1xf32>
    %reduce_max3A_73 = vector.shape_cast %reduce_max3A_72 : vector<1xf32> to vector<1x1xf32>
    %reduce_max3A_74 = vector.extract %reduce_max3A_73[0, 0] : f32 from vector<1x1xf32>
    %add3A_75 = vector.broadcast %reduce_max3A_74 : f32 to vector<1024xf32>
    %add3A_76 = arith.addf %squeeze3A_67, %add3A_75 : vector<1024xf32>
    %mul3A_77 = arith.constant 2.000000e-01 : f32
    %mul3A_78 = vector.broadcast %mul3A_77 : f32 to vector<1024xf32>
    %mul3A_79 = arith.mulf %mul3A_78, %add3A_76 : vector<1024xf32>
    %max3A_80 = arith.maximumf %add3A_76, %mul3A_79 : vector<1024xf32>
    %sub3A_81 = arith.subf %squeeze3A_67, %max3A_80 : vector<1024xf32>
    %broadcast_in_dim3A_82 = vector.shape_cast %sub3A_81 : vector<1024xf32> to vector<1024x1xf32>
    %broadcast_in_dim3A_83 = vector.shape_cast %squeeze3A_69 : vector<1024xf32> to vector<1x1024xf32>
    %add3A_84 = vector.broadcast %broadcast_in_dim3A_82 : vector<1024x1xf32> to vector<1024x1024xf32>
    %add3A_85 = vector.broadcast %broadcast_in_dim3A_83 : vector<1x1024xf32> to vector<1024x1024xf32>
    %add3A_86 = arith.addf %add3A_84, %add3A_85 : vector<1024x1024xf32>
    %mul3A_87 = arith.constant 2.000000e-01 : f32
    %mul3A_88 = vector.broadcast %mul3A_87 : f32 to vector<1024xf32>
    %mul3A_89 = arith.mulf %mul3A_88, %squeeze3A_67 : vector<1024xf32>
    %sub3A_90 = arith.subf %mul3A_89, %max3A_80 : vector<1024xf32>
    %broadcast_in_dim3A_91 = vector.shape_cast %sub3A_90 : vector<1024xf32> to vector<1024x1xf32>
    %mul3A_92 = arith.constant 2.000000e-01 : f32
    %mul3A_93 = vector.broadcast %mul3A_92 : f32 to vector<1024xf32>
    %mul3A_94 = arith.mulf %mul3A_93, %squeeze3A_69 : vector<1024xf32>
    %broadcast_in_dim3A_95 = vector.shape_cast %mul3A_94 : vector<1024xf32> to vector<1x1024xf32>
    %add3A_96 = vector.broadcast %broadcast_in_dim3A_91 : vector<1024x1xf32> to vector<1024x1024xf32>
    %add3A_97 = vector.broadcast %broadcast_in_dim3A_95 : vector<1x1024xf32> to vector<1024x1024xf32>
    %add3A_98 = arith.addf %add3A_96, %add3A_97 : vector<1024x1024xf32>
    %max3A_99 = arith.maximumf %add3A_86, %add3A_98 : vector<1024x1024xf32>
    %exp3A_100 = math.exp %max3A_99 : vector<1024x1024xf32>
    %mul3A_101 = arith.mulf %exp3A_100, %convert_element_type3A_13 : vector<1024x1024xf32>
    %slice3A_102 = vector.extract_strided_slice %dot_general3A_22 {offsets = [0, 128], sizes = [1024, 128], strides = [1, 1]} : vector<1024x512xf32> to vector<1024x128xf32>
    %broadcast_in_dim3A_103 = arith.constant 1.000000e+00 : f32
    %broadcast_in_dim3A_104 = vector.broadcast %broadcast_in_dim3A_103 : f32 to vector<1024x128xf32>
    %concatenate3A_105 = tpu.concatenate %slice3A_102, %broadcast_in_dim3A_104 in 1 : vector<1024x128xf32>, vector<1024x128xf32> -> vector<1024x256xf32>
    %dot_general3A_106 = arith.constant dense<0.000000e+00> : vector<1024x256xf32>
    %dot_general3A_107 = tpu.matmul %mul3A_101, %concatenate3A_105, %dot_general3A_106 {dimension_numbers = #tpu.dot_dimension_numbers<[1], [0], [0], [1], [0, 0, 1, 1], [], []>, transpose_lhs_hint = false} : vector<1024x1024xf32>, vector<1024x256xf32>, vector<1024x256xf32> -> vector<1024x256xf32>
    %slice3A_108 = vector.extract_strided_slice %dot_general3A_107 {offsets = [0, 0], sizes = [1024, 128], strides = [1, 1]} : vector<1024x256xf32> to vector<1024x128xf32>
    %slice3A_109 = vector.extract_strided_slice %dot_general3A_107 {offsets = [0, 128], sizes = [1024, 1], strides = [1, 1]} : vector<1024x256xf32> to vector<1024x1xf32>
    %div3A_110 = arith.constant 1.000000e+00 : f32
    %div3A_111 = vector.broadcast %div3A_110 : f32 to vector<1024x1xf32>
    %div3A_112 = arith.divf %div3A_111, %slice3A_109 : vector<1024x1xf32>
    %mul3A_113 = vector.broadcast %div3A_112 : vector<1024x1xf32> to vector<1024x128xf32>
    %mul3A_114 = arith.mulf %slice3A_108, %mul3A_113 : vector<1024x128xf32>
    %slice3A_115 = vector.extract_strided_slice %dot_general3A_27 {offsets = [2, 0], sizes = [1, 1024], strides = [1, 1]} : vector<8x1024xf32> to vector<1x1024xf32>
    %squeeze3A_116 = vector.shape_cast %slice3A_115 : vector<1x1024xf32> to vector<1024xf32>
    %slice3A_117 = vector.extract_strided_slice %dot_general3A_27 {offsets = [6, 0], sizes = [1, 1024], strides = [1, 1]} : vector<8x1024xf32> to vector<1x1024xf32>
    %squeeze3A_118 = vector.shape_cast %slice3A_117 : vector<1x1024xf32> to vector<1024xf32>
    %reduce_max3A_119 = vector.shape_cast %squeeze3A_118 : vector<1024xf32> to vector<1x1024xf32>
    %reduce_max3A_120 = arith.constant dense<0xFF800000> : vector<1xf32>
    %reduce_max3A_121 = vector.multi_reduction <maximumf>, %reduce_max3A_119, %reduce_max3A_120 [1] : vector<1x1024xf32> to vector<1xf32>
    %reduce_max3A_122 = vector.shape_cast %reduce_max3A_121 : vector<1xf32> to vector<1x1xf32>
    %reduce_max3A_123 = vector.extract %reduce_max3A_122[0, 0] : f32 from vector<1x1xf32>
    %add3A_124 = vector.broadcast %reduce_max3A_123 : f32 to vector<1024xf32>
    %add3A_125 = arith.addf %squeeze3A_116, %add3A_124 : vector<1024xf32>
    %mul3A_126 = arith.constant 2.000000e-01 : f32
    %mul3A_127 = vector.broadcast %mul3A_126 : f32 to vector<1024xf32>
    %mul3A_128 = arith.mulf %mul3A_127, %add3A_125 : vector<1024xf32>
    %max3A_129 = arith.maximumf %add3A_125, %mul3A_128 : vector<1024xf32>
    %sub3A_130 = arith.subf %squeeze3A_116, %max3A_129 : vector<1024xf32>
    %broadcast_in_dim3A_131 = vector.shape_cast %sub3A_130 : vector<1024xf32> to vector<1024x1xf32>
    %broadcast_in_dim3A_132 = vector.shape_cast %squeeze3A_118 : vector<1024xf32> to vector<1x1024xf32>
    %add3A_133 = vector.broadcast %broadcast_in_dim3A_131 : vector<1024x1xf32> to vector<1024x1024xf32>
    %add3A_134 = vector.broadcast %broadcast_in_dim3A_132 : vector<1x1024xf32> to vector<1024x1024xf32>
    %add3A_135 = arith.addf %add3A_133, %add3A_134 : vector<1024x1024xf32>
    %mul3A_136 = arith.constant 2.000000e-01 : f32
    %mul3A_137 = vector.broadcast %mul3A_136 : f32 to vector<1024xf32>
    %mul3A_138 = arith.mulf %mul3A_137, %squeeze3A_116 : vector<1024xf32>
    %sub3A_139 = arith.subf %mul3A_138, %max3A_129 : vector<1024xf32>
    %broadcast_in_dim3A_140 = vector.shape_cast %sub3A_139 : vector<1024xf32> to vector<1024x1xf32>
    %mul3A_141 = arith.constant 2.000000e-01 : f32
    %mul3A_142 = vector.broadcast %mul3A_141 : f32 to vector<1024xf32>
    %mul3A_143 = arith.mulf %mul3A_142, %squeeze3A_118 : vector<1024xf32>
    %broadcast_in_dim3A_144 = vector.shape_cast %mul3A_143 : vector<1024xf32> to vector<1x1024xf32>
    %add3A_145 = vector.broadcast %broadcast_in_dim3A_140 : vector<1024x1xf32> to vector<1024x1024xf32>
    %add3A_146 = vector.broadcast %broadcast_in_dim3A_144 : vector<1x1024xf32> to vector<1024x1024xf32>
    %add3A_147 = arith.addf %add3A_145, %add3A_146 : vector<1024x1024xf32>
    %max3A_148 = arith.maximumf %add3A_135, %add3A_147 : vector<1024x1024xf32>
    %exp3A_149 = math.exp %max3A_148 : vector<1024x1024xf32>
    %mul3A_150 = arith.mulf %exp3A_149, %convert_element_type3A_13 : vector<1024x1024xf32>
    %slice3A_151 = vector.extract_strided_slice %dot_general3A_22 {offsets = [0, 256], sizes = [1024, 128], strides = [1, 1]} : vector<1024x512xf32> to vector<1024x128xf32>
    %broadcast_in_dim3A_152 = arith.constant 1.000000e+00 : f32
    %broadcast_in_dim3A_153 = vector.broadcast %broadcast_in_dim3A_152 : f32 to vector<1024x128xf32>
    %concatenate3A_154 = tpu.concatenate %slice3A_151, %broadcast_in_dim3A_153 in 1 : vector<1024x128xf32>, vector<1024x128xf32> -> vector<1024x256xf32>
    %dot_general3A_155 = arith.constant dense<0.000000e+00> : vector<1024x256xf32>
    %dot_general3A_156 = tpu.matmul %mul3A_150, %concatenate3A_154, %dot_general3A_155 {dimension_numbers = #tpu.dot_dimension_numbers<[1], [0], [0], [1], [0, 0, 1, 1], [], []>, transpose_lhs_hint = false} : vector<1024x1024xf32>, vector<1024x256xf32>, vector<1024x256xf32> -> vector<1024x256xf32>
    %slice3A_157 = vector.extract_strided_slice %dot_general3A_156 {offsets = [0, 0], sizes = [1024, 128], strides = [1, 1]} : vector<1024x256xf32> to vector<1024x128xf32>
    %slice3A_158 = vector.extract_strided_slice %dot_general3A_156 {offsets = [0, 128], sizes = [1024, 1], strides = [1, 1]} : vector<1024x256xf32> to vector<1024x1xf32>
    %div3A_159 = arith.constant 1.000000e+00 : f32
    %div3A_160 = vector.broadcast %div3A_159 : f32 to vector<1024x1xf32>
    %div3A_161 = arith.divf %div3A_160, %slice3A_158 : vector<1024x1xf32>
    %mul3A_162 = vector.broadcast %div3A_161 : vector<1024x1xf32> to vector<1024x128xf32>
    %mul3A_163 = arith.mulf %slice3A_157, %mul3A_162 : vector<1024x128xf32>
    %slice3A_164 = vector.extract_strided_slice %dot_general3A_27 {offsets = [3, 0], sizes = [1, 1024], strides = [1, 1]} : vector<8x1024xf32> to vector<1x1024xf32>
    %squeeze3A_165 = vector.shape_cast %slice3A_164 : vector<1x1024xf32> to vector<1024xf32>
    %slice3A_166 = vector.extract_strided_slice %dot_general3A_27 {offsets = [7, 0], sizes = [1, 1024], strides = [1, 1]} : vector<8x1024xf32> to vector<1x1024xf32>
    %squeeze3A_167 = vector.shape_cast %slice3A_166 : vector<1x1024xf32> to vector<1024xf32>
    %reduce_max3A_168 = vector.shape_cast %squeeze3A_167 : vector<1024xf32> to vector<1x1024xf32>
    %reduce_max3A_169 = arith.constant dense<0xFF800000> : vector<1xf32>
    %reduce_max3A_170 = vector.multi_reduction <maximumf>, %reduce_max3A_168, %reduce_max3A_169 [1] : vector<1x1024xf32> to vector<1xf32>
    %reduce_max3A_171 = vector.shape_cast %reduce_max3A_170 : vector<1xf32> to vector<1x1xf32>
    %reduce_max3A_172 = vector.extract %reduce_max3A_171[0, 0] : f32 from vector<1x1xf32>
    %add3A_173 = vector.broadcast %reduce_max3A_172 : f32 to vector<1024xf32>
    %add3A_174 = arith.addf %squeeze3A_165, %add3A_173 : vector<1024xf32>
    %mul3A_175 = arith.constant 2.000000e-01 : f32
    %mul3A_176 = vector.broadcast %mul3A_175 : f32 to vector<1024xf32>
    %mul3A_177 = arith.mulf %mul3A_176, %add3A_174 : vector<1024xf32>
    %max3A_178 = arith.maximumf %add3A_174, %mul3A_177 : vector<1024xf32>
    %sub3A_179 = arith.subf %squeeze3A_165, %max3A_178 : vector<1024xf32>
    %broadcast_in_dim3A_180 = vector.shape_cast %sub3A_179 : vector<1024xf32> to vector<1024x1xf32>
    %broadcast_in_dim3A_181 = vector.shape_cast %squeeze3A_167 : vector<1024xf32> to vector<1x1024xf32>
    %add3A_182 = vector.broadcast %broadcast_in_dim3A_180 : vector<1024x1xf32> to vector<1024x1024xf32>
    %add3A_183 = vector.broadcast %broadcast_in_dim3A_181 : vector<1x1024xf32> to vector<1024x1024xf32>
    %add3A_184 = arith.addf %add3A_182, %add3A_183 : vector<1024x1024xf32>
    %mul3A_185 = arith.constant 2.000000e-01 : f32
    %mul3A_186 = vector.broadcast %mul3A_185 : f32 to vector<1024xf32>
    %mul3A_187 = arith.mulf %mul3A_186, %squeeze3A_165 : vector<1024xf32>
    %sub3A_188 = arith.subf %mul3A_187, %max3A_178 : vector<1024xf32>
    %broadcast_in_dim3A_189 = vector.shape_cast %sub3A_188 : vector<1024xf32> to vector<1024x1xf32>
    %mul3A_190 = arith.constant 2.000000e-01 : f32
    %mul3A_191 = vector.broadcast %mul3A_190 : f32 to vector<1024xf32>
    %mul3A_192 = arith.mulf %mul3A_191, %squeeze3A_167 : vector<1024xf32>
    %broadcast_in_dim3A_193 = vector.shape_cast %mul3A_192 : vector<1024xf32> to vector<1x1024xf32>
    %add3A_194 = vector.broadcast %broadcast_in_dim3A_189 : vector<1024x1xf32> to vector<1024x1024xf32>
    %add3A_195 = vector.broadcast %broadcast_in_dim3A_193 : vector<1x1024xf32> to vector<1024x1024xf32>
    %add3A_196 = arith.addf %add3A_194, %add3A_195 : vector<1024x1024xf32>
    %max3A_197 = arith.maximumf %add3A_184, %add3A_196 : vector<1024x1024xf32>
    %exp3A_198 = math.exp %max3A_197 : vector<1024x1024xf32>
    %mul3A_199 = arith.mulf %exp3A_198, %convert_element_type3A_13 : vector<1024x1024xf32>
    %slice3A_200 = vector.extract_strided_slice %dot_general3A_22 {offsets = [0, 384], sizes = [1024, 128], strides = [1, 1]} : vector<1024x512xf32> to vector<1024x128xf32>
    %broadcast_in_dim3A_201 = arith.constant 1.000000e+00 : f32
    %broadcast_in_dim3A_202 = vector.broadcast %broadcast_in_dim3A_201 : f32 to vector<1024x128xf32>
    %concatenate3A_203 = tpu.concatenate %slice3A_200, %broadcast_in_dim3A_202 in 1 : vector<1024x128xf32>, vector<1024x128xf32> -> vector<1024x256xf32>
    %dot_general3A_204 = arith.constant dense<0.000000e+00> : vector<1024x256xf32>
    %dot_general3A_205 = tpu.matmul %mul3A_199, %concatenate3A_203, %dot_general3A_204 {dimension_numbers = #tpu.dot_dimension_numbers<[1], [0], [0], [1], [0, 0, 1, 1], [], []>, transpose_lhs_hint = false} : vector<1024x1024xf32>, vector<1024x256xf32>, vector<1024x256xf32> -> vector<1024x256xf32>
    %slice3A_206 = vector.extract_strided_slice %dot_general3A_205 {offsets = [0, 0], sizes = [1024, 128], strides = [1, 1]} : vector<1024x256xf32> to vector<1024x128xf32>
    %slice3A_207 = vector.extract_strided_slice %dot_general3A_205 {offsets = [0, 128], sizes = [1024, 1], strides = [1, 1]} : vector<1024x256xf32> to vector<1024x1xf32>
    %div3A_208 = arith.constant 1.000000e+00 : f32
    %div3A_209 = vector.broadcast %div3A_208 : f32 to vector<1024x1xf32>
    %div3A_210 = arith.divf %div3A_209, %slice3A_207 : vector<1024x1xf32>
    %mul3A_211 = vector.broadcast %div3A_210 : vector<1024x1xf32> to vector<1024x128xf32>
    %mul3A_212 = arith.mulf %slice3A_206, %mul3A_211 : vector<1024x128xf32>
    %concatenate3A_213 = tpu.concatenate %mul3A_65, %mul3A_114, %mul3A_163, %mul3A_212 in 1 : vector<1024x128xf32>, vector<1024x128xf32>, vector<1024x128xf32>, vector<1024x128xf32> -> vector<1024x512xf32>
    %get3A_214 = arith.constant 0 : index
    %get3A_215 = arith.constant 0 : index
    %get3A_216 = vector.load %arg5[%get3A_214, %get3A_215] : memref<512x512xf32, #tpu.memory_space<vmem>>, vector<512x512xf32>
    %dot_general3A_217 = arith.constant dense<0.000000e+00> : vector<1024x512xf32>
    %dot_general3A_218 = tpu.matmul %concatenate3A_213, %get3A_216, %dot_general3A_217 {dimension_numbers = #tpu.dot_dimension_numbers<[1], [0], [0], [1], [0, 0, 1, 1], [], []>, transpose_lhs_hint = false} : vector<1024x512xf32>, vector<512x512xf32>, vector<1024x512xf32> -> vector<1024x512xf32>
    %get3A_219 = arith.constant 0 : index
    %get3A_220 = arith.constant 0 : index
    %get3A_221 = vector.load %arg6[%get3A_219, %get3A_220] : memref<512x8xf32, #tpu.memory_space<vmem>>, vector<512x8xf32>
    %dot_general3A_222 = arith.constant dense<0.000000e+00> : vector<8x1024xf32>
    %dot_general3A_223 = tpu.matmul %get3A_221, %dot_general3A_218, %dot_general3A_222 {dimension_numbers = #tpu.dot_dimension_numbers<[0], [1], [1], [0], [0, 1, 1, 0], [], []>, transpose_lhs_hint = false} : vector<512x8xf32>, vector<1024x512xf32>, vector<8x1024xf32> -> vector<8x1024xf32>
    %slice3A_224 = vector.extract_strided_slice %dot_general3A_223 {offsets = [0, 0], sizes = [1, 1024], strides = [1, 1]} : vector<8x1024xf32> to vector<1x1024xf32>
    %squeeze3A_225 = vector.shape_cast %slice3A_224 : vector<1x1024xf32> to vector<1024xf32>
    %slice3A_226 = vector.extract_strided_slice %dot_general3A_223 {offsets = [4, 0], sizes = [1, 1024], strides = [1, 1]} : vector<8x1024xf32> to vector<1x1024xf32>
    %squeeze3A_227 = vector.shape_cast %slice3A_226 : vector<1x1024xf32> to vector<1024xf32>
    %reduce_max3A_228 = vector.shape_cast %squeeze3A_227 : vector<1024xf32> to vector<1x1024xf32>
    %reduce_max3A_229 = arith.constant dense<0xFF800000> : vector<1xf32>
    %reduce_max3A_230 = vector.multi_reduction <maximumf>, %reduce_max3A_228, %reduce_max3A_229 [1] : vector<1x1024xf32> to vector<1xf32>
    %reduce_max3A_231 = vector.shape_cast %reduce_max3A_230 : vector<1xf32> to vector<1x1xf32>
    %reduce_max3A_232 = vector.extract %reduce_max3A_231[0, 0] : f32 from vector<1x1xf32>
    %add3A_233 = vector.broadcast %reduce_max3A_232 : f32 to vector<1024xf32>
    %add3A_234 = arith.addf %squeeze3A_225, %add3A_233 : vector<1024xf32>
    %mul3A_235 = arith.constant 2.000000e-01 : f32
    %mul3A_236 = vector.broadcast %mul3A_235 : f32 to vector<1024xf32>
    %mul3A_237 = arith.mulf %mul3A_236, %add3A_234 : vector<1024xf32>
    %max3A_238 = arith.maximumf %add3A_234, %mul3A_237 : vector<1024xf32>
    %sub3A_239 = arith.subf %squeeze3A_225, %max3A_238 : vector<1024xf32>
    %broadcast_in_dim3A_240 = vector.shape_cast %sub3A_239 : vector<1024xf32> to vector<1024x1xf32>
    %broadcast_in_dim3A_241 = vector.shape_cast %squeeze3A_227 : vector<1024xf32> to vector<1x1024xf32>
    %add3A_242 = vector.broadcast %broadcast_in_dim3A_240 : vector<1024x1xf32> to vector<1024x1024xf32>
    %add3A_243 = vector.broadcast %broadcast_in_dim3A_241 : vector<1x1024xf32> to vector<1024x1024xf32>
    %add3A_244 = arith.addf %add3A_242, %add3A_243 : vector<1024x1024xf32>
    %mul3A_245 = arith.constant 2.000000e-01 : f32
    %mul3A_246 = vector.broadcast %mul3A_245 : f32 to vector<1024xf32>
    %mul3A_247 = arith.mulf %mul3A_246, %squeeze3A_225 : vector<1024xf32>
    %sub3A_248 = arith.subf %mul3A_247, %max3A_238 : vector<1024xf32>
    %broadcast_in_dim3A_249 = vector.shape_cast %sub3A_248 : vector<1024xf32> to vector<1024x1xf32>
    %mul3A_250 = arith.constant 2.000000e-01 : f32
    %mul3A_251 = vector.broadcast %mul3A_250 : f32 to vector<1024xf32>
    %mul3A_252 = arith.mulf %mul3A_251, %squeeze3A_227 : vector<1024xf32>
    %broadcast_in_dim3A_253 = vector.shape_cast %mul3A_252 : vector<1024xf32> to vector<1x1024xf32>
    %add3A_254 = vector.broadcast %broadcast_in_dim3A_249 : vector<1024x1xf32> to vector<1024x1024xf32>
    %add3A_255 = vector.broadcast %broadcast_in_dim3A_253 : vector<1x1024xf32> to vector<1024x1024xf32>
    %add3A_256 = arith.addf %add3A_254, %add3A_255 : vector<1024x1024xf32>
    %max3A_257 = arith.maximumf %add3A_244, %add3A_256 : vector<1024x1024xf32>
    %exp3A_258 = math.exp %max3A_257 : vector<1024x1024xf32>
    %mul3A_259 = arith.mulf %exp3A_258, %convert_element_type3A_13 : vector<1024x1024xf32>
    %slice3A_260 = vector.extract_strided_slice %dot_general3A_218 {offsets = [0, 0], sizes = [1024, 128], strides = [1, 1]} : vector<1024x512xf32> to vector<1024x128xf32>
    %broadcast_in_dim3A_261 = arith.constant 1.000000e+00 : f32
    %broadcast_in_dim3A_262 = vector.broadcast %broadcast_in_dim3A_261 : f32 to vector<1024x128xf32>
    %concatenate3A_263 = tpu.concatenate %slice3A_260, %broadcast_in_dim3A_262 in 1 : vector<1024x128xf32>, vector<1024x128xf32> -> vector<1024x256xf32>
    %dot_general3A_264 = arith.constant dense<0.000000e+00> : vector<1024x256xf32>
    %dot_general3A_265 = tpu.matmul %mul3A_259, %concatenate3A_263, %dot_general3A_264 {dimension_numbers = #tpu.dot_dimension_numbers<[1], [0], [0], [1], [0, 0, 1, 1], [], []>, transpose_lhs_hint = false} : vector<1024x1024xf32>, vector<1024x256xf32>, vector<1024x256xf32> -> vector<1024x256xf32>
    %slice3A_266 = vector.extract_strided_slice %dot_general3A_265 {offsets = [0, 0], sizes = [1024, 128], strides = [1, 1]} : vector<1024x256xf32> to vector<1024x128xf32>
    %slice3A_267 = vector.extract_strided_slice %dot_general3A_265 {offsets = [0, 128], sizes = [1024, 1], strides = [1, 1]} : vector<1024x256xf32> to vector<1024x1xf32>
    %div3A_268 = arith.constant 1.000000e+00 : f32
    %div3A_269 = vector.broadcast %div3A_268 : f32 to vector<1024x1xf32>
    %div3A_270 = arith.divf %div3A_269, %slice3A_267 : vector<1024x1xf32>
    %mul3A_271 = vector.broadcast %div3A_270 : vector<1024x1xf32> to vector<1024x128xf32>
    %mul3A_272 = arith.mulf %slice3A_266, %mul3A_271 : vector<1024x128xf32>
    %slice3A_273 = vector.extract_strided_slice %dot_general3A_223 {offsets = [1, 0], sizes = [1, 1024], strides = [1, 1]} : vector<8x1024xf32> to vector<1x1024xf32>
    %squeeze3A_274 = vector.shape_cast %slice3A_273 : vector<1x1024xf32> to vector<1024xf32>
    %slice3A_275 = vector.extract_strided_slice %dot_general3A_223 {offsets = [5, 0], sizes = [1, 1024], strides = [1, 1]} : vector<8x1024xf32> to vector<1x1024xf32>
    %squeeze3A_276 = vector.shape_cast %slice3A_275 : vector<1x1024xf32> to vector<1024xf32>
    %reduce_max3A_277 = vector.shape_cast %squeeze3A_276 : vector<1024xf32> to vector<1x1024xf32>
    %reduce_max3A_278 = arith.constant dense<0xFF800000> : vector<1xf32>
    %reduce_max3A_279 = vector.multi_reduction <maximumf>, %reduce_max3A_277, %reduce_max3A_278 [1] : vector<1x1024xf32> to vector<1xf32>
    %reduce_max3A_280 = vector.shape_cast %reduce_max3A_279 : vector<1xf32> to vector<1x1xf32>
    %reduce_max3A_281 = vector.extract %reduce_max3A_280[0, 0] : f32 from vector<1x1xf32>
    %add3A_282 = vector.broadcast %reduce_max3A_281 : f32 to vector<1024xf32>
    %add3A_283 = arith.addf %squeeze3A_274, %add3A_282 : vector<1024xf32>
    %mul3A_284 = arith.constant 2.000000e-01 : f32
    %mul3A_285 = vector.broadcast %mul3A_284 : f32 to vector<1024xf32>
    %mul3A_286 = arith.mulf %mul3A_285, %add3A_283 : vector<1024xf32>
    %max3A_287 = arith.maximumf %add3A_283, %mul3A_286 : vector<1024xf32>
    %sub3A_288 = arith.subf %squeeze3A_274, %max3A_287 : vector<1024xf32>
    %broadcast_in_dim3A_289 = vector.shape_cast %sub3A_288 : vector<1024xf32> to vector<1024x1xf32>
    %broadcast_in_dim3A_290 = vector.shape_cast %squeeze3A_276 : vector<1024xf32> to vector<1x1024xf32>
    %add3A_291 = vector.broadcast %broadcast_in_dim3A_289 : vector<1024x1xf32> to vector<1024x1024xf32>
    %add3A_292 = vector.broadcast %broadcast_in_dim3A_290 : vector<1x1024xf32> to vector<1024x1024xf32>
    %add3A_293 = arith.addf %add3A_291, %add3A_292 : vector<1024x1024xf32>
    %mul3A_294 = arith.constant 2.000000e-01 : f32
    %mul3A_295 = vector.broadcast %mul3A_294 : f32 to vector<1024xf32>
    %mul3A_296 = arith.mulf %mul3A_295, %squeeze3A_274 : vector<1024xf32>
    %sub3A_297 = arith.subf %mul3A_296, %max3A_287 : vector<1024xf32>
    %broadcast_in_dim3A_298 = vector.shape_cast %sub3A_297 : vector<1024xf32> to vector<1024x1xf32>
    %mul3A_299 = arith.constant 2.000000e-01 : f32
    %mul3A_300 = vector.broadcast %mul3A_299 : f32 to vector<1024xf32>
    %mul3A_301 = arith.mulf %mul3A_300, %squeeze3A_276 : vector<1024xf32>
    %broadcast_in_dim3A_302 = vector.shape_cast %mul3A_301 : vector<1024xf32> to vector<1x1024xf32>
    %add3A_303 = vector.broadcast %broadcast_in_dim3A_298 : vector<1024x1xf32> to vector<1024x1024xf32>
    %add3A_304 = vector.broadcast %broadcast_in_dim3A_302 : vector<1x1024xf32> to vector<1024x1024xf32>
    %add3A_305 = arith.addf %add3A_303, %add3A_304 : vector<1024x1024xf32>
    %max3A_306 = arith.maximumf %add3A_293, %add3A_305 : vector<1024x1024xf32>
    %exp3A_307 = math.exp %max3A_306 : vector<1024x1024xf32>
    %mul3A_308 = arith.mulf %exp3A_307, %convert_element_type3A_13 : vector<1024x1024xf32>
    %slice3A_309 = vector.extract_strided_slice %dot_general3A_218 {offsets = [0, 128], sizes = [1024, 128], strides = [1, 1]} : vector<1024x512xf32> to vector<1024x128xf32>
    %broadcast_in_dim3A_310 = arith.constant 1.000000e+00 : f32
    %broadcast_in_dim3A_311 = vector.broadcast %broadcast_in_dim3A_310 : f32 to vector<1024x128xf32>
    %concatenate3A_312 = tpu.concatenate %slice3A_309, %broadcast_in_dim3A_311 in 1 : vector<1024x128xf32>, vector<1024x128xf32> -> vector<1024x256xf32>
    %dot_general3A_313 = arith.constant dense<0.000000e+00> : vector<1024x256xf32>
    %dot_general3A_314 = tpu.matmul %mul3A_308, %concatenate3A_312, %dot_general3A_313 {dimension_numbers = #tpu.dot_dimension_numbers<[1], [0], [0], [1], [0, 0, 1, 1], [], []>, transpose_lhs_hint = false} : vector<1024x1024xf32>, vector<1024x256xf32>, vector<1024x256xf32> -> vector<1024x256xf32>
    %slice3A_315 = vector.extract_strided_slice %dot_general3A_314 {offsets = [0, 0], sizes = [1024, 128], strides = [1, 1]} : vector<1024x256xf32> to vector<1024x128xf32>
    %slice3A_316 = vector.extract_strided_slice %dot_general3A_314 {offsets = [0, 128], sizes = [1024, 1], strides = [1, 1]} : vector<1024x256xf32> to vector<1024x1xf32>
    %div3A_317 = arith.constant 1.000000e+00 : f32
    %div3A_318 = vector.broadcast %div3A_317 : f32 to vector<1024x1xf32>
    %div3A_319 = arith.divf %div3A_318, %slice3A_316 : vector<1024x1xf32>
    %mul3A_320 = vector.broadcast %div3A_319 : vector<1024x1xf32> to vector<1024x128xf32>
    %mul3A_321 = arith.mulf %slice3A_315, %mul3A_320 : vector<1024x128xf32>
    %slice3A_322 = vector.extract_strided_slice %dot_general3A_223 {offsets = [2, 0], sizes = [1, 1024], strides = [1, 1]} : vector<8x1024xf32> to vector<1x1024xf32>
    %squeeze3A_323 = vector.shape_cast %slice3A_322 : vector<1x1024xf32> to vector<1024xf32>
    %slice3A_324 = vector.extract_strided_slice %dot_general3A_223 {offsets = [6, 0], sizes = [1, 1024], strides = [1, 1]} : vector<8x1024xf32> to vector<1x1024xf32>
    %squeeze3A_325 = vector.shape_cast %slice3A_324 : vector<1x1024xf32> to vector<1024xf32>
    %reduce_max3A_326 = vector.shape_cast %squeeze3A_325 : vector<1024xf32> to vector<1x1024xf32>
    %reduce_max3A_327 = arith.constant dense<0xFF800000> : vector<1xf32>
    %reduce_max3A_328 = vector.multi_reduction <maximumf>, %reduce_max3A_326, %reduce_max3A_327 [1] : vector<1x1024xf32> to vector<1xf32>
    %reduce_max3A_329 = vector.shape_cast %reduce_max3A_328 : vector<1xf32> to vector<1x1xf32>
    %reduce_max3A_330 = vector.extract %reduce_max3A_329[0, 0] : f32 from vector<1x1xf32>
    %add3A_331 = vector.broadcast %reduce_max3A_330 : f32 to vector<1024xf32>
    %add3A_332 = arith.addf %squeeze3A_323, %add3A_331 : vector<1024xf32>
    %mul3A_333 = arith.constant 2.000000e-01 : f32
    %mul3A_334 = vector.broadcast %mul3A_333 : f32 to vector<1024xf32>
    %mul3A_335 = arith.mulf %mul3A_334, %add3A_332 : vector<1024xf32>
    %max3A_336 = arith.maximumf %add3A_332, %mul3A_335 : vector<1024xf32>
    %sub3A_337 = arith.subf %squeeze3A_323, %max3A_336 : vector<1024xf32>
    %broadcast_in_dim3A_338 = vector.shape_cast %sub3A_337 : vector<1024xf32> to vector<1024x1xf32>
    %broadcast_in_dim3A_339 = vector.shape_cast %squeeze3A_325 : vector<1024xf32> to vector<1x1024xf32>
    %add3A_340 = vector.broadcast %broadcast_in_dim3A_338 : vector<1024x1xf32> to vector<1024x1024xf32>
    %add3A_341 = vector.broadcast %broadcast_in_dim3A_339 : vector<1x1024xf32> to vector<1024x1024xf32>
    %add3A_342 = arith.addf %add3A_340, %add3A_341 : vector<1024x1024xf32>
    %mul3A_343 = arith.constant 2.000000e-01 : f32
    %mul3A_344 = vector.broadcast %mul3A_343 : f32 to vector<1024xf32>
    %mul3A_345 = arith.mulf %mul3A_344, %squeeze3A_323 : vector<1024xf32>
    %sub3A_346 = arith.subf %mul3A_345, %max3A_336 : vector<1024xf32>
    %broadcast_in_dim3A_347 = vector.shape_cast %sub3A_346 : vector<1024xf32> to vector<1024x1xf32>
    %mul3A_348 = arith.constant 2.000000e-01 : f32
    %mul3A_349 = vector.broadcast %mul3A_348 : f32 to vector<1024xf32>
    %mul3A_350 = arith.mulf %mul3A_349, %squeeze3A_325 : vector<1024xf32>
    %broadcast_in_dim3A_351 = vector.shape_cast %mul3A_350 : vector<1024xf32> to vector<1x1024xf32>
    %add3A_352 = vector.broadcast %broadcast_in_dim3A_347 : vector<1024x1xf32> to vector<1024x1024xf32>
    %add3A_353 = vector.broadcast %broadcast_in_dim3A_351 : vector<1x1024xf32> to vector<1024x1024xf32>
    %add3A_354 = arith.addf %add3A_352, %add3A_353 : vector<1024x1024xf32>
    %max3A_355 = arith.maximumf %add3A_342, %add3A_354 : vector<1024x1024xf32>
    %exp3A_356 = math.exp %max3A_355 : vector<1024x1024xf32>
    %mul3A_357 = arith.mulf %exp3A_356, %convert_element_type3A_13 : vector<1024x1024xf32>
    %slice3A_358 = vector.extract_strided_slice %dot_general3A_218 {offsets = [0, 256], sizes = [1024, 128], strides = [1, 1]} : vector<1024x512xf32> to vector<1024x128xf32>
    %broadcast_in_dim3A_359 = arith.constant 1.000000e+00 : f32
    %broadcast_in_dim3A_360 = vector.broadcast %broadcast_in_dim3A_359 : f32 to vector<1024x128xf32>
    %concatenate3A_361 = tpu.concatenate %slice3A_358, %broadcast_in_dim3A_360 in 1 : vector<1024x128xf32>, vector<1024x128xf32> -> vector<1024x256xf32>
    %dot_general3A_362 = arith.constant dense<0.000000e+00> : vector<1024x256xf32>
    %dot_general3A_363 = tpu.matmul %mul3A_357, %concatenate3A_361, %dot_general3A_362 {dimension_numbers = #tpu.dot_dimension_numbers<[1], [0], [0], [1], [0, 0, 1, 1], [], []>, transpose_lhs_hint = false} : vector<1024x1024xf32>, vector<1024x256xf32>, vector<1024x256xf32> -> vector<1024x256xf32>
    %slice3A_364 = vector.extract_strided_slice %dot_general3A_363 {offsets = [0, 0], sizes = [1024, 128], strides = [1, 1]} : vector<1024x256xf32> to vector<1024x128xf32>
    %slice3A_365 = vector.extract_strided_slice %dot_general3A_363 {offsets = [0, 128], sizes = [1024, 1], strides = [1, 1]} : vector<1024x256xf32> to vector<1024x1xf32>
    %div3A_366 = arith.constant 1.000000e+00 : f32
    %div3A_367 = vector.broadcast %div3A_366 : f32 to vector<1024x1xf32>
    %div3A_368 = arith.divf %div3A_367, %slice3A_365 : vector<1024x1xf32>
    %mul3A_369 = vector.broadcast %div3A_368 : vector<1024x1xf32> to vector<1024x128xf32>
    %mul3A_370 = arith.mulf %slice3A_364, %mul3A_369 : vector<1024x128xf32>
    %slice3A_371 = vector.extract_strided_slice %dot_general3A_223 {offsets = [3, 0], sizes = [1, 1024], strides = [1, 1]} : vector<8x1024xf32> to vector<1x1024xf32>
    %squeeze3A_372 = vector.shape_cast %slice3A_371 : vector<1x1024xf32> to vector<1024xf32>
    %slice3A_373 = vector.extract_strided_slice %dot_general3A_223 {offsets = [7, 0], sizes = [1, 1024], strides = [1, 1]} : vector<8x1024xf32> to vector<1x1024xf32>
    %squeeze3A_374 = vector.shape_cast %slice3A_373 : vector<1x1024xf32> to vector<1024xf32>
    %reduce_max3A_375 = vector.shape_cast %squeeze3A_374 : vector<1024xf32> to vector<1x1024xf32>
    %reduce_max3A_376 = arith.constant dense<0xFF800000> : vector<1xf32>
    %reduce_max3A_377 = vector.multi_reduction <maximumf>, %reduce_max3A_375, %reduce_max3A_376 [1] : vector<1x1024xf32> to vector<1xf32>
    %reduce_max3A_378 = vector.shape_cast %reduce_max3A_377 : vector<1xf32> to vector<1x1xf32>
    %reduce_max3A_379 = vector.extract %reduce_max3A_378[0, 0] : f32 from vector<1x1xf32>
    %add3A_380 = vector.broadcast %reduce_max3A_379 : f32 to vector<1024xf32>
    %add3A_381 = arith.addf %squeeze3A_372, %add3A_380 : vector<1024xf32>
    %mul3A_382 = arith.constant 2.000000e-01 : f32
    %mul3A_383 = vector.broadcast %mul3A_382 : f32 to vector<1024xf32>
    %mul3A_384 = arith.mulf %mul3A_383, %add3A_381 : vector<1024xf32>
    %max3A_385 = arith.maximumf %add3A_381, %mul3A_384 : vector<1024xf32>
    %sub3A_386 = arith.subf %squeeze3A_372, %max3A_385 : vector<1024xf32>
    %broadcast_in_dim3A_387 = vector.shape_cast %sub3A_386 : vector<1024xf32> to vector<1024x1xf32>
    %broadcast_in_dim3A_388 = vector.shape_cast %squeeze3A_374 : vector<1024xf32> to vector<1x1024xf32>
    %add3A_389 = vector.broadcast %broadcast_in_dim3A_387 : vector<1024x1xf32> to vector<1024x1024xf32>
    %add3A_390 = vector.broadcast %broadcast_in_dim3A_388 : vector<1x1024xf32> to vector<1024x1024xf32>
    %add3A_391 = arith.addf %add3A_389, %add3A_390 : vector<1024x1024xf32>
    %mul3A_392 = arith.constant 2.000000e-01 : f32
    %mul3A_393 = vector.broadcast %mul3A_392 : f32 to vector<1024xf32>
    %mul3A_394 = arith.mulf %mul3A_393, %squeeze3A_372 : vector<1024xf32>
    %sub3A_395 = arith.subf %mul3A_394, %max3A_385 : vector<1024xf32>
    %broadcast_in_dim3A_396 = vector.shape_cast %sub3A_395 : vector<1024xf32> to vector<1024x1xf32>
    %mul3A_397 = arith.constant 2.000000e-01 : f32
    %mul3A_398 = vector.broadcast %mul3A_397 : f32 to vector<1024xf32>
    %mul3A_399 = arith.mulf %mul3A_398, %squeeze3A_374 : vector<1024xf32>
    %broadcast_in_dim3A_400 = vector.shape_cast %mul3A_399 : vector<1024xf32> to vector<1x1024xf32>
    %add3A_401 = vector.broadcast %broadcast_in_dim3A_396 : vector<1024x1xf32> to vector<1024x1024xf32>
    %add3A_402 = vector.broadcast %broadcast_in_dim3A_400 : vector<1x1024xf32> to vector<1024x1024xf32>
    %add3A_403 = arith.addf %add3A_401, %add3A_402 : vector<1024x1024xf32>
    %max3A_404 = arith.maximumf %add3A_391, %add3A_403 : vector<1024x1024xf32>
    %exp3A_405 = math.exp %max3A_404 : vector<1024x1024xf32>
    %mul3A_406 = arith.mulf %exp3A_405, %convert_element_type3A_13 : vector<1024x1024xf32>
    %slice3A_407 = vector.extract_strided_slice %dot_general3A_218 {offsets = [0, 384], sizes = [1024, 128], strides = [1, 1]} : vector<1024x512xf32> to vector<1024x128xf32>
    %broadcast_in_dim3A_408 = arith.constant 1.000000e+00 : f32
    %broadcast_in_dim3A_409 = vector.broadcast %broadcast_in_dim3A_408 : f32 to vector<1024x128xf32>
    %concatenate3A_410 = tpu.concatenate %slice3A_407, %broadcast_in_dim3A_409 in 1 : vector<1024x128xf32>, vector<1024x128xf32> -> vector<1024x256xf32>
    %dot_general3A_411 = arith.constant dense<0.000000e+00> : vector<1024x256xf32>
    %dot_general3A_412 = tpu.matmul %mul3A_406, %concatenate3A_410, %dot_general3A_411 {dimension_numbers = #tpu.dot_dimension_numbers<[1], [0], [0], [1], [0, 0, 1, 1], [], []>, transpose_lhs_hint = false} : vector<1024x1024xf32>, vector<1024x256xf32>, vector<1024x256xf32> -> vector<1024x256xf32>
    %slice3A_413 = vector.extract_strided_slice %dot_general3A_412 {offsets = [0, 0], sizes = [1024, 128], strides = [1, 1]} : vector<1024x256xf32> to vector<1024x128xf32>
    %slice3A_414 = vector.extract_strided_slice %dot_general3A_412 {offsets = [0, 128], sizes = [1024, 1], strides = [1, 1]} : vector<1024x256xf32> to vector<1024x1xf32>
    %div3A_415 = arith.constant 1.000000e+00 : f32
    %div3A_416 = vector.broadcast %div3A_415 : f32 to vector<1024x1xf32>
    %div3A_417 = arith.divf %div3A_416, %slice3A_414 : vector<1024x1xf32>
    %mul3A_418 = vector.broadcast %div3A_417 : vector<1024x1xf32> to vector<1024x128xf32>
    %mul3A_419 = arith.mulf %slice3A_413, %mul3A_418 : vector<1024x128xf32>
    %add3A_420 = arith.addf %mul3A_272, %mul3A_321 : vector<1024x128xf32>
    %add3A_421 = arith.addf %add3A_420, %mul3A_370 : vector<1024x128xf32>
    %add3A_422 = arith.addf %add3A_421, %mul3A_419 : vector<1024x128xf32>
    %mul3A_423 = arith.constant 2.500000e-01 : f32
    %mul3A_424 = vector.broadcast %mul3A_423 : f32 to vector<1024x128xf32>
    %mul3A_425 = arith.mulf %add3A_422, %mul3A_424 : vector<1024x128xf32>
    %max3A_426 = arith.constant 0.000000e+00 : f32
    %max3A_427 = vector.broadcast %max3A_426 : f32 to vector<1024x128xf32>
    %max3A_428 = arith.maximumf %mul3A_425, %max3A_427 : vector<1024x128xf32>
    %swap3A_429 = arith.constant 0 : index
    %swap3A_430 = arith.constant 0 : index
    %swap3A_431 = arith.constant 0 : index
    %swap3A_432 = vector.load %arg9[%swap3A_429, %swap3A_430, %swap3A_431] : memref<1x1024x128xf32, #tpu.memory_space<vmem>>, vector<1x1024x128xf32>
    %swap3A_433 = vector.shape_cast %swap3A_432 : vector<1x1024x128xf32> to vector<1024x128xf32>
    %swap3A_434 = vector.shape_cast %max3A_428 : vector<1024x128xf32> to vector<1x1024x128xf32>
    tpu.vector_store %arg9[%swap3A_429, %swap3A_430, %swap3A_431], %swap3A_434 {strides = array<i32>} : memref<1x1024x128xf32, #tpu.memory_space<vmem>>, vector<1x1024x128xf32>,
    %get3A_435 = arith.constant 0 : index
    %get3A_436 = arith.constant 0 : index
    %get3A_437 = vector.load %arg7[%get3A_435, %get3A_436] : memref<1x128xf32, #tpu.memory_space<vmem>>, vector<1x128xf32>
    %get3A_438 = vector.shape_cast %get3A_437 : vector<1x128xf32> to vector<128xf32>
    %mul3A_439 = arith.mulf %get3A_438, %get3A_438 : vector<128xf32>
    %reduce_sum3A = vector.shape_cast %mul3A_439 : vector<128xf32> to vector<1x128xf32>
    %reduce_sum3A_440 = arith.constant dense<0.000000e+00> : vector<1xf32>
    %reduce_sum3A_441 = vector.multi_reduction <add>, %reduce_sum3A, %reduce_sum3A_440 [1] : vector<1x128xf32> to vector<1xf32>
    %reduce_sum3A_442 = vector.shape_cast %reduce_sum3A_441 : vector<1xf32> to vector<1x1xf32>
    %reduce_sum3A_443 = vector.extract %reduce_sum3A_442[0, 0] : f32 from vector<1x1xf32>
    %sqrt3A = math.sqrt %reduce_sum3A_443 : f32
    %add3A_444 = arith.constant 9.99999996E-13 : f32
    %add3A_445 = arith.addf %sqrt3A, %add3A_444 : f32
    %div3A_446 = vector.broadcast %add3A_445 : f32 to vector<128xf32>
    %div3A_447 = arith.divf %get3A_438, %div3A_446 : vector<128xf32>
    %broadcast_in_dim3A_448 = vector.shape_cast %div3A_447 : vector<128xf32> to vector<1x128xf32>
    %mul3A_449 = vector.broadcast %broadcast_in_dim3A_448 : vector<1x128xf32> to vector<1024x128xf32>
    %mul3A_450 = arith.mulf %max3A_428, %mul3A_449 : vector<1024x128xf32>
    %reduce_sum3A_451 = arith.constant dense<0.000000e+00> : vector<1024xf32>
    %reduce_sum3A_452 = vector.multi_reduction <add>, %mul3A_450, %reduce_sum3A_451 [1] : vector<1024x128xf32> to vector<1024xf32>
    %swap3A_453 = arith.constant 0 : index
    %swap3A_454 = arith.constant 0 : index
    %swap3A_455 = arith.constant 0 : index
    %swap3A_456 = vector.load %arg11[%swap3A_453, %swap3A_454, %swap3A_455] : memref<1x1x1024xf32, #tpu.memory_space<vmem>>, vector<1x1x1024xf32>
    %swap3A_457 = vector.shape_cast %swap3A_456 : vector<1x1x1024xf32> to vector<1024xf32>
    %swap3A_458 = vector.shape_cast %reduce_sum3A_452 : vector<1024xf32> to vector<1x1x1024xf32>
    tpu.vector_store %arg11[%swap3A_453, %swap3A_454, %swap3A_455], %swap3A_458 {strides = array<i32>} : memref<1x1x1024xf32, #tpu.memory_space<vmem>>, vector<1x1x1024xf32>,
    %tanh3A = math.tanh %reduce_sum3A_452 : vector<1024xf32>
    %broadcast_in_dim3A_459 = vector.shape_cast %tanh3A : vector<1024xf32> to vector<1024x1xf32>
    %mul3A_460 = vector.broadcast %broadcast_in_dim3A_459 : vector<1024x1xf32> to vector<1024x128xf32>
    %mul3A_461 = arith.mulf %max3A_428, %mul3A_460 : vector<1024x128xf32>
    %swap3A_462 = arith.constant 0 : index
    %swap3A_463 = arith.constant 0 : index
    %swap3A_464 = arith.constant 0 : index
    %swap3A_465 = vector.load %arg10[%swap3A_462, %swap3A_463, %swap3A_464] : memref<1x1024x128xf32, #tpu.memory_space<vmem>>, vector<1x1024x128xf32>
    %swap3A_466 = vector.shape_cast %swap3A_465 : vector<1x1024x128xf32> to vector<1024x128xf32>
    %swap3A_467 = vector.shape_cast %mul3A_461 : vector<1024x128xf32> to vector<1x1024x128xf32>
    tpu.vector_store %arg10[%swap3A_462, %swap3A_463, %swap3A_464], %swap3A_467 {strides = array<i32>} : memref<1x1024x128xf32, #tpu.memory_space<vmem>>, vector<1x1024x128xf32>,
    return
  }
  func.func @transform_0(%arg0: i32) -> (i32, i32, i32) {
    %c0_i32 = arith.constant 0 : i32
    %c0_i32_0 = arith.constant 0 : i32
    %c0_i32_1 = arith.constant 0 : i32
    return %arg0, %c0_i32, %c0_i32_0 : i32, i32, i32
  }
  func.func @transform_1(%arg0: i32) -> (i32, i32, i32) {
    %c0_i32 = arith.constant 0 : i32
    %c0_i32_0 = arith.constant 0 : i32
    %c0_i32_1 = arith.constant 0 : i32
    return %arg0, %c0_i32, %c0_i32_0 : i32, i32, i32
  }
  func.func @transform_2(%arg0: i32) -> (i32, i32) {
    %c0_i32 = arith.constant 0 : i32
    %c0_i32_0 = arith.constant 0 : i32
    %c0_i32_1 = arith.constant 0 : i32
    return %c0_i32, %c0_i32_0 : i32, i32
  }
  func.func @transform_3(%arg0: i32) -> (i32, i32) {
    %c0_i32 = arith.constant 0 : i32
    %c0_i32_0 = arith.constant 0 : i32
    %c0_i32_1 = arith.constant 0 : i32
    return %c0_i32, %c0_i32_0 : i32, i32
  }
  func.func @transform_4(%arg0: i32) -> (i32, i32) {
    %c0_i32 = arith.constant 0 : i32
    %c0_i32_0 = arith.constant 0 : i32
    %c0_i32_1 = arith.constant 0 : i32
    return %c0_i32, %c0_i32_0 : i32, i32
  }
  func.func @transform_5(%arg0: i32) -> (i32, i32) {
    %c0_i32 = arith.constant 0 : i32
    %c0_i32_0 = arith.constant 0 : i32
    %c0_i32_1 = arith.constant 0 : i32
    return %c0_i32, %c0_i32_0 : i32, i32
  }
  func.func @transform_6(%arg0: i32) -> (i32, i32) {
    %c0_i32 = arith.constant 0 : i32
    %c0_i32_0 = arith.constant 0 : i32
    %c0_i32_1 = arith.constant 0 : i32
    return %c0_i32, %c0_i32_0 : i32, i32
  }
  func.func @transform_7(%arg0: i32) -> (i32, i32, i32) {
    %c0_i32 = arith.constant 0 : i32
    %c0_i32_0 = arith.constant 0 : i32
    %c0_i32_1 = arith.constant 0 : i32
    return %arg0, %c0_i32, %c0_i32_0 : i32, i32, i32
  }
  func.func @transform_8(%arg0: i32) -> (i32, i32, i32) {
    %c0_i32 = arith.constant 0 : i32
    %c0_i32_0 = arith.constant 0 : i32
    %c0_i32_1 = arith.constant 0 : i32
    return %arg0, %c0_i32, %c0_i32_0 : i32, i32, i32
  }
  func.func @transform_9(%arg0: i32) -> (i32, i32, i32) {
    %c0_i32 = arith.constant 0 : i32
    %c0_i32_0 = arith.constant 0 : i32
    %c0_i32_1 = arith.constant 0 : i32
    return %arg0, %c0_i32, %c0_i32_0 : i32, i32, i32
  }
  func.func @transform_10(%arg0: i32) -> (i32, i32, i32) {
    %c0_i32 = arith.constant 0 : i32
    %c0_i32_0 = arith.constant 0 : i32
    %c0_i32_1 = arith.constant 0 : i32
    return %arg0, %c0_i32, %c0_i32_0 : i32, i32, i32
  }
}

module attributes {stable_mosaic.version = 14 : i64} {
  func.func @_mid_body(%arg0: i32, %arg1: memref<1x512x128xf32, #tpu.memory_space<vmem>>, %arg2: memref<1x512x1024xf32, #tpu.memory_space<vmem>>, %arg3: memref<1x1024x512xf32, #tpu.memory_space<vmem>>, %arg4: memref<128x512xf32, #tpu.memory_space<vmem>>, %arg5: memref<512x8xf32, #tpu.memory_space<vmem>>, %arg6: memref<512x512xf32, #tpu.memory_space<vmem>>, %arg7: memref<512x8xf32, #tpu.memory_space<vmem>>, %arg8: memref<1x512x128xf32, #tpu.memory_space<vmem>>) attributes {dimension_semantics = [#tpu.dimension_semantics<arbitrary>], iteration_bounds = array<i64: 4>, scalar_prefetch = 0 : i64, scratch_operands = 0 : i64, tpu.core_type = #tpu.core_type<tc>, window_params = [{transform_indices = @transform_0, window_bounds = array<i64: 1, 512, 128>}, {transform_indices = @transform_1, window_bounds = array<i64: 1, 512, 1024>}, {transform_indices = @transform_2, window_bounds = array<i64: 1, 1024, 512>}, {pipeline_mode = #tpu.pipeline_mode<synchronous>, transform_indices = @transform_3, window_bounds = array<i64: 128, 512>}, {pipeline_mode = #tpu.pipeline_mode<synchronous>, transform_indices = @transform_4, window_bounds = array<i64: 512, 8>}, {pipeline_mode = #tpu.pipeline_mode<synchronous>, transform_indices = @transform_5, window_bounds = array<i64: 512, 512>}, {pipeline_mode = #tpu.pipeline_mode<synchronous>, transform_indices = @transform_6, window_bounds = array<i64: 512, 8>}, {transform_indices = @transform_7, window_bounds = array<i64: 1, 512, 128>}]} {
    %get3A = arith.constant 0 : index
    %get3A_0 = arith.constant 0 : index
    %get3A_1 = arith.constant 0 : index
    %get3A_2 = vector.load %arg2[%get3A, %get3A_0, %get3A_1] : memref<1x512x1024xf32, #tpu.memory_space<vmem>>, vector<1x512x1024xf32>
    %get3A_3 = vector.shape_cast %get3A_2 : vector<1x512x1024xf32> to vector<512x1024xf32>
    %get3A_4 = arith.constant 0 : index
    %get3A_5 = arith.constant 0 : index
    %get3A_6 = arith.constant 0 : index
    %get3A_7 = vector.load %arg3[%get3A_4, %get3A_5, %get3A_6] : memref<1x1024x512xf32, #tpu.memory_space<vmem>>, vector<1x1024x512xf32>
    %get3A_8 = vector.shape_cast %get3A_7 : vector<1x1024x512xf32> to vector<1024x512xf32>
    %dot_general3A = arith.constant dense<0.000000e+00> : vector<512x512xf32>
    %dot_general3A_9 = tpu.matmul %get3A_3, %get3A_8, %dot_general3A {dimension_numbers = #tpu.dot_dimension_numbers<[1], [0], [0], [1], [0, 0, 1, 1], [], []>, transpose_lhs_hint = false} : vector<512x1024xf32>, vector<1024x512xf32>, vector<512x512xf32> -> vector<512x512xf32>
    %gt3A = arith.constant 0.000000e+00 : f32
    %gt3A_10 = vector.broadcast %gt3A : f32 to vector<512x512xf32>
    %gt3A_11 = arith.cmpf ogt, %dot_general3A_9, %gt3A_10 : vector<512x512xf32>
    %iota3A = tpu.iota {dimensions = array<i32: 0>} : vector<512x512xi32>
    %iota3A_12 = tpu.iota {dimensions = array<i32: 1>} : vector<512x512xi32>
    %eq3A = arith.cmpi eq, %iota3A, %iota3A_12 : vector<512x512xi32>
    %or3A = arith.ori %gt3A_11, %eq3A : vector<512x512xi1>
    %convert_element_type3A = arith.extui %or3A : vector<512x512xi1> to vector<512x512xi32>
    %convert_element_type3A_13 = arith.sitofp %convert_element_type3A : vector<512x512xi32> to vector<512x512xf32>
    %get3A_14 = arith.constant 0 : index
    %get3A_15 = arith.constant 0 : index
    %get3A_16 = arith.constant 0 : index
    %get3A_17 = vector.load %arg1[%get3A_14, %get3A_15, %get3A_16] : memref<1x512x128xf32, #tpu.memory_space<vmem>>, vector<1x512x128xf32>
    %get3A_18 = vector.shape_cast %get3A_17 : vector<1x512x128xf32> to vector<512x128xf32>
    %get3A_19 = arith.constant 0 : index
    %get3A_20 = arith.constant 0 : index
    %get3A_21 = vector.load %arg4[%get3A_19, %get3A_20] : memref<128x512xf32, #tpu.memory_space<vmem>>, vector<128x512xf32>
    %dot_general3A_22 = arith.constant dense<0.000000e+00> : vector<512x512xf32>
    %dot_general3A_23 = tpu.matmul %get3A_18, %get3A_21, %dot_general3A_22 {dimension_numbers = #tpu.dot_dimension_numbers<[1], [0], [0], [1], [0, 0, 1, 1], [], []>, transpose_lhs_hint = false} : vector<512x128xf32>, vector<128x512xf32>, vector<512x512xf32> -> vector<512x512xf32>
    %get3A_24 = arith.constant 0 : index
    %get3A_25 = arith.constant 0 : index
    %get3A_26 = vector.load %arg5[%get3A_24, %get3A_25] : memref<512x8xf32, #tpu.memory_space<vmem>>, vector<512x8xf32>
    %dot_general3A_27 = arith.constant dense<0.000000e+00> : vector<8x512xf32>
    %dot_general3A_28 = tpu.matmul %get3A_26, %dot_general3A_23, %dot_general3A_27 {dimension_numbers = #tpu.dot_dimension_numbers<[0], [1], [1], [0], [0, 1, 1, 0], [], []>, transpose_lhs_hint = false} : vector<512x8xf32>, vector<512x512xf32>, vector<8x512xf32> -> vector<8x512xf32>
    %slice3A = vector.extract_strided_slice %dot_general3A_28 {offsets = [0, 0], sizes = [1, 512], strides = [1, 1]} : vector<8x512xf32> to vector<1x512xf32>
    %squeeze3A = vector.shape_cast %slice3A : vector<1x512xf32> to vector<512xf32>
    %slice3A_29 = vector.extract_strided_slice %dot_general3A_28 {offsets = [4, 0], sizes = [1, 512], strides = [1, 1]} : vector<8x512xf32> to vector<1x512xf32>
    %squeeze3A_30 = vector.shape_cast %slice3A_29 : vector<1x512xf32> to vector<512xf32>
    %reduce_max3A = vector.shape_cast %squeeze3A_30 : vector<512xf32> to vector<1x512xf32>
    %reduce_max3A_31 = arith.constant dense<0xFF800000> : vector<1xf32>
    %reduce_max3A_32 = vector.multi_reduction <maximumf>, %reduce_max3A, %reduce_max3A_31 [1] : vector<1x512xf32> to vector<1xf32>
    %reduce_max3A_33 = vector.shape_cast %reduce_max3A_32 : vector<1xf32> to vector<1x1xf32>
    %reduce_max3A_34 = vector.extract %reduce_max3A_33[0, 0] : f32 from vector<1x1xf32>
    %add3A = vector.broadcast %reduce_max3A_34 : f32 to vector<512xf32>
    %add3A_35 = arith.addf %squeeze3A, %add3A : vector<512xf32>
    %mul3A = arith.constant 2.000000e-01 : f32
    %mul3A_36 = vector.broadcast %mul3A : f32 to vector<512xf32>
    %mul3A_37 = arith.mulf %mul3A_36, %add3A_35 : vector<512xf32>
    %max3A = arith.maximumf %add3A_35, %mul3A_37 : vector<512xf32>
    %sub3A = arith.subf %squeeze3A, %max3A : vector<512xf32>
    %broadcast_in_dim3A = vector.shape_cast %sub3A : vector<512xf32> to vector<512x1xf32>
    %broadcast_in_dim3A_38 = vector.shape_cast %squeeze3A_30 : vector<512xf32> to vector<1x512xf32>
    %add3A_39 = vector.broadcast %broadcast_in_dim3A : vector<512x1xf32> to vector<512x512xf32>
    %add3A_40 = vector.broadcast %broadcast_in_dim3A_38 : vector<1x512xf32> to vector<512x512xf32>
    %add3A_41 = arith.addf %add3A_39, %add3A_40 : vector<512x512xf32>
    %mul3A_42 = arith.constant 2.000000e-01 : f32
    %mul3A_43 = vector.broadcast %mul3A_42 : f32 to vector<512xf32>
    %mul3A_44 = arith.mulf %mul3A_43, %squeeze3A : vector<512xf32>
    %sub3A_45 = arith.subf %mul3A_44, %max3A : vector<512xf32>
    %broadcast_in_dim3A_46 = vector.shape_cast %sub3A_45 : vector<512xf32> to vector<512x1xf32>
    %mul3A_47 = arith.constant 2.000000e-01 : f32
    %mul3A_48 = vector.broadcast %mul3A_47 : f32 to vector<512xf32>
    %mul3A_49 = arith.mulf %mul3A_48, %squeeze3A_30 : vector<512xf32>
    %broadcast_in_dim3A_50 = vector.shape_cast %mul3A_49 : vector<512xf32> to vector<1x512xf32>
    %add3A_51 = vector.broadcast %broadcast_in_dim3A_46 : vector<512x1xf32> to vector<512x512xf32>
    %add3A_52 = vector.broadcast %broadcast_in_dim3A_50 : vector<1x512xf32> to vector<512x512xf32>
    %add3A_53 = arith.addf %add3A_51, %add3A_52 : vector<512x512xf32>
    %max3A_54 = arith.maximumf %add3A_41, %add3A_53 : vector<512x512xf32>
    %exp3A = math.exp %max3A_54 : vector<512x512xf32>
    %mul3A_55 = arith.mulf %exp3A, %convert_element_type3A_13 : vector<512x512xf32>
    %slice3A_56 = vector.extract_strided_slice %dot_general3A_23 {offsets = [0, 0], sizes = [512, 128], strides = [1, 1]} : vector<512x512xf32> to vector<512x128xf32>
    %broadcast_in_dim3A_57 = arith.constant 1.000000e+00 : f32
    %broadcast_in_dim3A_58 = vector.broadcast %broadcast_in_dim3A_57 : f32 to vector<512x128xf32>
    %concatenate3A = tpu.concatenate %slice3A_56, %broadcast_in_dim3A_58 in 1 : vector<512x128xf32>, vector<512x128xf32> -> vector<512x256xf32>
    %dot_general3A_59 = arith.constant dense<0.000000e+00> : vector<512x256xf32>
    %dot_general3A_60 = tpu.matmul %mul3A_55, %concatenate3A, %dot_general3A_59 {dimension_numbers = #tpu.dot_dimension_numbers<[1], [0], [0], [1], [0, 0, 1, 1], [], []>, transpose_lhs_hint = false} : vector<512x512xf32>, vector<512x256xf32>, vector<512x256xf32> -> vector<512x256xf32>
    %slice3A_61 = vector.extract_strided_slice %dot_general3A_60 {offsets = [0, 0], sizes = [512, 128], strides = [1, 1]} : vector<512x256xf32> to vector<512x128xf32>
    %slice3A_62 = vector.extract_strided_slice %dot_general3A_60 {offsets = [0, 128], sizes = [512, 1], strides = [1, 1]} : vector<512x256xf32> to vector<512x1xf32>
    %div3A = arith.constant 1.000000e+00 : f32
    %div3A_63 = vector.broadcast %div3A : f32 to vector<512x1xf32>
    %div3A_64 = arith.divf %div3A_63, %slice3A_62 : vector<512x1xf32>
    %mul3A_65 = vector.broadcast %div3A_64 : vector<512x1xf32> to vector<512x128xf32>
    %mul3A_66 = arith.mulf %slice3A_61, %mul3A_65 : vector<512x128xf32>
    %slice3A_67 = vector.extract_strided_slice %dot_general3A_28 {offsets = [1, 0], sizes = [1, 512], strides = [1, 1]} : vector<8x512xf32> to vector<1x512xf32>
    %squeeze3A_68 = vector.shape_cast %slice3A_67 : vector<1x512xf32> to vector<512xf32>
    %slice3A_69 = vector.extract_strided_slice %dot_general3A_28 {offsets = [5, 0], sizes = [1, 512], strides = [1, 1]} : vector<8x512xf32> to vector<1x512xf32>
    %squeeze3A_70 = vector.shape_cast %slice3A_69 : vector<1x512xf32> to vector<512xf32>
    %reduce_max3A_71 = vector.shape_cast %squeeze3A_70 : vector<512xf32> to vector<1x512xf32>
    %reduce_max3A_72 = arith.constant dense<0xFF800000> : vector<1xf32>
    %reduce_max3A_73 = vector.multi_reduction <maximumf>, %reduce_max3A_71, %reduce_max3A_72 [1] : vector<1x512xf32> to vector<1xf32>
    %reduce_max3A_74 = vector.shape_cast %reduce_max3A_73 : vector<1xf32> to vector<1x1xf32>
    %reduce_max3A_75 = vector.extract %reduce_max3A_74[0, 0] : f32 from vector<1x1xf32>
    %add3A_76 = vector.broadcast %reduce_max3A_75 : f32 to vector<512xf32>
    %add3A_77 = arith.addf %squeeze3A_68, %add3A_76 : vector<512xf32>
    %mul3A_78 = arith.constant 2.000000e-01 : f32
    %mul3A_79 = vector.broadcast %mul3A_78 : f32 to vector<512xf32>
    %mul3A_80 = arith.mulf %mul3A_79, %add3A_77 : vector<512xf32>
    %max3A_81 = arith.maximumf %add3A_77, %mul3A_80 : vector<512xf32>
    %sub3A_82 = arith.subf %squeeze3A_68, %max3A_81 : vector<512xf32>
    %broadcast_in_dim3A_83 = vector.shape_cast %sub3A_82 : vector<512xf32> to vector<512x1xf32>
    %broadcast_in_dim3A_84 = vector.shape_cast %squeeze3A_70 : vector<512xf32> to vector<1x512xf32>
    %add3A_85 = vector.broadcast %broadcast_in_dim3A_83 : vector<512x1xf32> to vector<512x512xf32>
    %add3A_86 = vector.broadcast %broadcast_in_dim3A_84 : vector<1x512xf32> to vector<512x512xf32>
    %add3A_87 = arith.addf %add3A_85, %add3A_86 : vector<512x512xf32>
    %mul3A_88 = arith.constant 2.000000e-01 : f32
    %mul3A_89 = vector.broadcast %mul3A_88 : f32 to vector<512xf32>
    %mul3A_90 = arith.mulf %mul3A_89, %squeeze3A_68 : vector<512xf32>
    %sub3A_91 = arith.subf %mul3A_90, %max3A_81 : vector<512xf32>
    %broadcast_in_dim3A_92 = vector.shape_cast %sub3A_91 : vector<512xf32> to vector<512x1xf32>
    %mul3A_93 = arith.constant 2.000000e-01 : f32
    %mul3A_94 = vector.broadcast %mul3A_93 : f32 to vector<512xf32>
    %mul3A_95 = arith.mulf %mul3A_94, %squeeze3A_70 : vector<512xf32>
    %broadcast_in_dim3A_96 = vector.shape_cast %mul3A_95 : vector<512xf32> to vector<1x512xf32>
    %add3A_97 = vector.broadcast %broadcast_in_dim3A_92 : vector<512x1xf32> to vector<512x512xf32>
    %add3A_98 = vector.broadcast %broadcast_in_dim3A_96 : vector<1x512xf32> to vector<512x512xf32>
    %add3A_99 = arith.addf %add3A_97, %add3A_98 : vector<512x512xf32>
    %max3A_100 = arith.maximumf %add3A_87, %add3A_99 : vector<512x512xf32>
    %exp3A_101 = math.exp %max3A_100 : vector<512x512xf32>
    %mul3A_102 = arith.mulf %exp3A_101, %convert_element_type3A_13 : vector<512x512xf32>
    %slice3A_103 = vector.extract_strided_slice %dot_general3A_23 {offsets = [0, 128], sizes = [512, 128], strides = [1, 1]} : vector<512x512xf32> to vector<512x128xf32>
    %broadcast_in_dim3A_104 = arith.constant 1.000000e+00 : f32
    %broadcast_in_dim3A_105 = vector.broadcast %broadcast_in_dim3A_104 : f32 to vector<512x128xf32>
    %concatenate3A_106 = tpu.concatenate %slice3A_103, %broadcast_in_dim3A_105 in 1 : vector<512x128xf32>, vector<512x128xf32> -> vector<512x256xf32>
    %dot_general3A_107 = arith.constant dense<0.000000e+00> : vector<512x256xf32>
    %dot_general3A_108 = tpu.matmul %mul3A_102, %concatenate3A_106, %dot_general3A_107 {dimension_numbers = #tpu.dot_dimension_numbers<[1], [0], [0], [1], [0, 0, 1, 1], [], []>, transpose_lhs_hint = false} : vector<512x512xf32>, vector<512x256xf32>, vector<512x256xf32> -> vector<512x256xf32>
    %slice3A_109 = vector.extract_strided_slice %dot_general3A_108 {offsets = [0, 0], sizes = [512, 128], strides = [1, 1]} : vector<512x256xf32> to vector<512x128xf32>
    %slice3A_110 = vector.extract_strided_slice %dot_general3A_108 {offsets = [0, 128], sizes = [512, 1], strides = [1, 1]} : vector<512x256xf32> to vector<512x1xf32>
    %div3A_111 = arith.constant 1.000000e+00 : f32
    %div3A_112 = vector.broadcast %div3A_111 : f32 to vector<512x1xf32>
    %div3A_113 = arith.divf %div3A_112, %slice3A_110 : vector<512x1xf32>
    %mul3A_114 = vector.broadcast %div3A_113 : vector<512x1xf32> to vector<512x128xf32>
    %mul3A_115 = arith.mulf %slice3A_109, %mul3A_114 : vector<512x128xf32>
    %slice3A_116 = vector.extract_strided_slice %dot_general3A_28 {offsets = [2, 0], sizes = [1, 512], strides = [1, 1]} : vector<8x512xf32> to vector<1x512xf32>
    %squeeze3A_117 = vector.shape_cast %slice3A_116 : vector<1x512xf32> to vector<512xf32>
    %slice3A_118 = vector.extract_strided_slice %dot_general3A_28 {offsets = [6, 0], sizes = [1, 512], strides = [1, 1]} : vector<8x512xf32> to vector<1x512xf32>
    %squeeze3A_119 = vector.shape_cast %slice3A_118 : vector<1x512xf32> to vector<512xf32>
    %reduce_max3A_120 = vector.shape_cast %squeeze3A_119 : vector<512xf32> to vector<1x512xf32>
    %reduce_max3A_121 = arith.constant dense<0xFF800000> : vector<1xf32>
    %reduce_max3A_122 = vector.multi_reduction <maximumf>, %reduce_max3A_120, %reduce_max3A_121 [1] : vector<1x512xf32> to vector<1xf32>
    %reduce_max3A_123 = vector.shape_cast %reduce_max3A_122 : vector<1xf32> to vector<1x1xf32>
    %reduce_max3A_124 = vector.extract %reduce_max3A_123[0, 0] : f32 from vector<1x1xf32>
    %add3A_125 = vector.broadcast %reduce_max3A_124 : f32 to vector<512xf32>
    %add3A_126 = arith.addf %squeeze3A_117, %add3A_125 : vector<512xf32>
    %mul3A_127 = arith.constant 2.000000e-01 : f32
    %mul3A_128 = vector.broadcast %mul3A_127 : f32 to vector<512xf32>
    %mul3A_129 = arith.mulf %mul3A_128, %add3A_126 : vector<512xf32>
    %max3A_130 = arith.maximumf %add3A_126, %mul3A_129 : vector<512xf32>
    %sub3A_131 = arith.subf %squeeze3A_117, %max3A_130 : vector<512xf32>
    %broadcast_in_dim3A_132 = vector.shape_cast %sub3A_131 : vector<512xf32> to vector<512x1xf32>
    %broadcast_in_dim3A_133 = vector.shape_cast %squeeze3A_119 : vector<512xf32> to vector<1x512xf32>
    %add3A_134 = vector.broadcast %broadcast_in_dim3A_132 : vector<512x1xf32> to vector<512x512xf32>
    %add3A_135 = vector.broadcast %broadcast_in_dim3A_133 : vector<1x512xf32> to vector<512x512xf32>
    %add3A_136 = arith.addf %add3A_134, %add3A_135 : vector<512x512xf32>
    %mul3A_137 = arith.constant 2.000000e-01 : f32
    %mul3A_138 = vector.broadcast %mul3A_137 : f32 to vector<512xf32>
    %mul3A_139 = arith.mulf %mul3A_138, %squeeze3A_117 : vector<512xf32>
    %sub3A_140 = arith.subf %mul3A_139, %max3A_130 : vector<512xf32>
    %broadcast_in_dim3A_141 = vector.shape_cast %sub3A_140 : vector<512xf32> to vector<512x1xf32>
    %mul3A_142 = arith.constant 2.000000e-01 : f32
    %mul3A_143 = vector.broadcast %mul3A_142 : f32 to vector<512xf32>
    %mul3A_144 = arith.mulf %mul3A_143, %squeeze3A_119 : vector<512xf32>
    %broadcast_in_dim3A_145 = vector.shape_cast %mul3A_144 : vector<512xf32> to vector<1x512xf32>
    %add3A_146 = vector.broadcast %broadcast_in_dim3A_141 : vector<512x1xf32> to vector<512x512xf32>
    %add3A_147 = vector.broadcast %broadcast_in_dim3A_145 : vector<1x512xf32> to vector<512x512xf32>
    %add3A_148 = arith.addf %add3A_146, %add3A_147 : vector<512x512xf32>
    %max3A_149 = arith.maximumf %add3A_136, %add3A_148 : vector<512x512xf32>
    %exp3A_150 = math.exp %max3A_149 : vector<512x512xf32>
    %mul3A_151 = arith.mulf %exp3A_150, %convert_element_type3A_13 : vector<512x512xf32>
    %slice3A_152 = vector.extract_strided_slice %dot_general3A_23 {offsets = [0, 256], sizes = [512, 128], strides = [1, 1]} : vector<512x512xf32> to vector<512x128xf32>
    %broadcast_in_dim3A_153 = arith.constant 1.000000e+00 : f32
    %broadcast_in_dim3A_154 = vector.broadcast %broadcast_in_dim3A_153 : f32 to vector<512x128xf32>
    %concatenate3A_155 = tpu.concatenate %slice3A_152, %broadcast_in_dim3A_154 in 1 : vector<512x128xf32>, vector<512x128xf32> -> vector<512x256xf32>
    %dot_general3A_156 = arith.constant dense<0.000000e+00> : vector<512x256xf32>
    %dot_general3A_157 = tpu.matmul %mul3A_151, %concatenate3A_155, %dot_general3A_156 {dimension_numbers = #tpu.dot_dimension_numbers<[1], [0], [0], [1], [0, 0, 1, 1], [], []>, transpose_lhs_hint = false} : vector<512x512xf32>, vector<512x256xf32>, vector<512x256xf32> -> vector<512x256xf32>
    %slice3A_158 = vector.extract_strided_slice %dot_general3A_157 {offsets = [0, 0], sizes = [512, 128], strides = [1, 1]} : vector<512x256xf32> to vector<512x128xf32>
    %slice3A_159 = vector.extract_strided_slice %dot_general3A_157 {offsets = [0, 128], sizes = [512, 1], strides = [1, 1]} : vector<512x256xf32> to vector<512x1xf32>
    %div3A_160 = arith.constant 1.000000e+00 : f32
    %div3A_161 = vector.broadcast %div3A_160 : f32 to vector<512x1xf32>
    %div3A_162 = arith.divf %div3A_161, %slice3A_159 : vector<512x1xf32>
    %mul3A_163 = vector.broadcast %div3A_162 : vector<512x1xf32> to vector<512x128xf32>
    %mul3A_164 = arith.mulf %slice3A_158, %mul3A_163 : vector<512x128xf32>
    %slice3A_165 = vector.extract_strided_slice %dot_general3A_28 {offsets = [3, 0], sizes = [1, 512], strides = [1, 1]} : vector<8x512xf32> to vector<1x512xf32>
    %squeeze3A_166 = vector.shape_cast %slice3A_165 : vector<1x512xf32> to vector<512xf32>
    %slice3A_167 = vector.extract_strided_slice %dot_general3A_28 {offsets = [7, 0], sizes = [1, 512], strides = [1, 1]} : vector<8x512xf32> to vector<1x512xf32>
    %squeeze3A_168 = vector.shape_cast %slice3A_167 : vector<1x512xf32> to vector<512xf32>
    %reduce_max3A_169 = vector.shape_cast %squeeze3A_168 : vector<512xf32> to vector<1x512xf32>
    %reduce_max3A_170 = arith.constant dense<0xFF800000> : vector<1xf32>
    %reduce_max3A_171 = vector.multi_reduction <maximumf>, %reduce_max3A_169, %reduce_max3A_170 [1] : vector<1x512xf32> to vector<1xf32>
    %reduce_max3A_172 = vector.shape_cast %reduce_max3A_171 : vector<1xf32> to vector<1x1xf32>
    %reduce_max3A_173 = vector.extract %reduce_max3A_172[0, 0] : f32 from vector<1x1xf32>
    %add3A_174 = vector.broadcast %reduce_max3A_173 : f32 to vector<512xf32>
    %add3A_175 = arith.addf %squeeze3A_166, %add3A_174 : vector<512xf32>
    %mul3A_176 = arith.constant 2.000000e-01 : f32
    %mul3A_177 = vector.broadcast %mul3A_176 : f32 to vector<512xf32>
    %mul3A_178 = arith.mulf %mul3A_177, %add3A_175 : vector<512xf32>
    %max3A_179 = arith.maximumf %add3A_175, %mul3A_178 : vector<512xf32>
    %sub3A_180 = arith.subf %squeeze3A_166, %max3A_179 : vector<512xf32>
    %broadcast_in_dim3A_181 = vector.shape_cast %sub3A_180 : vector<512xf32> to vector<512x1xf32>
    %broadcast_in_dim3A_182 = vector.shape_cast %squeeze3A_168 : vector<512xf32> to vector<1x512xf32>
    %add3A_183 = vector.broadcast %broadcast_in_dim3A_181 : vector<512x1xf32> to vector<512x512xf32>
    %add3A_184 = vector.broadcast %broadcast_in_dim3A_182 : vector<1x512xf32> to vector<512x512xf32>
    %add3A_185 = arith.addf %add3A_183, %add3A_184 : vector<512x512xf32>
    %mul3A_186 = arith.constant 2.000000e-01 : f32
    %mul3A_187 = vector.broadcast %mul3A_186 : f32 to vector<512xf32>
    %mul3A_188 = arith.mulf %mul3A_187, %squeeze3A_166 : vector<512xf32>
    %sub3A_189 = arith.subf %mul3A_188, %max3A_179 : vector<512xf32>
    %broadcast_in_dim3A_190 = vector.shape_cast %sub3A_189 : vector<512xf32> to vector<512x1xf32>
    %mul3A_191 = arith.constant 2.000000e-01 : f32
    %mul3A_192 = vector.broadcast %mul3A_191 : f32 to vector<512xf32>
    %mul3A_193 = arith.mulf %mul3A_192, %squeeze3A_168 : vector<512xf32>
    %broadcast_in_dim3A_194 = vector.shape_cast %mul3A_193 : vector<512xf32> to vector<1x512xf32>
    %add3A_195 = vector.broadcast %broadcast_in_dim3A_190 : vector<512x1xf32> to vector<512x512xf32>
    %add3A_196 = vector.broadcast %broadcast_in_dim3A_194 : vector<1x512xf32> to vector<512x512xf32>
    %add3A_197 = arith.addf %add3A_195, %add3A_196 : vector<512x512xf32>
    %max3A_198 = arith.maximumf %add3A_185, %add3A_197 : vector<512x512xf32>
    %exp3A_199 = math.exp %max3A_198 : vector<512x512xf32>
    %mul3A_200 = arith.mulf %exp3A_199, %convert_element_type3A_13 : vector<512x512xf32>
    %slice3A_201 = vector.extract_strided_slice %dot_general3A_23 {offsets = [0, 384], sizes = [512, 128], strides = [1, 1]} : vector<512x512xf32> to vector<512x128xf32>
    %broadcast_in_dim3A_202 = arith.constant 1.000000e+00 : f32
    %broadcast_in_dim3A_203 = vector.broadcast %broadcast_in_dim3A_202 : f32 to vector<512x128xf32>
    %concatenate3A_204 = tpu.concatenate %slice3A_201, %broadcast_in_dim3A_203 in 1 : vector<512x128xf32>, vector<512x128xf32> -> vector<512x256xf32>
    %dot_general3A_205 = arith.constant dense<0.000000e+00> : vector<512x256xf32>
    %dot_general3A_206 = tpu.matmul %mul3A_200, %concatenate3A_204, %dot_general3A_205 {dimension_numbers = #tpu.dot_dimension_numbers<[1], [0], [0], [1], [0, 0, 1, 1], [], []>, transpose_lhs_hint = false} : vector<512x512xf32>, vector<512x256xf32>, vector<512x256xf32> -> vector<512x256xf32>
    %slice3A_207 = vector.extract_strided_slice %dot_general3A_206 {offsets = [0, 0], sizes = [512, 128], strides = [1, 1]} : vector<512x256xf32> to vector<512x128xf32>
    %slice3A_208 = vector.extract_strided_slice %dot_general3A_206 {offsets = [0, 128], sizes = [512, 1], strides = [1, 1]} : vector<512x256xf32> to vector<512x1xf32>
    %div3A_209 = arith.constant 1.000000e+00 : f32
    %div3A_210 = vector.broadcast %div3A_209 : f32 to vector<512x1xf32>
    %div3A_211 = arith.divf %div3A_210, %slice3A_208 : vector<512x1xf32>
    %mul3A_212 = vector.broadcast %div3A_211 : vector<512x1xf32> to vector<512x128xf32>
    %mul3A_213 = arith.mulf %slice3A_207, %mul3A_212 : vector<512x128xf32>
    %concatenate3A_214 = tpu.concatenate %mul3A_66, %mul3A_115, %mul3A_164, %mul3A_213 in 1 : vector<512x128xf32>, vector<512x128xf32>, vector<512x128xf32>, vector<512x128xf32> -> vector<512x512xf32>
    %get3A_215 = arith.constant 0 : index
    %get3A_216 = arith.constant 0 : index
    %get3A_217 = vector.load %arg6[%get3A_215, %get3A_216] : memref<512x512xf32, #tpu.memory_space<vmem>>, vector<512x512xf32>
    %dot_general3A_218 = arith.constant dense<0.000000e+00> : vector<512x512xf32>
    %dot_general3A_219 = tpu.matmul %concatenate3A_214, %get3A_217, %dot_general3A_218 {dimension_numbers = #tpu.dot_dimension_numbers<[1], [0], [0], [1], [0, 0, 1, 1], [], []>, transpose_lhs_hint = false} : vector<512x512xf32>, vector<512x512xf32>, vector<512x512xf32> -> vector<512x512xf32>
    %get3A_220 = arith.constant 0 : index
    %get3A_221 = arith.constant 0 : index
    %get3A_222 = vector.load %arg7[%get3A_220, %get3A_221] : memref<512x8xf32, #tpu.memory_space<vmem>>, vector<512x8xf32>
    %dot_general3A_223 = arith.constant dense<0.000000e+00> : vector<8x512xf32>
    %dot_general3A_224 = tpu.matmul %get3A_222, %dot_general3A_219, %dot_general3A_223 {dimension_numbers = #tpu.dot_dimension_numbers<[0], [1], [1], [0], [0, 1, 1, 0], [], []>, transpose_lhs_hint = false} : vector<512x8xf32>, vector<512x512xf32>, vector<8x512xf32> -> vector<8x512xf32>
    %slice3A_225 = vector.extract_strided_slice %dot_general3A_224 {offsets = [0, 0], sizes = [1, 512], strides = [1, 1]} : vector<8x512xf32> to vector<1x512xf32>
    %squeeze3A_226 = vector.shape_cast %slice3A_225 : vector<1x512xf32> to vector<512xf32>
    %slice3A_227 = vector.extract_strided_slice %dot_general3A_224 {offsets = [4, 0], sizes = [1, 512], strides = [1, 1]} : vector<8x512xf32> to vector<1x512xf32>
    %squeeze3A_228 = vector.shape_cast %slice3A_227 : vector<1x512xf32> to vector<512xf32>
    %reduce_max3A_229 = vector.shape_cast %squeeze3A_228 : vector<512xf32> to vector<1x512xf32>
    %reduce_max3A_230 = arith.constant dense<0xFF800000> : vector<1xf32>
    %reduce_max3A_231 = vector.multi_reduction <maximumf>, %reduce_max3A_229, %reduce_max3A_230 [1] : vector<1x512xf32> to vector<1xf32>
    %reduce_max3A_232 = vector.shape_cast %reduce_max3A_231 : vector<1xf32> to vector<1x1xf32>
    %reduce_max3A_233 = vector.extract %reduce_max3A_232[0, 0] : f32 from vector<1x1xf32>
    %add3A_234 = vector.broadcast %reduce_max3A_233 : f32 to vector<512xf32>
    %add3A_235 = arith.addf %squeeze3A_226, %add3A_234 : vector<512xf32>
    %mul3A_236 = arith.constant 2.000000e-01 : f32
    %mul3A_237 = vector.broadcast %mul3A_236 : f32 to vector<512xf32>
    %mul3A_238 = arith.mulf %mul3A_237, %add3A_235 : vector<512xf32>
    %max3A_239 = arith.maximumf %add3A_235, %mul3A_238 : vector<512xf32>
    %sub3A_240 = arith.subf %squeeze3A_226, %max3A_239 : vector<512xf32>
    %broadcast_in_dim3A_241 = vector.shape_cast %sub3A_240 : vector<512xf32> to vector<512x1xf32>
    %broadcast_in_dim3A_242 = vector.shape_cast %squeeze3A_228 : vector<512xf32> to vector<1x512xf32>
    %add3A_243 = vector.broadcast %broadcast_in_dim3A_241 : vector<512x1xf32> to vector<512x512xf32>
    %add3A_244 = vector.broadcast %broadcast_in_dim3A_242 : vector<1x512xf32> to vector<512x512xf32>
    %add3A_245 = arith.addf %add3A_243, %add3A_244 : vector<512x512xf32>
    %mul3A_246 = arith.constant 2.000000e-01 : f32
    %mul3A_247 = vector.broadcast %mul3A_246 : f32 to vector<512xf32>
    %mul3A_248 = arith.mulf %mul3A_247, %squeeze3A_226 : vector<512xf32>
    %sub3A_249 = arith.subf %mul3A_248, %max3A_239 : vector<512xf32>
    %broadcast_in_dim3A_250 = vector.shape_cast %sub3A_249 : vector<512xf32> to vector<512x1xf32>
    %mul3A_251 = arith.constant 2.000000e-01 : f32
    %mul3A_252 = vector.broadcast %mul3A_251 : f32 to vector<512xf32>
    %mul3A_253 = arith.mulf %mul3A_252, %squeeze3A_228 : vector<512xf32>
    %broadcast_in_dim3A_254 = vector.shape_cast %mul3A_253 : vector<512xf32> to vector<1x512xf32>
    %add3A_255 = vector.broadcast %broadcast_in_dim3A_250 : vector<512x1xf32> to vector<512x512xf32>
    %add3A_256 = vector.broadcast %broadcast_in_dim3A_254 : vector<1x512xf32> to vector<512x512xf32>
    %add3A_257 = arith.addf %add3A_255, %add3A_256 : vector<512x512xf32>
    %max3A_258 = arith.maximumf %add3A_245, %add3A_257 : vector<512x512xf32>
    %exp3A_259 = math.exp %max3A_258 : vector<512x512xf32>
    %mul3A_260 = arith.mulf %exp3A_259, %convert_element_type3A_13 : vector<512x512xf32>
    %slice3A_261 = vector.extract_strided_slice %dot_general3A_219 {offsets = [0, 0], sizes = [512, 128], strides = [1, 1]} : vector<512x512xf32> to vector<512x128xf32>
    %broadcast_in_dim3A_262 = arith.constant 1.000000e+00 : f32
    %broadcast_in_dim3A_263 = vector.broadcast %broadcast_in_dim3A_262 : f32 to vector<512x128xf32>
    %concatenate3A_264 = tpu.concatenate %slice3A_261, %broadcast_in_dim3A_263 in 1 : vector<512x128xf32>, vector<512x128xf32> -> vector<512x256xf32>
    %dot_general3A_265 = arith.constant dense<0.000000e+00> : vector<512x256xf32>
    %dot_general3A_266 = tpu.matmul %mul3A_260, %concatenate3A_264, %dot_general3A_265 {dimension_numbers = #tpu.dot_dimension_numbers<[1], [0], [0], [1], [0, 0, 1, 1], [], []>, transpose_lhs_hint = false} : vector<512x512xf32>, vector<512x256xf32>, vector<512x256xf32> -> vector<512x256xf32>
    %slice3A_267 = vector.extract_strided_slice %dot_general3A_266 {offsets = [0, 0], sizes = [512, 128], strides = [1, 1]} : vector<512x256xf32> to vector<512x128xf32>
    %slice3A_268 = vector.extract_strided_slice %dot_general3A_266 {offsets = [0, 128], sizes = [512, 1], strides = [1, 1]} : vector<512x256xf32> to vector<512x1xf32>
    %div3A_269 = arith.constant 1.000000e+00 : f32
    %div3A_270 = vector.broadcast %div3A_269 : f32 to vector<512x1xf32>
    %div3A_271 = arith.divf %div3A_270, %slice3A_268 : vector<512x1xf32>
    %mul3A_272 = vector.broadcast %div3A_271 : vector<512x1xf32> to vector<512x128xf32>
    %mul3A_273 = arith.mulf %slice3A_267, %mul3A_272 : vector<512x128xf32>
    %slice3A_274 = vector.extract_strided_slice %dot_general3A_224 {offsets = [1, 0], sizes = [1, 512], strides = [1, 1]} : vector<8x512xf32> to vector<1x512xf32>
    %squeeze3A_275 = vector.shape_cast %slice3A_274 : vector<1x512xf32> to vector<512xf32>
    %slice3A_276 = vector.extract_strided_slice %dot_general3A_224 {offsets = [5, 0], sizes = [1, 512], strides = [1, 1]} : vector<8x512xf32> to vector<1x512xf32>
    %squeeze3A_277 = vector.shape_cast %slice3A_276 : vector<1x512xf32> to vector<512xf32>
    %reduce_max3A_278 = vector.shape_cast %squeeze3A_277 : vector<512xf32> to vector<1x512xf32>
    %reduce_max3A_279 = arith.constant dense<0xFF800000> : vector<1xf32>
    %reduce_max3A_280 = vector.multi_reduction <maximumf>, %reduce_max3A_278, %reduce_max3A_279 [1] : vector<1x512xf32> to vector<1xf32>
    %reduce_max3A_281 = vector.shape_cast %reduce_max3A_280 : vector<1xf32> to vector<1x1xf32>
    %reduce_max3A_282 = vector.extract %reduce_max3A_281[0, 0] : f32 from vector<1x1xf32>
    %add3A_283 = vector.broadcast %reduce_max3A_282 : f32 to vector<512xf32>
    %add3A_284 = arith.addf %squeeze3A_275, %add3A_283 : vector<512xf32>
    %mul3A_285 = arith.constant 2.000000e-01 : f32
    %mul3A_286 = vector.broadcast %mul3A_285 : f32 to vector<512xf32>
    %mul3A_287 = arith.mulf %mul3A_286, %add3A_284 : vector<512xf32>
    %max3A_288 = arith.maximumf %add3A_284, %mul3A_287 : vector<512xf32>
    %sub3A_289 = arith.subf %squeeze3A_275, %max3A_288 : vector<512xf32>
    %broadcast_in_dim3A_290 = vector.shape_cast %sub3A_289 : vector<512xf32> to vector<512x1xf32>
    %broadcast_in_dim3A_291 = vector.shape_cast %squeeze3A_277 : vector<512xf32> to vector<1x512xf32>
    %add3A_292 = vector.broadcast %broadcast_in_dim3A_290 : vector<512x1xf32> to vector<512x512xf32>
    %add3A_293 = vector.broadcast %broadcast_in_dim3A_291 : vector<1x512xf32> to vector<512x512xf32>
    %add3A_294 = arith.addf %add3A_292, %add3A_293 : vector<512x512xf32>
    %mul3A_295 = arith.constant 2.000000e-01 : f32
    %mul3A_296 = vector.broadcast %mul3A_295 : f32 to vector<512xf32>
    %mul3A_297 = arith.mulf %mul3A_296, %squeeze3A_275 : vector<512xf32>
    %sub3A_298 = arith.subf %mul3A_297, %max3A_288 : vector<512xf32>
    %broadcast_in_dim3A_299 = vector.shape_cast %sub3A_298 : vector<512xf32> to vector<512x1xf32>
    %mul3A_300 = arith.constant 2.000000e-01 : f32
    %mul3A_301 = vector.broadcast %mul3A_300 : f32 to vector<512xf32>
    %mul3A_302 = arith.mulf %mul3A_301, %squeeze3A_277 : vector<512xf32>
    %broadcast_in_dim3A_303 = vector.shape_cast %mul3A_302 : vector<512xf32> to vector<1x512xf32>
    %add3A_304 = vector.broadcast %broadcast_in_dim3A_299 : vector<512x1xf32> to vector<512x512xf32>
    %add3A_305 = vector.broadcast %broadcast_in_dim3A_303 : vector<1x512xf32> to vector<512x512xf32>
    %add3A_306 = arith.addf %add3A_304, %add3A_305 : vector<512x512xf32>
    %max3A_307 = arith.maximumf %add3A_294, %add3A_306 : vector<512x512xf32>
    %exp3A_308 = math.exp %max3A_307 : vector<512x512xf32>
    %mul3A_309 = arith.mulf %exp3A_308, %convert_element_type3A_13 : vector<512x512xf32>
    %slice3A_310 = vector.extract_strided_slice %dot_general3A_219 {offsets = [0, 128], sizes = [512, 128], strides = [1, 1]} : vector<512x512xf32> to vector<512x128xf32>
    %broadcast_in_dim3A_311 = arith.constant 1.000000e+00 : f32
    %broadcast_in_dim3A_312 = vector.broadcast %broadcast_in_dim3A_311 : f32 to vector<512x128xf32>
    %concatenate3A_313 = tpu.concatenate %slice3A_310, %broadcast_in_dim3A_312 in 1 : vector<512x128xf32>, vector<512x128xf32> -> vector<512x256xf32>
    %dot_general3A_314 = arith.constant dense<0.000000e+00> : vector<512x256xf32>
    %dot_general3A_315 = tpu.matmul %mul3A_309, %concatenate3A_313, %dot_general3A_314 {dimension_numbers = #tpu.dot_dimension_numbers<[1], [0], [0], [1], [0, 0, 1, 1], [], []>, transpose_lhs_hint = false} : vector<512x512xf32>, vector<512x256xf32>, vector<512x256xf32> -> vector<512x256xf32>
    %slice3A_316 = vector.extract_strided_slice %dot_general3A_315 {offsets = [0, 0], sizes = [512, 128], strides = [1, 1]} : vector<512x256xf32> to vector<512x128xf32>
    %slice3A_317 = vector.extract_strided_slice %dot_general3A_315 {offsets = [0, 128], sizes = [512, 1], strides = [1, 1]} : vector<512x256xf32> to vector<512x1xf32>
    %div3A_318 = arith.constant 1.000000e+00 : f32
    %div3A_319 = vector.broadcast %div3A_318 : f32 to vector<512x1xf32>
    %div3A_320 = arith.divf %div3A_319, %slice3A_317 : vector<512x1xf32>
    %mul3A_321 = vector.broadcast %div3A_320 : vector<512x1xf32> to vector<512x128xf32>
    %mul3A_322 = arith.mulf %slice3A_316, %mul3A_321 : vector<512x128xf32>
    %slice3A_323 = vector.extract_strided_slice %dot_general3A_224 {offsets = [2, 0], sizes = [1, 512], strides = [1, 1]} : vector<8x512xf32> to vector<1x512xf32>
    %squeeze3A_324 = vector.shape_cast %slice3A_323 : vector<1x512xf32> to vector<512xf32>
    %slice3A_325 = vector.extract_strided_slice %dot_general3A_224 {offsets = [6, 0], sizes = [1, 512], strides = [1, 1]} : vector<8x512xf32> to vector<1x512xf32>
    %squeeze3A_326 = vector.shape_cast %slice3A_325 : vector<1x512xf32> to vector<512xf32>
    %reduce_max3A_327 = vector.shape_cast %squeeze3A_326 : vector<512xf32> to vector<1x512xf32>
    %reduce_max3A_328 = arith.constant dense<0xFF800000> : vector<1xf32>
    %reduce_max3A_329 = vector.multi_reduction <maximumf>, %reduce_max3A_327, %reduce_max3A_328 [1] : vector<1x512xf32> to vector<1xf32>
    %reduce_max3A_330 = vector.shape_cast %reduce_max3A_329 : vector<1xf32> to vector<1x1xf32>
    %reduce_max3A_331 = vector.extract %reduce_max3A_330[0, 0] : f32 from vector<1x1xf32>
    %add3A_332 = vector.broadcast %reduce_max3A_331 : f32 to vector<512xf32>
    %add3A_333 = arith.addf %squeeze3A_324, %add3A_332 : vector<512xf32>
    %mul3A_334 = arith.constant 2.000000e-01 : f32
    %mul3A_335 = vector.broadcast %mul3A_334 : f32 to vector<512xf32>
    %mul3A_336 = arith.mulf %mul3A_335, %add3A_333 : vector<512xf32>
    %max3A_337 = arith.maximumf %add3A_333, %mul3A_336 : vector<512xf32>
    %sub3A_338 = arith.subf %squeeze3A_324, %max3A_337 : vector<512xf32>
    %broadcast_in_dim3A_339 = vector.shape_cast %sub3A_338 : vector<512xf32> to vector<512x1xf32>
    %broadcast_in_dim3A_340 = vector.shape_cast %squeeze3A_326 : vector<512xf32> to vector<1x512xf32>
    %add3A_341 = vector.broadcast %broadcast_in_dim3A_339 : vector<512x1xf32> to vector<512x512xf32>
    %add3A_342 = vector.broadcast %broadcast_in_dim3A_340 : vector<1x512xf32> to vector<512x512xf32>
    %add3A_343 = arith.addf %add3A_341, %add3A_342 : vector<512x512xf32>
    %mul3A_344 = arith.constant 2.000000e-01 : f32
    %mul3A_345 = vector.broadcast %mul3A_344 : f32 to vector<512xf32>
    %mul3A_346 = arith.mulf %mul3A_345, %squeeze3A_324 : vector<512xf32>
    %sub3A_347 = arith.subf %mul3A_346, %max3A_337 : vector<512xf32>
    %broadcast_in_dim3A_348 = vector.shape_cast %sub3A_347 : vector<512xf32> to vector<512x1xf32>
    %mul3A_349 = arith.constant 2.000000e-01 : f32
    %mul3A_350 = vector.broadcast %mul3A_349 : f32 to vector<512xf32>
    %mul3A_351 = arith.mulf %mul3A_350, %squeeze3A_326 : vector<512xf32>
    %broadcast_in_dim3A_352 = vector.shape_cast %mul3A_351 : vector<512xf32> to vector<1x512xf32>
    %add3A_353 = vector.broadcast %broadcast_in_dim3A_348 : vector<512x1xf32> to vector<512x512xf32>
    %add3A_354 = vector.broadcast %broadcast_in_dim3A_352 : vector<1x512xf32> to vector<512x512xf32>
    %add3A_355 = arith.addf %add3A_353, %add3A_354 : vector<512x512xf32>
    %max3A_356 = arith.maximumf %add3A_343, %add3A_355 : vector<512x512xf32>
    %exp3A_357 = math.exp %max3A_356 : vector<512x512xf32>
    %mul3A_358 = arith.mulf %exp3A_357, %convert_element_type3A_13 : vector<512x512xf32>
    %slice3A_359 = vector.extract_strided_slice %dot_general3A_219 {offsets = [0, 256], sizes = [512, 128], strides = [1, 1]} : vector<512x512xf32> to vector<512x128xf32>
    %broadcast_in_dim3A_360 = arith.constant 1.000000e+00 : f32
    %broadcast_in_dim3A_361 = vector.broadcast %broadcast_in_dim3A_360 : f32 to vector<512x128xf32>
    %concatenate3A_362 = tpu.concatenate %slice3A_359, %broadcast_in_dim3A_361 in 1 : vector<512x128xf32>, vector<512x128xf32> -> vector<512x256xf32>
    %dot_general3A_363 = arith.constant dense<0.000000e+00> : vector<512x256xf32>
    %dot_general3A_364 = tpu.matmul %mul3A_358, %concatenate3A_362, %dot_general3A_363 {dimension_numbers = #tpu.dot_dimension_numbers<[1], [0], [0], [1], [0, 0, 1, 1], [], []>, transpose_lhs_hint = false} : vector<512x512xf32>, vector<512x256xf32>, vector<512x256xf32> -> vector<512x256xf32>
    %slice3A_365 = vector.extract_strided_slice %dot_general3A_364 {offsets = [0, 0], sizes = [512, 128], strides = [1, 1]} : vector<512x256xf32> to vector<512x128xf32>
    %slice3A_366 = vector.extract_strided_slice %dot_general3A_364 {offsets = [0, 128], sizes = [512, 1], strides = [1, 1]} : vector<512x256xf32> to vector<512x1xf32>
    %div3A_367 = arith.constant 1.000000e+00 : f32
    %div3A_368 = vector.broadcast %div3A_367 : f32 to vector<512x1xf32>
    %div3A_369 = arith.divf %div3A_368, %slice3A_366 : vector<512x1xf32>
    %mul3A_370 = vector.broadcast %div3A_369 : vector<512x1xf32> to vector<512x128xf32>
    %mul3A_371 = arith.mulf %slice3A_365, %mul3A_370 : vector<512x128xf32>
    %slice3A_372 = vector.extract_strided_slice %dot_general3A_224 {offsets = [3, 0], sizes = [1, 512], strides = [1, 1]} : vector<8x512xf32> to vector<1x512xf32>
    %squeeze3A_373 = vector.shape_cast %slice3A_372 : vector<1x512xf32> to vector<512xf32>
    %slice3A_374 = vector.extract_strided_slice %dot_general3A_224 {offsets = [7, 0], sizes = [1, 512], strides = [1, 1]} : vector<8x512xf32> to vector<1x512xf32>
    %squeeze3A_375 = vector.shape_cast %slice3A_374 : vector<1x512xf32> to vector<512xf32>
    %reduce_max3A_376 = vector.shape_cast %squeeze3A_375 : vector<512xf32> to vector<1x512xf32>
    %reduce_max3A_377 = arith.constant dense<0xFF800000> : vector<1xf32>
    %reduce_max3A_378 = vector.multi_reduction <maximumf>, %reduce_max3A_376, %reduce_max3A_377 [1] : vector<1x512xf32> to vector<1xf32>
    %reduce_max3A_379 = vector.shape_cast %reduce_max3A_378 : vector<1xf32> to vector<1x1xf32>
    %reduce_max3A_380 = vector.extract %reduce_max3A_379[0, 0] : f32 from vector<1x1xf32>
    %add3A_381 = vector.broadcast %reduce_max3A_380 : f32 to vector<512xf32>
    %add3A_382 = arith.addf %squeeze3A_373, %add3A_381 : vector<512xf32>
    %mul3A_383 = arith.constant 2.000000e-01 : f32
    %mul3A_384 = vector.broadcast %mul3A_383 : f32 to vector<512xf32>
    %mul3A_385 = arith.mulf %mul3A_384, %add3A_382 : vector<512xf32>
    %max3A_386 = arith.maximumf %add3A_382, %mul3A_385 : vector<512xf32>
    %sub3A_387 = arith.subf %squeeze3A_373, %max3A_386 : vector<512xf32>
    %broadcast_in_dim3A_388 = vector.shape_cast %sub3A_387 : vector<512xf32> to vector<512x1xf32>
    %broadcast_in_dim3A_389 = vector.shape_cast %squeeze3A_375 : vector<512xf32> to vector<1x512xf32>
    %add3A_390 = vector.broadcast %broadcast_in_dim3A_388 : vector<512x1xf32> to vector<512x512xf32>
    %add3A_391 = vector.broadcast %broadcast_in_dim3A_389 : vector<1x512xf32> to vector<512x512xf32>
    %add3A_392 = arith.addf %add3A_390, %add3A_391 : vector<512x512xf32>
    %mul3A_393 = arith.constant 2.000000e-01 : f32
    %mul3A_394 = vector.broadcast %mul3A_393 : f32 to vector<512xf32>
    %mul3A_395 = arith.mulf %mul3A_394, %squeeze3A_373 : vector<512xf32>
    %sub3A_396 = arith.subf %mul3A_395, %max3A_386 : vector<512xf32>
    %broadcast_in_dim3A_397 = vector.shape_cast %sub3A_396 : vector<512xf32> to vector<512x1xf32>
    %mul3A_398 = arith.constant 2.000000e-01 : f32
    %mul3A_399 = vector.broadcast %mul3A_398 : f32 to vector<512xf32>
    %mul3A_400 = arith.mulf %mul3A_399, %squeeze3A_375 : vector<512xf32>
    %broadcast_in_dim3A_401 = vector.shape_cast %mul3A_400 : vector<512xf32> to vector<1x512xf32>
    %add3A_402 = vector.broadcast %broadcast_in_dim3A_397 : vector<512x1xf32> to vector<512x512xf32>
    %add3A_403 = vector.broadcast %broadcast_in_dim3A_401 : vector<1x512xf32> to vector<512x512xf32>
    %add3A_404 = arith.addf %add3A_402, %add3A_403 : vector<512x512xf32>
    %max3A_405 = arith.maximumf %add3A_392, %add3A_404 : vector<512x512xf32>
    %exp3A_406 = math.exp %max3A_405 : vector<512x512xf32>
    %mul3A_407 = arith.mulf %exp3A_406, %convert_element_type3A_13 : vector<512x512xf32>
    %slice3A_408 = vector.extract_strided_slice %dot_general3A_219 {offsets = [0, 384], sizes = [512, 128], strides = [1, 1]} : vector<512x512xf32> to vector<512x128xf32>
    %broadcast_in_dim3A_409 = arith.constant 1.000000e+00 : f32
    %broadcast_in_dim3A_410 = vector.broadcast %broadcast_in_dim3A_409 : f32 to vector<512x128xf32>
    %concatenate3A_411 = tpu.concatenate %slice3A_408, %broadcast_in_dim3A_410 in 1 : vector<512x128xf32>, vector<512x128xf32> -> vector<512x256xf32>
    %dot_general3A_412 = arith.constant dense<0.000000e+00> : vector<512x256xf32>
    %dot_general3A_413 = tpu.matmul %mul3A_407, %concatenate3A_411, %dot_general3A_412 {dimension_numbers = #tpu.dot_dimension_numbers<[1], [0], [0], [1], [0, 0, 1, 1], [], []>, transpose_lhs_hint = false} : vector<512x512xf32>, vector<512x256xf32>, vector<512x256xf32> -> vector<512x256xf32>
    %slice3A_414 = vector.extract_strided_slice %dot_general3A_413 {offsets = [0, 0], sizes = [512, 128], strides = [1, 1]} : vector<512x256xf32> to vector<512x128xf32>
    %slice3A_415 = vector.extract_strided_slice %dot_general3A_413 {offsets = [0, 128], sizes = [512, 1], strides = [1, 1]} : vector<512x256xf32> to vector<512x1xf32>
    %div3A_416 = arith.constant 1.000000e+00 : f32
    %div3A_417 = vector.broadcast %div3A_416 : f32 to vector<512x1xf32>
    %div3A_418 = arith.divf %div3A_417, %slice3A_415 : vector<512x1xf32>
    %mul3A_419 = vector.broadcast %div3A_418 : vector<512x1xf32> to vector<512x128xf32>
    %mul3A_420 = arith.mulf %slice3A_414, %mul3A_419 : vector<512x128xf32>
    %add3A_421 = arith.addf %mul3A_273, %mul3A_322 : vector<512x128xf32>
    %add3A_422 = arith.addf %add3A_421, %mul3A_371 : vector<512x128xf32>
    %add3A_423 = arith.addf %add3A_422, %mul3A_420 : vector<512x128xf32>
    %mul3A_424 = arith.constant 2.500000e-01 : f32
    %mul3A_425 = vector.broadcast %mul3A_424 : f32 to vector<512x128xf32>
    %mul3A_426 = arith.mulf %add3A_423, %mul3A_425 : vector<512x128xf32>
    %max3A_427 = arith.constant 0.000000e+00 : f32
    %max3A_428 = vector.broadcast %max3A_427 : f32 to vector<512x128xf32>
    %max3A_429 = arith.maximumf %mul3A_426, %max3A_428 : vector<512x128xf32>
    %swap3A = arith.constant 0 : index
    %swap3A_430 = arith.constant 0 : index
    %swap3A_431 = arith.constant 0 : index
    %swap3A_432 = vector.load %arg8[%swap3A, %swap3A_430, %swap3A_431] : memref<1x512x128xf32, #tpu.memory_space<vmem>>, vector<1x512x128xf32>
    %swap3A_433 = vector.shape_cast %swap3A_432 : vector<1x512x128xf32> to vector<512x128xf32>
    %swap3A_434 = vector.shape_cast %max3A_429 : vector<512x128xf32> to vector<1x512x128xf32>
    tpu.vector_store %arg8[%swap3A, %swap3A_430, %swap3A_431], %swap3A_434 {strides = array<i32>} : memref<1x512x128xf32, #tpu.memory_space<vmem>>, vector<1x512x128xf32>,
    return
  }
  func.func @transform_0(%arg0: i32) -> (i32, i32, i32) {
    %c0_i32 = arith.constant 0 : i32
    %c0_i32_0 = arith.constant 0 : i32
    %c0_i32_1 = arith.constant 0 : i32
    return %arg0, %c0_i32, %c0_i32_0 : i32, i32, i32
  }
  func.func @transform_1(%arg0: i32) -> (i32, i32, i32) {
    %c0_i32 = arith.constant 0 : i32
    %c0_i32_0 = arith.constant 0 : i32
    %c0_i32_1 = arith.constant 0 : i32
    return %arg0, %c0_i32, %c0_i32_0 : i32, i32, i32
  }
  func.func @transform_2(%arg0: i32) -> (i32, i32, i32) {
    %c0_i32 = arith.constant 0 : i32
    %c0_i32_0 = arith.constant 0 : i32
    %c0_i32_1 = arith.constant 0 : i32
    return %arg0, %c0_i32, %c0_i32_0 : i32, i32, i32
  }
  func.func @transform_3(%arg0: i32) -> (i32, i32) {
    %c0_i32 = arith.constant 0 : i32
    %c0_i32_0 = arith.constant 0 : i32
    %c0_i32_1 = arith.constant 0 : i32
    return %c0_i32, %c0_i32_0 : i32, i32
  }
  func.func @transform_4(%arg0: i32) -> (i32, i32) {
    %c0_i32 = arith.constant 0 : i32
    %c0_i32_0 = arith.constant 0 : i32
    %c0_i32_1 = arith.constant 0 : i32
    return %c0_i32, %c0_i32_0 : i32, i32
  }
  func.func @transform_5(%arg0: i32) -> (i32, i32) {
    %c0_i32 = arith.constant 0 : i32
    %c0_i32_0 = arith.constant 0 : i32
    %c0_i32_1 = arith.constant 0 : i32
    return %c0_i32, %c0_i32_0 : i32, i32
  }
  func.func @transform_6(%arg0: i32) -> (i32, i32) {
    %c0_i32 = arith.constant 0 : i32
    %c0_i32_0 = arith.constant 0 : i32
    %c0_i32_1 = arith.constant 0 : i32
    return %c0_i32, %c0_i32_0 : i32, i32
  }
  func.func @transform_7(%arg0: i32) -> (i32, i32, i32) {
    %c0_i32 = arith.constant 0 : i32
    %c0_i32_0 = arith.constant 0 : i32
    %c0_i32_1 = arith.constant 0 : i32
    return %arg0, %c0_i32, %c0_i32_0 : i32, i32, i32
  }
}

module attributes {stable_mosaic.version = 14 : i64} {
  func.func @_dec_body(%arg0: i32, %arg1: memref<1x1024x128xf32, #tpu.memory_space<vmem>>, %arg2: memref<1x1024x128xf32, #tpu.memory_space<vmem>>, %arg3: memref<1x1024x128xf32, #tpu.memory_space<vmem>>, %arg4: memref<1x1024x1024xi8, #tpu.memory_space<vmem>>, %arg5: memref<128x512xf32, #tpu.memory_space<vmem>>, %arg6: memref<512x8xf32, #tpu.memory_space<vmem>>, %arg7: memref<512x512xf32, #tpu.memory_space<vmem>>, %arg8: memref<512x8xf32, #tpu.memory_space<vmem>>, %arg9: memref<128x512xf32, #tpu.memory_space<vmem>>, %arg10: memref<128x512xf32, #tpu.memory_space<vmem>>, %arg11: memref<512x8xf32, #tpu.memory_space<vmem>>, %arg12: memref<512x512xf32, #tpu.memory_space<vmem>>, %arg13: memref<512x8xf32, #tpu.memory_space<vmem>>, %arg14: memref<1x1024x128xf32, #tpu.memory_space<vmem>>) attributes {dimension_semantics = [#tpu.dimension_semantics<arbitrary>], iteration_bounds = array<i64: 4>, scalar_prefetch = 0 : i64, scratch_operands = 0 : i64, tpu.core_type = #tpu.core_type<tc>, window_params = [{transform_indices = @transform_0, window_bounds = array<i64: 1, 1024, 128>}, {transform_indices = @transform_1, window_bounds = array<i64: 1, 1024, 128>}, {transform_indices = @transform_2, window_bounds = array<i64: 1, 1024, 128>}, {transform_indices = @transform_3, window_bounds = array<i64: 1, 1024, 1024>}, {pipeline_mode = #tpu.pipeline_mode<synchronous>, transform_indices = @transform_4, window_bounds = array<i64: 128, 512>}, {pipeline_mode = #tpu.pipeline_mode<synchronous>, transform_indices = @transform_5, window_bounds = array<i64: 512, 8>}, {pipeline_mode = #tpu.pipeline_mode<synchronous>, transform_indices = @transform_6, window_bounds = array<i64: 512, 512>}, {pipeline_mode = #tpu.pipeline_mode<synchronous>, transform_indices = @transform_7, window_bounds = array<i64: 512, 8>}, {pipeline_mode = #tpu.pipeline_mode<synchronous>, transform_indices = @transform_8, window_bounds = array<i64: 128, 512>}, {pipeline_mode = #tpu.pipeline_mode<synchronous>, transform_indices = @transform_9, window_bounds = array<i64: 128, 512>}, {pipeline_mode = #tpu.pipeline_mode<synchronous>, transform_indices = @transform_10, window_bounds = array<i64: 512, 8>}, {pipeline_mode = #tpu.pipeline_mode<synchronous>, transform_indices = @transform_11, window_bounds = array<i64: 512, 512>}, {pipeline_mode = #tpu.pipeline_mode<synchronous>, transform_indices = @transform_12, window_bounds = array<i64: 512, 8>}, {transform_indices = @transform_13, window_bounds = array<i64: 1, 1024, 128>}]} {
    %get3A = arith.constant 0 : index
    %get3A_0 = arith.constant 0 : index
    %get3A_1 = arith.constant 0 : index
    %get3A_2 = vector.load %arg4[%get3A, %get3A_0, %get3A_1] : memref<1x1024x1024xi8, #tpu.memory_space<vmem>>, vector<1x1024x1024xi8>
    %get3A_3 = vector.shape_cast %get3A_2 : vector<1x1024x1024xi8> to vector<1024x1024xi8>
    %convert_element_type3A = arith.sitofp %get3A_3 : vector<1024x1024xi8> to vector<1024x1024xf32>
    %get3A_4 = arith.constant 0 : index
    %get3A_5 = arith.constant 0 : index
    %get3A_6 = arith.constant 0 : index
    %get3A_7 = vector.load %arg1[%get3A_4, %get3A_5, %get3A_6] : memref<1x1024x128xf32, #tpu.memory_space<vmem>>, vector<1x1024x128xf32>
    %get3A_8 = vector.shape_cast %get3A_7 : vector<1x1024x128xf32> to vector<1024x128xf32>
    %get3A_9 = arith.constant 0 : index
    %get3A_10 = arith.constant 0 : index
    %get3A_11 = vector.load %arg5[%get3A_9, %get3A_10] : memref<128x512xf32, #tpu.memory_space<vmem>>, vector<128x512xf32>
    %dot_general3A = arith.constant dense<0.000000e+00> : vector<1024x512xf32>
    %dot_general3A_12 = tpu.matmul %get3A_8, %get3A_11, %dot_general3A {dimension_numbers = #tpu.dot_dimension_numbers<[1], [0], [0], [1], [0, 0, 1, 1], [], []>, transpose_lhs_hint = false} : vector<1024x128xf32>, vector<128x512xf32>, vector<1024x512xf32> -> vector<1024x512xf32>
    %get3A_13 = arith.constant 0 : index
    %get3A_14 = arith.constant 0 : index
    %get3A_15 = vector.load %arg6[%get3A_13, %get3A_14] : memref<512x8xf32, #tpu.memory_space<vmem>>, vector<512x8xf32>
    %dot_general3A_16 = arith.constant dense<0.000000e+00> : vector<8x1024xf32>
    %dot_general3A_17 = tpu.matmul %get3A_15, %dot_general3A_12, %dot_general3A_16 {dimension_numbers = #tpu.dot_dimension_numbers<[0], [1], [1], [0], [0, 1, 1, 0], [], []>, transpose_lhs_hint = false} : vector<512x8xf32>, vector<1024x512xf32>, vector<8x1024xf32> -> vector<8x1024xf32>
    %slice3A = vector.extract_strided_slice %dot_general3A_17 {offsets = [0, 0], sizes = [1, 1024], strides = [1, 1]} : vector<8x1024xf32> to vector<1x1024xf32>
    %squeeze3A = vector.shape_cast %slice3A : vector<1x1024xf32> to vector<1024xf32>
    %slice3A_18 = vector.extract_strided_slice %dot_general3A_17 {offsets = [4, 0], sizes = [1, 1024], strides = [1, 1]} : vector<8x1024xf32> to vector<1x1024xf32>
    %squeeze3A_19 = vector.shape_cast %slice3A_18 : vector<1x1024xf32> to vector<1024xf32>
    %reduce_max3A = vector.shape_cast %squeeze3A_19 : vector<1024xf32> to vector<1x1024xf32>
    %reduce_max3A_20 = arith.constant dense<0xFF800000> : vector<1xf32>
    %reduce_max3A_21 = vector.multi_reduction <maximumf>, %reduce_max3A, %reduce_max3A_20 [1] : vector<1x1024xf32> to vector<1xf32>
    %reduce_max3A_22 = vector.shape_cast %reduce_max3A_21 : vector<1xf32> to vector<1x1xf32>
    %reduce_max3A_23 = vector.extract %reduce_max3A_22[0, 0] : f32 from vector<1x1xf32>
    %add3A = vector.broadcast %reduce_max3A_23 : f32 to vector<1024xf32>
    %add3A_24 = arith.addf %squeeze3A, %add3A : vector<1024xf32>
    %mul3A = arith.constant 2.000000e-01 : f32
    %mul3A_25 = vector.broadcast %mul3A : f32 to vector<1024xf32>
    %mul3A_26 = arith.mulf %mul3A_25, %add3A_24 : vector<1024xf32>
    %max3A = arith.maximumf %add3A_24, %mul3A_26 : vector<1024xf32>
    %sub3A = arith.subf %squeeze3A, %max3A : vector<1024xf32>
    %broadcast_in_dim3A = vector.shape_cast %sub3A : vector<1024xf32> to vector<1024x1xf32>
    %broadcast_in_dim3A_27 = vector.shape_cast %squeeze3A_19 : vector<1024xf32> to vector<1x1024xf32>
    %add3A_28 = vector.broadcast %broadcast_in_dim3A : vector<1024x1xf32> to vector<1024x1024xf32>
    %add3A_29 = vector.broadcast %broadcast_in_dim3A_27 : vector<1x1024xf32> to vector<1024x1024xf32>
    %add3A_30 = arith.addf %add3A_28, %add3A_29 : vector<1024x1024xf32>
    %mul3A_31 = arith.constant 2.000000e-01 : f32
    %mul3A_32 = vector.broadcast %mul3A_31 : f32 to vector<1024xf32>
    %mul3A_33 = arith.mulf %mul3A_32, %squeeze3A : vector<1024xf32>
    %sub3A_34 = arith.subf %mul3A_33, %max3A : vector<1024xf32>
    %broadcast_in_dim3A_35 = vector.shape_cast %sub3A_34 : vector<1024xf32> to vector<1024x1xf32>
    %mul3A_36 = arith.constant 2.000000e-01 : f32
    %mul3A_37 = vector.broadcast %mul3A_36 : f32 to vector<1024xf32>
    %mul3A_38 = arith.mulf %mul3A_37, %squeeze3A_19 : vector<1024xf32>
    %broadcast_in_dim3A_39 = vector.shape_cast %mul3A_38 : vector<1024xf32> to vector<1x1024xf32>
    %add3A_40 = vector.broadcast %broadcast_in_dim3A_35 : vector<1024x1xf32> to vector<1024x1024xf32>
    %add3A_41 = vector.broadcast %broadcast_in_dim3A_39 : vector<1x1024xf32> to vector<1024x1024xf32>
    %add3A_42 = arith.addf %add3A_40, %add3A_41 : vector<1024x1024xf32>
    %max3A_43 = arith.maximumf %add3A_30, %add3A_42 : vector<1024x1024xf32>
    %exp3A = math.exp %max3A_43 : vector<1024x1024xf32>
    %mul3A_44 = arith.mulf %exp3A, %convert_element_type3A : vector<1024x1024xf32>
    %slice3A_45 = vector.extract_strided_slice %dot_general3A_12 {offsets = [0, 0], sizes = [1024, 128], strides = [1, 1]} : vector<1024x512xf32> to vector<1024x128xf32>
    %broadcast_in_dim3A_46 = arith.constant 1.000000e+00 : f32
    %broadcast_in_dim3A_47 = vector.broadcast %broadcast_in_dim3A_46 : f32 to vector<1024x128xf32>
    %concatenate3A = tpu.concatenate %slice3A_45, %broadcast_in_dim3A_47 in 1 : vector<1024x128xf32>, vector<1024x128xf32> -> vector<1024x256xf32>
    %dot_general3A_48 = arith.constant dense<0.000000e+00> : vector<1024x256xf32>
    %dot_general3A_49 = tpu.matmul %mul3A_44, %concatenate3A, %dot_general3A_48 {dimension_numbers = #tpu.dot_dimension_numbers<[1], [0], [0], [1], [0, 0, 1, 1], [], []>, transpose_lhs_hint = false} : vector<1024x1024xf32>, vector<1024x256xf32>, vector<1024x256xf32> -> vector<1024x256xf32>
    %slice3A_50 = vector.extract_strided_slice %dot_general3A_49 {offsets = [0, 0], sizes = [1024, 128], strides = [1, 1]} : vector<1024x256xf32> to vector<1024x128xf32>
    %slice3A_51 = vector.extract_strided_slice %dot_general3A_49 {offsets = [0, 128], sizes = [1024, 1], strides = [1, 1]} : vector<1024x256xf32> to vector<1024x1xf32>
    %div3A = arith.constant 1.000000e+00 : f32
    %div3A_52 = vector.broadcast %div3A : f32 to vector<1024x1xf32>
    %div3A_53 = arith.divf %div3A_52, %slice3A_51 : vector<1024x1xf32>
    %mul3A_54 = vector.broadcast %div3A_53 : vector<1024x1xf32> to vector<1024x128xf32>
    %mul3A_55 = arith.mulf %slice3A_50, %mul3A_54 : vector<1024x128xf32>
    %slice3A_56 = vector.extract_strided_slice %dot_general3A_17 {offsets = [1, 0], sizes = [1, 1024], strides = [1, 1]} : vector<8x1024xf32> to vector<1x1024xf32>
    %squeeze3A_57 = vector.shape_cast %slice3A_56 : vector<1x1024xf32> to vector<1024xf32>
    %slice3A_58 = vector.extract_strided_slice %dot_general3A_17 {offsets = [5, 0], sizes = [1, 1024], strides = [1, 1]} : vector<8x1024xf32> to vector<1x1024xf32>
    %squeeze3A_59 = vector.shape_cast %slice3A_58 : vector<1x1024xf32> to vector<1024xf32>
    %reduce_max3A_60 = vector.shape_cast %squeeze3A_59 : vector<1024xf32> to vector<1x1024xf32>
    %reduce_max3A_61 = arith.constant dense<0xFF800000> : vector<1xf32>
    %reduce_max3A_62 = vector.multi_reduction <maximumf>, %reduce_max3A_60, %reduce_max3A_61 [1] : vector<1x1024xf32> to vector<1xf32>
    %reduce_max3A_63 = vector.shape_cast %reduce_max3A_62 : vector<1xf32> to vector<1x1xf32>
    %reduce_max3A_64 = vector.extract %reduce_max3A_63[0, 0] : f32 from vector<1x1xf32>
    %add3A_65 = vector.broadcast %reduce_max3A_64 : f32 to vector<1024xf32>
    %add3A_66 = arith.addf %squeeze3A_57, %add3A_65 : vector<1024xf32>
    %mul3A_67 = arith.constant 2.000000e-01 : f32
    %mul3A_68 = vector.broadcast %mul3A_67 : f32 to vector<1024xf32>
    %mul3A_69 = arith.mulf %mul3A_68, %add3A_66 : vector<1024xf32>
    %max3A_70 = arith.maximumf %add3A_66, %mul3A_69 : vector<1024xf32>
    %sub3A_71 = arith.subf %squeeze3A_57, %max3A_70 : vector<1024xf32>
    %broadcast_in_dim3A_72 = vector.shape_cast %sub3A_71 : vector<1024xf32> to vector<1024x1xf32>
    %broadcast_in_dim3A_73 = vector.shape_cast %squeeze3A_59 : vector<1024xf32> to vector<1x1024xf32>
    %add3A_74 = vector.broadcast %broadcast_in_dim3A_72 : vector<1024x1xf32> to vector<1024x1024xf32>
    %add3A_75 = vector.broadcast %broadcast_in_dim3A_73 : vector<1x1024xf32> to vector<1024x1024xf32>
    %add3A_76 = arith.addf %add3A_74, %add3A_75 : vector<1024x1024xf32>
    %mul3A_77 = arith.constant 2.000000e-01 : f32
    %mul3A_78 = vector.broadcast %mul3A_77 : f32 to vector<1024xf32>
    %mul3A_79 = arith.mulf %mul3A_78, %squeeze3A_57 : vector<1024xf32>
    %sub3A_80 = arith.subf %mul3A_79, %max3A_70 : vector<1024xf32>
    %broadcast_in_dim3A_81 = vector.shape_cast %sub3A_80 : vector<1024xf32> to vector<1024x1xf32>
    %mul3A_82 = arith.constant 2.000000e-01 : f32
    %mul3A_83 = vector.broadcast %mul3A_82 : f32 to vector<1024xf32>
    %mul3A_84 = arith.mulf %mul3A_83, %squeeze3A_59 : vector<1024xf32>
    %broadcast_in_dim3A_85 = vector.shape_cast %mul3A_84 : vector<1024xf32> to vector<1x1024xf32>
    %add3A_86 = vector.broadcast %broadcast_in_dim3A_81 : vector<1024x1xf32> to vector<1024x1024xf32>
    %add3A_87 = vector.broadcast %broadcast_in_dim3A_85 : vector<1x1024xf32> to vector<1024x1024xf32>
    %add3A_88 = arith.addf %add3A_86, %add3A_87 : vector<1024x1024xf32>
    %max3A_89 = arith.maximumf %add3A_76, %add3A_88 : vector<1024x1024xf32>
    %exp3A_90 = math.exp %max3A_89 : vector<1024x1024xf32>
    %mul3A_91 = arith.mulf %exp3A_90, %convert_element_type3A : vector<1024x1024xf32>
    %slice3A_92 = vector.extract_strided_slice %dot_general3A_12 {offsets = [0, 128], sizes = [1024, 128], strides = [1, 1]} : vector<1024x512xf32> to vector<1024x128xf32>
    %broadcast_in_dim3A_93 = arith.constant 1.000000e+00 : f32
    %broadcast_in_dim3A_94 = vector.broadcast %broadcast_in_dim3A_93 : f32 to vector<1024x128xf32>
    %concatenate3A_95 = tpu.concatenate %slice3A_92, %broadcast_in_dim3A_94 in 1 : vector<1024x128xf32>, vector<1024x128xf32> -> vector<1024x256xf32>
    %dot_general3A_96 = arith.constant dense<0.000000e+00> : vector<1024x256xf32>
    %dot_general3A_97 = tpu.matmul %mul3A_91, %concatenate3A_95, %dot_general3A_96 {dimension_numbers = #tpu.dot_dimension_numbers<[1], [0], [0], [1], [0, 0, 1, 1], [], []>, transpose_lhs_hint = false} : vector<1024x1024xf32>, vector<1024x256xf32>, vector<1024x256xf32> -> vector<1024x256xf32>
    %slice3A_98 = vector.extract_strided_slice %dot_general3A_97 {offsets = [0, 0], sizes = [1024, 128], strides = [1, 1]} : vector<1024x256xf32> to vector<1024x128xf32>
    %slice3A_99 = vector.extract_strided_slice %dot_general3A_97 {offsets = [0, 128], sizes = [1024, 1], strides = [1, 1]} : vector<1024x256xf32> to vector<1024x1xf32>
    %div3A_100 = arith.constant 1.000000e+00 : f32
    %div3A_101 = vector.broadcast %div3A_100 : f32 to vector<1024x1xf32>
    %div3A_102 = arith.divf %div3A_101, %slice3A_99 : vector<1024x1xf32>
    %mul3A_103 = vector.broadcast %div3A_102 : vector<1024x1xf32> to vector<1024x128xf32>
    %mul3A_104 = arith.mulf %slice3A_98, %mul3A_103 : vector<1024x128xf32>
    %slice3A_105 = vector.extract_strided_slice %dot_general3A_17 {offsets = [2, 0], sizes = [1, 1024], strides = [1, 1]} : vector<8x1024xf32> to vector<1x1024xf32>
    %squeeze3A_106 = vector.shape_cast %slice3A_105 : vector<1x1024xf32> to vector<1024xf32>
    %slice3A_107 = vector.extract_strided_slice %dot_general3A_17 {offsets = [6, 0], sizes = [1, 1024], strides = [1, 1]} : vector<8x1024xf32> to vector<1x1024xf32>
    %squeeze3A_108 = vector.shape_cast %slice3A_107 : vector<1x1024xf32> to vector<1024xf32>
    %reduce_max3A_109 = vector.shape_cast %squeeze3A_108 : vector<1024xf32> to vector<1x1024xf32>
    %reduce_max3A_110 = arith.constant dense<0xFF800000> : vector<1xf32>
    %reduce_max3A_111 = vector.multi_reduction <maximumf>, %reduce_max3A_109, %reduce_max3A_110 [1] : vector<1x1024xf32> to vector<1xf32>
    %reduce_max3A_112 = vector.shape_cast %reduce_max3A_111 : vector<1xf32> to vector<1x1xf32>
    %reduce_max3A_113 = vector.extract %reduce_max3A_112[0, 0] : f32 from vector<1x1xf32>
    %add3A_114 = vector.broadcast %reduce_max3A_113 : f32 to vector<1024xf32>
    %add3A_115 = arith.addf %squeeze3A_106, %add3A_114 : vector<1024xf32>
    %mul3A_116 = arith.constant 2.000000e-01 : f32
    %mul3A_117 = vector.broadcast %mul3A_116 : f32 to vector<1024xf32>
    %mul3A_118 = arith.mulf %mul3A_117, %add3A_115 : vector<1024xf32>
    %max3A_119 = arith.maximumf %add3A_115, %mul3A_118 : vector<1024xf32>
    %sub3A_120 = arith.subf %squeeze3A_106, %max3A_119 : vector<1024xf32>
    %broadcast_in_dim3A_121 = vector.shape_cast %sub3A_120 : vector<1024xf32> to vector<1024x1xf32>
    %broadcast_in_dim3A_122 = vector.shape_cast %squeeze3A_108 : vector<1024xf32> to vector<1x1024xf32>
    %add3A_123 = vector.broadcast %broadcast_in_dim3A_121 : vector<1024x1xf32> to vector<1024x1024xf32>
    %add3A_124 = vector.broadcast %broadcast_in_dim3A_122 : vector<1x1024xf32> to vector<1024x1024xf32>
    %add3A_125 = arith.addf %add3A_123, %add3A_124 : vector<1024x1024xf32>
    %mul3A_126 = arith.constant 2.000000e-01 : f32
    %mul3A_127 = vector.broadcast %mul3A_126 : f32 to vector<1024xf32>
    %mul3A_128 = arith.mulf %mul3A_127, %squeeze3A_106 : vector<1024xf32>
    %sub3A_129 = arith.subf %mul3A_128, %max3A_119 : vector<1024xf32>
    %broadcast_in_dim3A_130 = vector.shape_cast %sub3A_129 : vector<1024xf32> to vector<1024x1xf32>
    %mul3A_131 = arith.constant 2.000000e-01 : f32
    %mul3A_132 = vector.broadcast %mul3A_131 : f32 to vector<1024xf32>
    %mul3A_133 = arith.mulf %mul3A_132, %squeeze3A_108 : vector<1024xf32>
    %broadcast_in_dim3A_134 = vector.shape_cast %mul3A_133 : vector<1024xf32> to vector<1x1024xf32>
    %add3A_135 = vector.broadcast %broadcast_in_dim3A_130 : vector<1024x1xf32> to vector<1024x1024xf32>
    %add3A_136 = vector.broadcast %broadcast_in_dim3A_134 : vector<1x1024xf32> to vector<1024x1024xf32>
    %add3A_137 = arith.addf %add3A_135, %add3A_136 : vector<1024x1024xf32>
    %max3A_138 = arith.maximumf %add3A_125, %add3A_137 : vector<1024x1024xf32>
    %exp3A_139 = math.exp %max3A_138 : vector<1024x1024xf32>
    %mul3A_140 = arith.mulf %exp3A_139, %convert_element_type3A : vector<1024x1024xf32>
    %slice3A_141 = vector.extract_strided_slice %dot_general3A_12 {offsets = [0, 256], sizes = [1024, 128], strides = [1, 1]} : vector<1024x512xf32> to vector<1024x128xf32>
    %broadcast_in_dim3A_142 = arith.constant 1.000000e+00 : f32
    %broadcast_in_dim3A_143 = vector.broadcast %broadcast_in_dim3A_142 : f32 to vector<1024x128xf32>
    %concatenate3A_144 = tpu.concatenate %slice3A_141, %broadcast_in_dim3A_143 in 1 : vector<1024x128xf32>, vector<1024x128xf32> -> vector<1024x256xf32>
    %dot_general3A_145 = arith.constant dense<0.000000e+00> : vector<1024x256xf32>
    %dot_general3A_146 = tpu.matmul %mul3A_140, %concatenate3A_144, %dot_general3A_145 {dimension_numbers = #tpu.dot_dimension_numbers<[1], [0], [0], [1], [0, 0, 1, 1], [], []>, transpose_lhs_hint = false} : vector<1024x1024xf32>, vector<1024x256xf32>, vector<1024x256xf32> -> vector<1024x256xf32>
    %slice3A_147 = vector.extract_strided_slice %dot_general3A_146 {offsets = [0, 0], sizes = [1024, 128], strides = [1, 1]} : vector<1024x256xf32> to vector<1024x128xf32>
    %slice3A_148 = vector.extract_strided_slice %dot_general3A_146 {offsets = [0, 128], sizes = [1024, 1], strides = [1, 1]} : vector<1024x256xf32> to vector<1024x1xf32>
    %div3A_149 = arith.constant 1.000000e+00 : f32
    %div3A_150 = vector.broadcast %div3A_149 : f32 to vector<1024x1xf32>
    %div3A_151 = arith.divf %div3A_150, %slice3A_148 : vector<1024x1xf32>
    %mul3A_152 = vector.broadcast %div3A_151 : vector<1024x1xf32> to vector<1024x128xf32>
    %mul3A_153 = arith.mulf %slice3A_147, %mul3A_152 : vector<1024x128xf32>
    %slice3A_154 = vector.extract_strided_slice %dot_general3A_17 {offsets = [3, 0], sizes = [1, 1024], strides = [1, 1]} : vector<8x1024xf32> to vector<1x1024xf32>
    %squeeze3A_155 = vector.shape_cast %slice3A_154 : vector<1x1024xf32> to vector<1024xf32>
    %slice3A_156 = vector.extract_strided_slice %dot_general3A_17 {offsets = [7, 0], sizes = [1, 1024], strides = [1, 1]} : vector<8x1024xf32> to vector<1x1024xf32>
    %squeeze3A_157 = vector.shape_cast %slice3A_156 : vector<1x1024xf32> to vector<1024xf32>
    %reduce_max3A_158 = vector.shape_cast %squeeze3A_157 : vector<1024xf32> to vector<1x1024xf32>
    %reduce_max3A_159 = arith.constant dense<0xFF800000> : vector<1xf32>
    %reduce_max3A_160 = vector.multi_reduction <maximumf>, %reduce_max3A_158, %reduce_max3A_159 [1] : vector<1x1024xf32> to vector<1xf32>
    %reduce_max3A_161 = vector.shape_cast %reduce_max3A_160 : vector<1xf32> to vector<1x1xf32>
    %reduce_max3A_162 = vector.extract %reduce_max3A_161[0, 0] : f32 from vector<1x1xf32>
    %add3A_163 = vector.broadcast %reduce_max3A_162 : f32 to vector<1024xf32>
    %add3A_164 = arith.addf %squeeze3A_155, %add3A_163 : vector<1024xf32>
    %mul3A_165 = arith.constant 2.000000e-01 : f32
    %mul3A_166 = vector.broadcast %mul3A_165 : f32 to vector<1024xf32>
    %mul3A_167 = arith.mulf %mul3A_166, %add3A_164 : vector<1024xf32>
    %max3A_168 = arith.maximumf %add3A_164, %mul3A_167 : vector<1024xf32>
    %sub3A_169 = arith.subf %squeeze3A_155, %max3A_168 : vector<1024xf32>
    %broadcast_in_dim3A_170 = vector.shape_cast %sub3A_169 : vector<1024xf32> to vector<1024x1xf32>
    %broadcast_in_dim3A_171 = vector.shape_cast %squeeze3A_157 : vector<1024xf32> to vector<1x1024xf32>
    %add3A_172 = vector.broadcast %broadcast_in_dim3A_170 : vector<1024x1xf32> to vector<1024x1024xf32>
    %add3A_173 = vector.broadcast %broadcast_in_dim3A_171 : vector<1x1024xf32> to vector<1024x1024xf32>
    %add3A_174 = arith.addf %add3A_172, %add3A_173 : vector<1024x1024xf32>
    %mul3A_175 = arith.constant 2.000000e-01 : f32
    %mul3A_176 = vector.broadcast %mul3A_175 : f32 to vector<1024xf32>
    %mul3A_177 = arith.mulf %mul3A_176, %squeeze3A_155 : vector<1024xf32>
    %sub3A_178 = arith.subf %mul3A_177, %max3A_168 : vector<1024xf32>
    %broadcast_in_dim3A_179 = vector.shape_cast %sub3A_178 : vector<1024xf32> to vector<1024x1xf32>
    %mul3A_180 = arith.constant 2.000000e-01 : f32
    %mul3A_181 = vector.broadcast %mul3A_180 : f32 to vector<1024xf32>
    %mul3A_182 = arith.mulf %mul3A_181, %squeeze3A_157 : vector<1024xf32>
    %broadcast_in_dim3A_183 = vector.shape_cast %mul3A_182 : vector<1024xf32> to vector<1x1024xf32>
    %add3A_184 = vector.broadcast %broadcast_in_dim3A_179 : vector<1024x1xf32> to vector<1024x1024xf32>
    %add3A_185 = vector.broadcast %broadcast_in_dim3A_183 : vector<1x1024xf32> to vector<1024x1024xf32>
    %add3A_186 = arith.addf %add3A_184, %add3A_185 : vector<1024x1024xf32>
    %max3A_187 = arith.maximumf %add3A_174, %add3A_186 : vector<1024x1024xf32>
    %exp3A_188 = math.exp %max3A_187 : vector<1024x1024xf32>
    %mul3A_189 = arith.mulf %exp3A_188, %convert_element_type3A : vector<1024x1024xf32>
    %slice3A_190 = vector.extract_strided_slice %dot_general3A_12 {offsets = [0, 384], sizes = [1024, 128], strides = [1, 1]} : vector<1024x512xf32> to vector<1024x128xf32>
    %broadcast_in_dim3A_191 = arith.constant 1.000000e+00 : f32
    %broadcast_in_dim3A_192 = vector.broadcast %broadcast_in_dim3A_191 : f32 to vector<1024x128xf32>
    %concatenate3A_193 = tpu.concatenate %slice3A_190, %broadcast_in_dim3A_192 in 1 : vector<1024x128xf32>, vector<1024x128xf32> -> vector<1024x256xf32>
    %dot_general3A_194 = arith.constant dense<0.000000e+00> : vector<1024x256xf32>
    %dot_general3A_195 = tpu.matmul %mul3A_189, %concatenate3A_193, %dot_general3A_194 {dimension_numbers = #tpu.dot_dimension_numbers<[1], [0], [0], [1], [0, 0, 1, 1], [], []>, transpose_lhs_hint = false} : vector<1024x1024xf32>, vector<1024x256xf32>, vector<1024x256xf32> -> vector<1024x256xf32>
    %slice3A_196 = vector.extract_strided_slice %dot_general3A_195 {offsets = [0, 0], sizes = [1024, 128], strides = [1, 1]} : vector<1024x256xf32> to vector<1024x128xf32>
    %slice3A_197 = vector.extract_strided_slice %dot_general3A_195 {offsets = [0, 128], sizes = [1024, 1], strides = [1, 1]} : vector<1024x256xf32> to vector<1024x1xf32>
    %div3A_198 = arith.constant 1.000000e+00 : f32
    %div3A_199 = vector.broadcast %div3A_198 : f32 to vector<1024x1xf32>
    %div3A_200 = arith.divf %div3A_199, %slice3A_197 : vector<1024x1xf32>
    %mul3A_201 = vector.broadcast %div3A_200 : vector<1024x1xf32> to vector<1024x128xf32>
    %mul3A_202 = arith.mulf %slice3A_196, %mul3A_201 : vector<1024x128xf32>
    %concatenate3A_203 = tpu.concatenate %mul3A_55, %mul3A_104, %mul3A_153, %mul3A_202 in 1 : vector<1024x128xf32>, vector<1024x128xf32>, vector<1024x128xf32>, vector<1024x128xf32> -> vector<1024x512xf32>
    %get3A_204 = arith.constant 0 : index
    %get3A_205 = arith.constant 0 : index
    %get3A_206 = vector.load %arg7[%get3A_204, %get3A_205] : memref<512x512xf32, #tpu.memory_space<vmem>>, vector<512x512xf32>
    %dot_general3A_207 = arith.constant dense<0.000000e+00> : vector<1024x512xf32>
    %dot_general3A_208 = tpu.matmul %concatenate3A_203, %get3A_206, %dot_general3A_207 {dimension_numbers = #tpu.dot_dimension_numbers<[1], [0], [0], [1], [0, 0, 1, 1], [], []>, transpose_lhs_hint = false} : vector<1024x512xf32>, vector<512x512xf32>, vector<1024x512xf32> -> vector<1024x512xf32>
    %get3A_209 = arith.constant 0 : index
    %get3A_210 = arith.constant 0 : index
    %get3A_211 = vector.load %arg8[%get3A_209, %get3A_210] : memref<512x8xf32, #tpu.memory_space<vmem>>, vector<512x8xf32>
    %dot_general3A_212 = arith.constant dense<0.000000e+00> : vector<8x1024xf32>
    %dot_general3A_213 = tpu.matmul %get3A_211, %dot_general3A_208, %dot_general3A_212 {dimension_numbers = #tpu.dot_dimension_numbers<[0], [1], [1], [0], [0, 1, 1, 0], [], []>, transpose_lhs_hint = false} : vector<512x8xf32>, vector<1024x512xf32>, vector<8x1024xf32> -> vector<8x1024xf32>
    %slice3A_214 = vector.extract_strided_slice %dot_general3A_213 {offsets = [0, 0], sizes = [1, 1024], strides = [1, 1]} : vector<8x1024xf32> to vector<1x1024xf32>
    %squeeze3A_215 = vector.shape_cast %slice3A_214 : vector<1x1024xf32> to vector<1024xf32>
    %slice3A_216 = vector.extract_strided_slice %dot_general3A_213 {offsets = [4, 0], sizes = [1, 1024], strides = [1, 1]} : vector<8x1024xf32> to vector<1x1024xf32>
    %squeeze3A_217 = vector.shape_cast %slice3A_216 : vector<1x1024xf32> to vector<1024xf32>
    %reduce_max3A_218 = vector.shape_cast %squeeze3A_217 : vector<1024xf32> to vector<1x1024xf32>
    %reduce_max3A_219 = arith.constant dense<0xFF800000> : vector<1xf32>
    %reduce_max3A_220 = vector.multi_reduction <maximumf>, %reduce_max3A_218, %reduce_max3A_219 [1] : vector<1x1024xf32> to vector<1xf32>
    %reduce_max3A_221 = vector.shape_cast %reduce_max3A_220 : vector<1xf32> to vector<1x1xf32>
    %reduce_max3A_222 = vector.extract %reduce_max3A_221[0, 0] : f32 from vector<1x1xf32>
    %add3A_223 = vector.broadcast %reduce_max3A_222 : f32 to vector<1024xf32>
    %add3A_224 = arith.addf %squeeze3A_215, %add3A_223 : vector<1024xf32>
    %mul3A_225 = arith.constant 2.000000e-01 : f32
    %mul3A_226 = vector.broadcast %mul3A_225 : f32 to vector<1024xf32>
    %mul3A_227 = arith.mulf %mul3A_226, %add3A_224 : vector<1024xf32>
    %max3A_228 = arith.maximumf %add3A_224, %mul3A_227 : vector<1024xf32>
    %sub3A_229 = arith.subf %squeeze3A_215, %max3A_228 : vector<1024xf32>
    %broadcast_in_dim3A_230 = vector.shape_cast %sub3A_229 : vector<1024xf32> to vector<1024x1xf32>
    %broadcast_in_dim3A_231 = vector.shape_cast %squeeze3A_217 : vector<1024xf32> to vector<1x1024xf32>
    %add3A_232 = vector.broadcast %broadcast_in_dim3A_230 : vector<1024x1xf32> to vector<1024x1024xf32>
    %add3A_233 = vector.broadcast %broadcast_in_dim3A_231 : vector<1x1024xf32> to vector<1024x1024xf32>
    %add3A_234 = arith.addf %add3A_232, %add3A_233 : vector<1024x1024xf32>
    %mul3A_235 = arith.constant 2.000000e-01 : f32
    %mul3A_236 = vector.broadcast %mul3A_235 : f32 to vector<1024xf32>
    %mul3A_237 = arith.mulf %mul3A_236, %squeeze3A_215 : vector<1024xf32>
    %sub3A_238 = arith.subf %mul3A_237, %max3A_228 : vector<1024xf32>
    %broadcast_in_dim3A_239 = vector.shape_cast %sub3A_238 : vector<1024xf32> to vector<1024x1xf32>
    %mul3A_240 = arith.constant 2.000000e-01 : f32
    %mul3A_241 = vector.broadcast %mul3A_240 : f32 to vector<1024xf32>
    %mul3A_242 = arith.mulf %mul3A_241, %squeeze3A_217 : vector<1024xf32>
    %broadcast_in_dim3A_243 = vector.shape_cast %mul3A_242 : vector<1024xf32> to vector<1x1024xf32>
    %add3A_244 = vector.broadcast %broadcast_in_dim3A_239 : vector<1024x1xf32> to vector<1024x1024xf32>
    %add3A_245 = vector.broadcast %broadcast_in_dim3A_243 : vector<1x1024xf32> to vector<1024x1024xf32>
    %add3A_246 = arith.addf %add3A_244, %add3A_245 : vector<1024x1024xf32>
    %max3A_247 = arith.maximumf %add3A_234, %add3A_246 : vector<1024x1024xf32>
    %exp3A_248 = math.exp %max3A_247 : vector<1024x1024xf32>
    %mul3A_249 = arith.mulf %exp3A_248, %convert_element_type3A : vector<1024x1024xf32>
    %slice3A_250 = vector.extract_strided_slice %dot_general3A_208 {offsets = [0, 0], sizes = [1024, 128], strides = [1, 1]} : vector<1024x512xf32> to vector<1024x128xf32>
    %broadcast_in_dim3A_251 = arith.constant 1.000000e+00 : f32
    %broadcast_in_dim3A_252 = vector.broadcast %broadcast_in_dim3A_251 : f32 to vector<1024x128xf32>
    %concatenate3A_253 = tpu.concatenate %slice3A_250, %broadcast_in_dim3A_252 in 1 : vector<1024x128xf32>, vector<1024x128xf32> -> vector<1024x256xf32>
    %dot_general3A_254 = arith.constant dense<0.000000e+00> : vector<1024x256xf32>
    %dot_general3A_255 = tpu.matmul %mul3A_249, %concatenate3A_253, %dot_general3A_254 {dimension_numbers = #tpu.dot_dimension_numbers<[1], [0], [0], [1], [0, 0, 1, 1], [], []>, transpose_lhs_hint = false} : vector<1024x1024xf32>, vector<1024x256xf32>, vector<1024x256xf32> -> vector<1024x256xf32>
    %slice3A_256 = vector.extract_strided_slice %dot_general3A_255 {offsets = [0, 0], sizes = [1024, 128], strides = [1, 1]} : vector<1024x256xf32> to vector<1024x128xf32>
    %slice3A_257 = vector.extract_strided_slice %dot_general3A_255 {offsets = [0, 128], sizes = [1024, 1], strides = [1, 1]} : vector<1024x256xf32> to vector<1024x1xf32>
    %div3A_258 = arith.constant 1.000000e+00 : f32
    %div3A_259 = vector.broadcast %div3A_258 : f32 to vector<1024x1xf32>
    %div3A_260 = arith.divf %div3A_259, %slice3A_257 : vector<1024x1xf32>
    %mul3A_261 = vector.broadcast %div3A_260 : vector<1024x1xf32> to vector<1024x128xf32>
    %mul3A_262 = arith.mulf %slice3A_256, %mul3A_261 : vector<1024x128xf32>
    %slice3A_263 = vector.extract_strided_slice %dot_general3A_213 {offsets = [1, 0], sizes = [1, 1024], strides = [1, 1]} : vector<8x1024xf32> to vector<1x1024xf32>
    %squeeze3A_264 = vector.shape_cast %slice3A_263 : vector<1x1024xf32> to vector<1024xf32>
    %slice3A_265 = vector.extract_strided_slice %dot_general3A_213 {offsets = [5, 0], sizes = [1, 1024], strides = [1, 1]} : vector<8x1024xf32> to vector<1x1024xf32>
    %squeeze3A_266 = vector.shape_cast %slice3A_265 : vector<1x1024xf32> to vector<1024xf32>
    %reduce_max3A_267 = vector.shape_cast %squeeze3A_266 : vector<1024xf32> to vector<1x1024xf32>
    %reduce_max3A_268 = arith.constant dense<0xFF800000> : vector<1xf32>
    %reduce_max3A_269 = vector.multi_reduction <maximumf>, %reduce_max3A_267, %reduce_max3A_268 [1] : vector<1x1024xf32> to vector<1xf32>
    %reduce_max3A_270 = vector.shape_cast %reduce_max3A_269 : vector<1xf32> to vector<1x1xf32>
    %reduce_max3A_271 = vector.extract %reduce_max3A_270[0, 0] : f32 from vector<1x1xf32>
    %add3A_272 = vector.broadcast %reduce_max3A_271 : f32 to vector<1024xf32>
    %add3A_273 = arith.addf %squeeze3A_264, %add3A_272 : vector<1024xf32>
    %mul3A_274 = arith.constant 2.000000e-01 : f32
    %mul3A_275 = vector.broadcast %mul3A_274 : f32 to vector<1024xf32>
    %mul3A_276 = arith.mulf %mul3A_275, %add3A_273 : vector<1024xf32>
    %max3A_277 = arith.maximumf %add3A_273, %mul3A_276 : vector<1024xf32>
    %sub3A_278 = arith.subf %squeeze3A_264, %max3A_277 : vector<1024xf32>
    %broadcast_in_dim3A_279 = vector.shape_cast %sub3A_278 : vector<1024xf32> to vector<1024x1xf32>
    %broadcast_in_dim3A_280 = vector.shape_cast %squeeze3A_266 : vector<1024xf32> to vector<1x1024xf32>
    %add3A_281 = vector.broadcast %broadcast_in_dim3A_279 : vector<1024x1xf32> to vector<1024x1024xf32>
    %add3A_282 = vector.broadcast %broadcast_in_dim3A_280 : vector<1x1024xf32> to vector<1024x1024xf32>
    %add3A_283 = arith.addf %add3A_281, %add3A_282 : vector<1024x1024xf32>
    %mul3A_284 = arith.constant 2.000000e-01 : f32
    %mul3A_285 = vector.broadcast %mul3A_284 : f32 to vector<1024xf32>
    %mul3A_286 = arith.mulf %mul3A_285, %squeeze3A_264 : vector<1024xf32>
    %sub3A_287 = arith.subf %mul3A_286, %max3A_277 : vector<1024xf32>
    %broadcast_in_dim3A_288 = vector.shape_cast %sub3A_287 : vector<1024xf32> to vector<1024x1xf32>
    %mul3A_289 = arith.constant 2.000000e-01 : f32
    %mul3A_290 = vector.broadcast %mul3A_289 : f32 to vector<1024xf32>
    %mul3A_291 = arith.mulf %mul3A_290, %squeeze3A_266 : vector<1024xf32>
    %broadcast_in_dim3A_292 = vector.shape_cast %mul3A_291 : vector<1024xf32> to vector<1x1024xf32>
    %add3A_293 = vector.broadcast %broadcast_in_dim3A_288 : vector<1024x1xf32> to vector<1024x1024xf32>
    %add3A_294 = vector.broadcast %broadcast_in_dim3A_292 : vector<1x1024xf32> to vector<1024x1024xf32>
    %add3A_295 = arith.addf %add3A_293, %add3A_294 : vector<1024x1024xf32>
    %max3A_296 = arith.maximumf %add3A_283, %add3A_295 : vector<1024x1024xf32>
    %exp3A_297 = math.exp %max3A_296 : vector<1024x1024xf32>
    %mul3A_298 = arith.mulf %exp3A_297, %convert_element_type3A : vector<1024x1024xf32>
    %slice3A_299 = vector.extract_strided_slice %dot_general3A_208 {offsets = [0, 128], sizes = [1024, 128], strides = [1, 1]} : vector<1024x512xf32> to vector<1024x128xf32>
    %broadcast_in_dim3A_300 = arith.constant 1.000000e+00 : f32
    %broadcast_in_dim3A_301 = vector.broadcast %broadcast_in_dim3A_300 : f32 to vector<1024x128xf32>
    %concatenate3A_302 = tpu.concatenate %slice3A_299, %broadcast_in_dim3A_301 in 1 : vector<1024x128xf32>, vector<1024x128xf32> -> vector<1024x256xf32>
    %dot_general3A_303 = arith.constant dense<0.000000e+00> : vector<1024x256xf32>
    %dot_general3A_304 = tpu.matmul %mul3A_298, %concatenate3A_302, %dot_general3A_303 {dimension_numbers = #tpu.dot_dimension_numbers<[1], [0], [0], [1], [0, 0, 1, 1], [], []>, transpose_lhs_hint = false} : vector<1024x1024xf32>, vector<1024x256xf32>, vector<1024x256xf32> -> vector<1024x256xf32>
    %slice3A_305 = vector.extract_strided_slice %dot_general3A_304 {offsets = [0, 0], sizes = [1024, 128], strides = [1, 1]} : vector<1024x256xf32> to vector<1024x128xf32>
    %slice3A_306 = vector.extract_strided_slice %dot_general3A_304 {offsets = [0, 128], sizes = [1024, 1], strides = [1, 1]} : vector<1024x256xf32> to vector<1024x1xf32>
    %div3A_307 = arith.constant 1.000000e+00 : f32
    %div3A_308 = vector.broadcast %div3A_307 : f32 to vector<1024x1xf32>
    %div3A_309 = arith.divf %div3A_308, %slice3A_306 : vector<1024x1xf32>
    %mul3A_310 = vector.broadcast %div3A_309 : vector<1024x1xf32> to vector<1024x128xf32>
    %mul3A_311 = arith.mulf %slice3A_305, %mul3A_310 : vector<1024x128xf32>
    %slice3A_312 = vector.extract_strided_slice %dot_general3A_213 {offsets = [2, 0], sizes = [1, 1024], strides = [1, 1]} : vector<8x1024xf32> to vector<1x1024xf32>
    %squeeze3A_313 = vector.shape_cast %slice3A_312 : vector<1x1024xf32> to vector<1024xf32>
    %slice3A_314 = vector.extract_strided_slice %dot_general3A_213 {offsets = [6, 0], sizes = [1, 1024], strides = [1, 1]} : vector<8x1024xf32> to vector<1x1024xf32>
    %squeeze3A_315 = vector.shape_cast %slice3A_314 : vector<1x1024xf32> to vector<1024xf32>
    %reduce_max3A_316 = vector.shape_cast %squeeze3A_315 : vector<1024xf32> to vector<1x1024xf32>
    %reduce_max3A_317 = arith.constant dense<0xFF800000> : vector<1xf32>
    %reduce_max3A_318 = vector.multi_reduction <maximumf>, %reduce_max3A_316, %reduce_max3A_317 [1] : vector<1x1024xf32> to vector<1xf32>
    %reduce_max3A_319 = vector.shape_cast %reduce_max3A_318 : vector<1xf32> to vector<1x1xf32>
    %reduce_max3A_320 = vector.extract %reduce_max3A_319[0, 0] : f32 from vector<1x1xf32>
    %add3A_321 = vector.broadcast %reduce_max3A_320 : f32 to vector<1024xf32>
    %add3A_322 = arith.addf %squeeze3A_313, %add3A_321 : vector<1024xf32>
    %mul3A_323 = arith.constant 2.000000e-01 : f32
    %mul3A_324 = vector.broadcast %mul3A_323 : f32 to vector<1024xf32>
    %mul3A_325 = arith.mulf %mul3A_324, %add3A_322 : vector<1024xf32>
    %max3A_326 = arith.maximumf %add3A_322, %mul3A_325 : vector<1024xf32>
    %sub3A_327 = arith.subf %squeeze3A_313, %max3A_326 : vector<1024xf32>
    %broadcast_in_dim3A_328 = vector.shape_cast %sub3A_327 : vector<1024xf32> to vector<1024x1xf32>
    %broadcast_in_dim3A_329 = vector.shape_cast %squeeze3A_315 : vector<1024xf32> to vector<1x1024xf32>
    %add3A_330 = vector.broadcast %broadcast_in_dim3A_328 : vector<1024x1xf32> to vector<1024x1024xf32>
    %add3A_331 = vector.broadcast %broadcast_in_dim3A_329 : vector<1x1024xf32> to vector<1024x1024xf32>
    %add3A_332 = arith.addf %add3A_330, %add3A_331 : vector<1024x1024xf32>
    %mul3A_333 = arith.constant 2.000000e-01 : f32
    %mul3A_334 = vector.broadcast %mul3A_333 : f32 to vector<1024xf32>
    %mul3A_335 = arith.mulf %mul3A_334, %squeeze3A_313 : vector<1024xf32>
    %sub3A_336 = arith.subf %mul3A_335, %max3A_326 : vector<1024xf32>
    %broadcast_in_dim3A_337 = vector.shape_cast %sub3A_336 : vector<1024xf32> to vector<1024x1xf32>
    %mul3A_338 = arith.constant 2.000000e-01 : f32
    %mul3A_339 = vector.broadcast %mul3A_338 : f32 to vector<1024xf32>
    %mul3A_340 = arith.mulf %mul3A_339, %squeeze3A_315 : vector<1024xf32>
    %broadcast_in_dim3A_341 = vector.shape_cast %mul3A_340 : vector<1024xf32> to vector<1x1024xf32>
    %add3A_342 = vector.broadcast %broadcast_in_dim3A_337 : vector<1024x1xf32> to vector<1024x1024xf32>
    %add3A_343 = vector.broadcast %broadcast_in_dim3A_341 : vector<1x1024xf32> to vector<1024x1024xf32>
    %add3A_344 = arith.addf %add3A_342, %add3A_343 : vector<1024x1024xf32>
    %max3A_345 = arith.maximumf %add3A_332, %add3A_344 : vector<1024x1024xf32>
    %exp3A_346 = math.exp %max3A_345 : vector<1024x1024xf32>
    %mul3A_347 = arith.mulf %exp3A_346, %convert_element_type3A : vector<1024x1024xf32>
    %slice3A_348 = vector.extract_strided_slice %dot_general3A_208 {offsets = [0, 256], sizes = [1024, 128], strides = [1, 1]} : vector<1024x512xf32> to vector<1024x128xf32>
    %broadcast_in_dim3A_349 = arith.constant 1.000000e+00 : f32
    %broadcast_in_dim3A_350 = vector.broadcast %broadcast_in_dim3A_349 : f32 to vector<1024x128xf32>
    %concatenate3A_351 = tpu.concatenate %slice3A_348, %broadcast_in_dim3A_350 in 1 : vector<1024x128xf32>, vector<1024x128xf32> -> vector<1024x256xf32>
    %dot_general3A_352 = arith.constant dense<0.000000e+00> : vector<1024x256xf32>
    %dot_general3A_353 = tpu.matmul %mul3A_347, %concatenate3A_351, %dot_general3A_352 {dimension_numbers = #tpu.dot_dimension_numbers<[1], [0], [0], [1], [0, 0, 1, 1], [], []>, transpose_lhs_hint = false} : vector<1024x1024xf32>, vector<1024x256xf32>, vector<1024x256xf32> -> vector<1024x256xf32>
    %slice3A_354 = vector.extract_strided_slice %dot_general3A_353 {offsets = [0, 0], sizes = [1024, 128], strides = [1, 1]} : vector<1024x256xf32> to vector<1024x128xf32>
    %slice3A_355 = vector.extract_strided_slice %dot_general3A_353 {offsets = [0, 128], sizes = [1024, 1], strides = [1, 1]} : vector<1024x256xf32> to vector<1024x1xf32>
    %div3A_356 = arith.constant 1.000000e+00 : f32
    %div3A_357 = vector.broadcast %div3A_356 : f32 to vector<1024x1xf32>
    %div3A_358 = arith.divf %div3A_357, %slice3A_355 : vector<1024x1xf32>
    %mul3A_359 = vector.broadcast %div3A_358 : vector<1024x1xf32> to vector<1024x128xf32>
    %mul3A_360 = arith.mulf %slice3A_354, %mul3A_359 : vector<1024x128xf32>
    %slice3A_361 = vector.extract_strided_slice %dot_general3A_213 {offsets = [3, 0], sizes = [1, 1024], strides = [1, 1]} : vector<8x1024xf32> to vector<1x1024xf32>
    %squeeze3A_362 = vector.shape_cast %slice3A_361 : vector<1x1024xf32> to vector<1024xf32>
    %slice3A_363 = vector.extract_strided_slice %dot_general3A_213 {offsets = [7, 0], sizes = [1, 1024], strides = [1, 1]} : vector<8x1024xf32> to vector<1x1024xf32>
    %squeeze3A_364 = vector.shape_cast %slice3A_363 : vector<1x1024xf32> to vector<1024xf32>
    %reduce_max3A_365 = vector.shape_cast %squeeze3A_364 : vector<1024xf32> to vector<1x1024xf32>
    %reduce_max3A_366 = arith.constant dense<0xFF800000> : vector<1xf32>
    %reduce_max3A_367 = vector.multi_reduction <maximumf>, %reduce_max3A_365, %reduce_max3A_366 [1] : vector<1x1024xf32> to vector<1xf32>
    %reduce_max3A_368 = vector.shape_cast %reduce_max3A_367 : vector<1xf32> to vector<1x1xf32>
    %reduce_max3A_369 = vector.extract %reduce_max3A_368[0, 0] : f32 from vector<1x1xf32>
    %add3A_370 = vector.broadcast %reduce_max3A_369 : f32 to vector<1024xf32>
    %add3A_371 = arith.addf %squeeze3A_362, %add3A_370 : vector<1024xf32>
    %mul3A_372 = arith.constant 2.000000e-01 : f32
    %mul3A_373 = vector.broadcast %mul3A_372 : f32 to vector<1024xf32>
    %mul3A_374 = arith.mulf %mul3A_373, %add3A_371 : vector<1024xf32>
    %max3A_375 = arith.maximumf %add3A_371, %mul3A_374 : vector<1024xf32>
    %sub3A_376 = arith.subf %squeeze3A_362, %max3A_375 : vector<1024xf32>
    %broadcast_in_dim3A_377 = vector.shape_cast %sub3A_376 : vector<1024xf32> to vector<1024x1xf32>
    %broadcast_in_dim3A_378 = vector.shape_cast %squeeze3A_364 : vector<1024xf32> to vector<1x1024xf32>
    %add3A_379 = vector.broadcast %broadcast_in_dim3A_377 : vector<1024x1xf32> to vector<1024x1024xf32>
    %add3A_380 = vector.broadcast %broadcast_in_dim3A_378 : vector<1x1024xf32> to vector<1024x1024xf32>
    %add3A_381 = arith.addf %add3A_379, %add3A_380 : vector<1024x1024xf32>
    %mul3A_382 = arith.constant 2.000000e-01 : f32
    %mul3A_383 = vector.broadcast %mul3A_382 : f32 to vector<1024xf32>
    %mul3A_384 = arith.mulf %mul3A_383, %squeeze3A_362 : vector<1024xf32>
    %sub3A_385 = arith.subf %mul3A_384, %max3A_375 : vector<1024xf32>
    %broadcast_in_dim3A_386 = vector.shape_cast %sub3A_385 : vector<1024xf32> to vector<1024x1xf32>
    %mul3A_387 = arith.constant 2.000000e-01 : f32
    %mul3A_388 = vector.broadcast %mul3A_387 : f32 to vector<1024xf32>
    %mul3A_389 = arith.mulf %mul3A_388, %squeeze3A_364 : vector<1024xf32>
    %broadcast_in_dim3A_390 = vector.shape_cast %mul3A_389 : vector<1024xf32> to vector<1x1024xf32>
    %add3A_391 = vector.broadcast %broadcast_in_dim3A_386 : vector<1024x1xf32> to vector<1024x1024xf32>
    %add3A_392 = vector.broadcast %broadcast_in_dim3A_390 : vector<1x1024xf32> to vector<1024x1024xf32>
    %add3A_393 = arith.addf %add3A_391, %add3A_392 : vector<1024x1024xf32>
    %max3A_394 = arith.maximumf %add3A_381, %add3A_393 : vector<1024x1024xf32>
    %exp3A_395 = math.exp %max3A_394 : vector<1024x1024xf32>
    %mul3A_396 = arith.mulf %exp3A_395, %convert_element_type3A : vector<1024x1024xf32>
    %slice3A_397 = vector.extract_strided_slice %dot_general3A_208 {offsets = [0, 384], sizes = [1024, 128], strides = [1, 1]} : vector<1024x512xf32> to vector<1024x128xf32>
    %broadcast_in_dim3A_398 = arith.constant 1.000000e+00 : f32
    %broadcast_in_dim3A_399 = vector.broadcast %broadcast_in_dim3A_398 : f32 to vector<1024x128xf32>
    %concatenate3A_400 = tpu.concatenate %slice3A_397, %broadcast_in_dim3A_399 in 1 : vector<1024x128xf32>, vector<1024x128xf32> -> vector<1024x256xf32>
    %dot_general3A_401 = arith.constant dense<0.000000e+00> : vector<1024x256xf32>
    %dot_general3A_402 = tpu.matmul %mul3A_396, %concatenate3A_400, %dot_general3A_401 {dimension_numbers = #tpu.dot_dimension_numbers<[1], [0], [0], [1], [0, 0, 1, 1], [], []>, transpose_lhs_hint = false} : vector<1024x1024xf32>, vector<1024x256xf32>, vector<1024x256xf32> -> vector<1024x256xf32>
    %slice3A_403 = vector.extract_strided_slice %dot_general3A_402 {offsets = [0, 0], sizes = [1024, 128], strides = [1, 1]} : vector<1024x256xf32> to vector<1024x128xf32>
    %slice3A_404 = vector.extract_strided_slice %dot_general3A_402 {offsets = [0, 128], sizes = [1024, 1], strides = [1, 1]} : vector<1024x256xf32> to vector<1024x1xf32>
    %div3A_405 = arith.constant 1.000000e+00 : f32
    %div3A_406 = vector.broadcast %div3A_405 : f32 to vector<1024x1xf32>
    %div3A_407 = arith.divf %div3A_406, %slice3A_404 : vector<1024x1xf32>
    %mul3A_408 = vector.broadcast %div3A_407 : vector<1024x1xf32> to vector<1024x128xf32>
    %mul3A_409 = arith.mulf %slice3A_403, %mul3A_408 : vector<1024x128xf32>
    %add3A_410 = arith.addf %mul3A_262, %mul3A_311 : vector<1024x128xf32>
    %add3A_411 = arith.addf %add3A_410, %mul3A_360 : vector<1024x128xf32>
    %add3A_412 = arith.addf %add3A_411, %mul3A_409 : vector<1024x128xf32>
    %mul3A_413 = arith.constant 2.500000e-01 : f32
    %mul3A_414 = vector.broadcast %mul3A_413 : f32 to vector<1024x128xf32>
    %mul3A_415 = arith.mulf %add3A_412, %mul3A_414 : vector<1024x128xf32>
    %max3A_416 = arith.constant 0.000000e+00 : f32
    %max3A_417 = vector.broadcast %max3A_416 : f32 to vector<1024x128xf32>
    %max3A_418 = arith.maximumf %mul3A_415, %max3A_417 : vector<1024x128xf32>
    %get3A_419 = arith.constant 0 : index
    %get3A_420 = arith.constant 0 : index
    %get3A_421 = arith.constant 0 : index
    %get3A_422 = vector.load %arg3[%get3A_419, %get3A_420, %get3A_421] : memref<1x1024x128xf32, #tpu.memory_space<vmem>>, vector<1x1024x128xf32>
    %get3A_423 = vector.shape_cast %get3A_422 : vector<1x1024x128xf32> to vector<1024x128xf32>
    %add3A_424 = arith.addf %max3A_418, %get3A_423 : vector<1024x128xf32>
    %get3A_425 = arith.constant 0 : index
    %get3A_426 = arith.constant 0 : index
    %get3A_427 = vector.load %arg9[%get3A_425, %get3A_426] : memref<128x512xf32, #tpu.memory_space<vmem>>, vector<128x512xf32>
    %dot_general3A_428 = arith.constant dense<0.000000e+00> : vector<1024x512xf32>
    %dot_general3A_429 = tpu.matmul %add3A_424, %get3A_427, %dot_general3A_428 {dimension_numbers = #tpu.dot_dimension_numbers<[1], [0], [0], [1], [0, 0, 1, 1], [], []>, transpose_lhs_hint = false} : vector<1024x128xf32>, vector<128x512xf32>, vector<1024x512xf32> -> vector<1024x512xf32>
    %get3A_430 = arith.constant 0 : index
    %get3A_431 = arith.constant 0 : index
    %get3A_432 = arith.constant 0 : index
    %get3A_433 = vector.load %arg2[%get3A_430, %get3A_431, %get3A_432] : memref<1x1024x128xf32, #tpu.memory_space<vmem>>, vector<1x1024x128xf32>
    %get3A_434 = vector.shape_cast %get3A_433 : vector<1x1024x128xf32> to vector<1024x128xf32>
    %get3A_435 = arith.constant 0 : index
    %get3A_436 = arith.constant 0 : index
    %get3A_437 = vector.load %arg10[%get3A_435, %get3A_436] : memref<128x512xf32, #tpu.memory_space<vmem>>, vector<128x512xf32>
    %dot_general3A_438 = arith.constant dense<0.000000e+00> : vector<1024x512xf32>
    %dot_general3A_439 = tpu.matmul %get3A_434, %get3A_437, %dot_general3A_438 {dimension_numbers = #tpu.dot_dimension_numbers<[1], [0], [0], [1], [0, 0, 1, 1], [], []>, transpose_lhs_hint = false} : vector<1024x128xf32>, vector<128x512xf32>, vector<1024x512xf32> -> vector<1024x512xf32>
    %add3A_440 = arith.addf %dot_general3A_429, %dot_general3A_439 : vector<1024x512xf32>
    %get3A_441 = arith.constant 0 : index
    %get3A_442 = arith.constant 0 : index
    %get3A_443 = vector.load %arg11[%get3A_441, %get3A_442] : memref<512x8xf32, #tpu.memory_space<vmem>>, vector<512x8xf32>
    %dot_general3A_444 = arith.constant dense<0.000000e+00> : vector<8x1024xf32>
    %dot_general3A_445 = tpu.matmul %get3A_443, %add3A_440, %dot_general3A_444 {dimension_numbers = #tpu.dot_dimension_numbers<[0], [1], [1], [0], [0, 1, 1, 0], [], []>, transpose_lhs_hint = false} : vector<512x8xf32>, vector<1024x512xf32>, vector<8x1024xf32> -> vector<8x1024xf32>
    %slice3A_446 = vector.extract_strided_slice %dot_general3A_445 {offsets = [0, 0], sizes = [1, 1024], strides = [1, 1]} : vector<8x1024xf32> to vector<1x1024xf32>
    %squeeze3A_447 = vector.shape_cast %slice3A_446 : vector<1x1024xf32> to vector<1024xf32>
    %slice3A_448 = vector.extract_strided_slice %dot_general3A_445 {offsets = [4, 0], sizes = [1, 1024], strides = [1, 1]} : vector<8x1024xf32> to vector<1x1024xf32>
    %squeeze3A_449 = vector.shape_cast %slice3A_448 : vector<1x1024xf32> to vector<1024xf32>
    %reduce_max3A_450 = vector.shape_cast %squeeze3A_449 : vector<1024xf32> to vector<1x1024xf32>
    %reduce_max3A_451 = arith.constant dense<0xFF800000> : vector<1xf32>
    %reduce_max3A_452 = vector.multi_reduction <maximumf>, %reduce_max3A_450, %reduce_max3A_451 [1] : vector<1x1024xf32> to vector<1xf32>
    %reduce_max3A_453 = vector.shape_cast %reduce_max3A_452 : vector<1xf32> to vector<1x1xf32>
    %reduce_max3A_454 = vector.extract %reduce_max3A_453[0, 0] : f32 from vector<1x1xf32>
    %add3A_455 = vector.broadcast %reduce_max3A_454 : f32 to vector<1024xf32>
    %add3A_456 = arith.addf %squeeze3A_447, %add3A_455 : vector<1024xf32>
    %mul3A_457 = arith.constant 2.000000e-01 : f32
    %mul3A_458 = vector.broadcast %mul3A_457 : f32 to vector<1024xf32>
    %mul3A_459 = arith.mulf %mul3A_458, %add3A_456 : vector<1024xf32>
    %max3A_460 = arith.maximumf %add3A_456, %mul3A_459 : vector<1024xf32>
    %sub3A_461 = arith.subf %squeeze3A_447, %max3A_460 : vector<1024xf32>
    %broadcast_in_dim3A_462 = vector.shape_cast %sub3A_461 : vector<1024xf32> to vector<1024x1xf32>
    %broadcast_in_dim3A_463 = vector.shape_cast %squeeze3A_449 : vector<1024xf32> to vector<1x1024xf32>
    %add3A_464 = vector.broadcast %broadcast_in_dim3A_462 : vector<1024x1xf32> to vector<1024x1024xf32>
    %add3A_465 = vector.broadcast %broadcast_in_dim3A_463 : vector<1x1024xf32> to vector<1024x1024xf32>
    %add3A_466 = arith.addf %add3A_464, %add3A_465 : vector<1024x1024xf32>
    %mul3A_467 = arith.constant 2.000000e-01 : f32
    %mul3A_468 = vector.broadcast %mul3A_467 : f32 to vector<1024xf32>
    %mul3A_469 = arith.mulf %mul3A_468, %squeeze3A_447 : vector<1024xf32>
    %sub3A_470 = arith.subf %mul3A_469, %max3A_460 : vector<1024xf32>
    %broadcast_in_dim3A_471 = vector.shape_cast %sub3A_470 : vector<1024xf32> to vector<1024x1xf32>
    %mul3A_472 = arith.constant 2.000000e-01 : f32
    %mul3A_473 = vector.broadcast %mul3A_472 : f32 to vector<1024xf32>
    %mul3A_474 = arith.mulf %mul3A_473, %squeeze3A_449 : vector<1024xf32>
    %broadcast_in_dim3A_475 = vector.shape_cast %mul3A_474 : vector<1024xf32> to vector<1x1024xf32>
    %add3A_476 = vector.broadcast %broadcast_in_dim3A_471 : vector<1024x1xf32> to vector<1024x1024xf32>
    %add3A_477 = vector.broadcast %broadcast_in_dim3A_475 : vector<1x1024xf32> to vector<1024x1024xf32>
    %add3A_478 = arith.addf %add3A_476, %add3A_477 : vector<1024x1024xf32>
    %max3A_479 = arith.maximumf %add3A_466, %add3A_478 : vector<1024x1024xf32>
    %exp3A_480 = math.exp %max3A_479 : vector<1024x1024xf32>
    %mul3A_481 = arith.mulf %exp3A_480, %convert_element_type3A : vector<1024x1024xf32>
    %slice3A_482 = vector.extract_strided_slice %add3A_440 {offsets = [0, 0], sizes = [1024, 128], strides = [1, 1]} : vector<1024x512xf32> to vector<1024x128xf32>
    %broadcast_in_dim3A_483 = arith.constant 1.000000e+00 : f32
    %broadcast_in_dim3A_484 = vector.broadcast %broadcast_in_dim3A_483 : f32 to vector<1024x128xf32>
    %concatenate3A_485 = tpu.concatenate %slice3A_482, %broadcast_in_dim3A_484 in 1 : vector<1024x128xf32>, vector<1024x128xf32> -> vector<1024x256xf32>
    %dot_general3A_486 = arith.constant dense<0.000000e+00> : vector<1024x256xf32>
    %dot_general3A_487 = tpu.matmul %mul3A_481, %concatenate3A_485, %dot_general3A_486 {dimension_numbers = #tpu.dot_dimension_numbers<[1], [0], [0], [1], [0, 0, 1, 1], [], []>, transpose_lhs_hint = false} : vector<1024x1024xf32>, vector<1024x256xf32>, vector<1024x256xf32> -> vector<1024x256xf32>
    %slice3A_488 = vector.extract_strided_slice %dot_general3A_487 {offsets = [0, 0], sizes = [1024, 128], strides = [1, 1]} : vector<1024x256xf32> to vector<1024x128xf32>
    %slice3A_489 = vector.extract_strided_slice %dot_general3A_487 {offsets = [0, 128], sizes = [1024, 1], strides = [1, 1]} : vector<1024x256xf32> to vector<1024x1xf32>
    %div3A_490 = arith.constant 1.000000e+00 : f32
    %div3A_491 = vector.broadcast %div3A_490 : f32 to vector<1024x1xf32>
    %div3A_492 = arith.divf %div3A_491, %slice3A_489 : vector<1024x1xf32>
    %mul3A_493 = vector.broadcast %div3A_492 : vector<1024x1xf32> to vector<1024x128xf32>
    %mul3A_494 = arith.mulf %slice3A_488, %mul3A_493 : vector<1024x128xf32>
    %slice3A_495 = vector.extract_strided_slice %dot_general3A_445 {offsets = [1, 0], sizes = [1, 1024], strides = [1, 1]} : vector<8x1024xf32> to vector<1x1024xf32>
    %squeeze3A_496 = vector.shape_cast %slice3A_495 : vector<1x1024xf32> to vector<1024xf32>
    %slice3A_497 = vector.extract_strided_slice %dot_general3A_445 {offsets = [5, 0], sizes = [1, 1024], strides = [1, 1]} : vector<8x1024xf32> to vector<1x1024xf32>
    %squeeze3A_498 = vector.shape_cast %slice3A_497 : vector<1x1024xf32> to vector<1024xf32>
    %reduce_max3A_499 = vector.shape_cast %squeeze3A_498 : vector<1024xf32> to vector<1x1024xf32>
    %reduce_max3A_500 = arith.constant dense<0xFF800000> : vector<1xf32>
    %reduce_max3A_501 = vector.multi_reduction <maximumf>, %reduce_max3A_499, %reduce_max3A_500 [1] : vector<1x1024xf32> to vector<1xf32>
    %reduce_max3A_502 = vector.shape_cast %reduce_max3A_501 : vector<1xf32> to vector<1x1xf32>
    %reduce_max3A_503 = vector.extract %reduce_max3A_502[0, 0] : f32 from vector<1x1xf32>
    %add3A_504 = vector.broadcast %reduce_max3A_503 : f32 to vector<1024xf32>
    %add3A_505 = arith.addf %squeeze3A_496, %add3A_504 : vector<1024xf32>
    %mul3A_506 = arith.constant 2.000000e-01 : f32
    %mul3A_507 = vector.broadcast %mul3A_506 : f32 to vector<1024xf32>
    %mul3A_508 = arith.mulf %mul3A_507, %add3A_505 : vector<1024xf32>
    %max3A_509 = arith.maximumf %add3A_505, %mul3A_508 : vector<1024xf32>
    %sub3A_510 = arith.subf %squeeze3A_496, %max3A_509 : vector<1024xf32>
    %broadcast_in_dim3A_511 = vector.shape_cast %sub3A_510 : vector<1024xf32> to vector<1024x1xf32>
    %broadcast_in_dim3A_512 = vector.shape_cast %squeeze3A_498 : vector<1024xf32> to vector<1x1024xf32>
    %add3A_513 = vector.broadcast %broadcast_in_dim3A_511 : vector<1024x1xf32> to vector<1024x1024xf32>
    %add3A_514 = vector.broadcast %broadcast_in_dim3A_512 : vector<1x1024xf32> to vector<1024x1024xf32>
    %add3A_515 = arith.addf %add3A_513, %add3A_514 : vector<1024x1024xf32>
    %mul3A_516 = arith.constant 2.000000e-01 : f32
    %mul3A_517 = vector.broadcast %mul3A_516 : f32 to vector<1024xf32>
    %mul3A_518 = arith.mulf %mul3A_517, %squeeze3A_496 : vector<1024xf32>
    %sub3A_519 = arith.subf %mul3A_518, %max3A_509 : vector<1024xf32>
    %broadcast_in_dim3A_520 = vector.shape_cast %sub3A_519 : vector<1024xf32> to vector<1024x1xf32>
    %mul3A_521 = arith.constant 2.000000e-01 : f32
    %mul3A_522 = vector.broadcast %mul3A_521 : f32 to vector<1024xf32>
    %mul3A_523 = arith.mulf %mul3A_522, %squeeze3A_498 : vector<1024xf32>
    %broadcast_in_dim3A_524 = vector.shape_cast %mul3A_523 : vector<1024xf32> to vector<1x1024xf32>
    %add3A_525 = vector.broadcast %broadcast_in_dim3A_520 : vector<1024x1xf32> to vector<1024x1024xf32>
    %add3A_526 = vector.broadcast %broadcast_in_dim3A_524 : vector<1x1024xf32> to vector<1024x1024xf32>
    %add3A_527 = arith.addf %add3A_525, %add3A_526 : vector<1024x1024xf32>
    %max3A_528 = arith.maximumf %add3A_515, %add3A_527 : vector<1024x1024xf32>
    %exp3A_529 = math.exp %max3A_528 : vector<1024x1024xf32>
    %mul3A_530 = arith.mulf %exp3A_529, %convert_element_type3A : vector<1024x1024xf32>
    %slice3A_531 = vector.extract_strided_slice %add3A_440 {offsets = [0, 128], sizes = [1024, 128], strides = [1, 1]} : vector<1024x512xf32> to vector<1024x128xf32>
    %broadcast_in_dim3A_532 = arith.constant 1.000000e+00 : f32
    %broadcast_in_dim3A_533 = vector.broadcast %broadcast_in_dim3A_532 : f32 to vector<1024x128xf32>
    %concatenate3A_534 = tpu.concatenate %slice3A_531, %broadcast_in_dim3A_533 in 1 : vector<1024x128xf32>, vector<1024x128xf32> -> vector<1024x256xf32>
    %dot_general3A_535 = arith.constant dense<0.000000e+00> : vector<1024x256xf32>
    %dot_general3A_536 = tpu.matmul %mul3A_530, %concatenate3A_534, %dot_general3A_535 {dimension_numbers = #tpu.dot_dimension_numbers<[1], [0], [0], [1], [0, 0, 1, 1], [], []>, transpose_lhs_hint = false} : vector<1024x1024xf32>, vector<1024x256xf32>, vector<1024x256xf32> -> vector<1024x256xf32>
    %slice3A_537 = vector.extract_strided_slice %dot_general3A_536 {offsets = [0, 0], sizes = [1024, 128], strides = [1, 1]} : vector<1024x256xf32> to vector<1024x128xf32>
    %slice3A_538 = vector.extract_strided_slice %dot_general3A_536 {offsets = [0, 128], sizes = [1024, 1], strides = [1, 1]} : vector<1024x256xf32> to vector<1024x1xf32>
    %div3A_539 = arith.constant 1.000000e+00 : f32
    %div3A_540 = vector.broadcast %div3A_539 : f32 to vector<1024x1xf32>
    %div3A_541 = arith.divf %div3A_540, %slice3A_538 : vector<1024x1xf32>
    %mul3A_542 = vector.broadcast %div3A_541 : vector<1024x1xf32> to vector<1024x128xf32>
    %mul3A_543 = arith.mulf %slice3A_537, %mul3A_542 : vector<1024x128xf32>
    %slice3A_544 = vector.extract_strided_slice %dot_general3A_445 {offsets = [2, 0], sizes = [1, 1024], strides = [1, 1]} : vector<8x1024xf32> to vector<1x1024xf32>
    %squeeze3A_545 = vector.shape_cast %slice3A_544 : vector<1x1024xf32> to vector<1024xf32>
    %slice3A_546 = vector.extract_strided_slice %dot_general3A_445 {offsets = [6, 0], sizes = [1, 1024], strides = [1, 1]} : vector<8x1024xf32> to vector<1x1024xf32>
    %squeeze3A_547 = vector.shape_cast %slice3A_546 : vector<1x1024xf32> to vector<1024xf32>
    %reduce_max3A_548 = vector.shape_cast %squeeze3A_547 : vector<1024xf32> to vector<1x1024xf32>
    %reduce_max3A_549 = arith.constant dense<0xFF800000> : vector<1xf32>
    %reduce_max3A_550 = vector.multi_reduction <maximumf>, %reduce_max3A_548, %reduce_max3A_549 [1] : vector<1x1024xf32> to vector<1xf32>
    %reduce_max3A_551 = vector.shape_cast %reduce_max3A_550 : vector<1xf32> to vector<1x1xf32>
    %reduce_max3A_552 = vector.extract %reduce_max3A_551[0, 0] : f32 from vector<1x1xf32>
    %add3A_553 = vector.broadcast %reduce_max3A_552 : f32 to vector<1024xf32>
    %add3A_554 = arith.addf %squeeze3A_545, %add3A_553 : vector<1024xf32>
    %mul3A_555 = arith.constant 2.000000e-01 : f32
    %mul3A_556 = vector.broadcast %mul3A_555 : f32 to vector<1024xf32>
    %mul3A_557 = arith.mulf %mul3A_556, %add3A_554 : vector<1024xf32>
    %max3A_558 = arith.maximumf %add3A_554, %mul3A_557 : vector<1024xf32>
    %sub3A_559 = arith.subf %squeeze3A_545, %max3A_558 : vector<1024xf32>
    %broadcast_in_dim3A_560 = vector.shape_cast %sub3A_559 : vector<1024xf32> to vector<1024x1xf32>
    %broadcast_in_dim3A_561 = vector.shape_cast %squeeze3A_547 : vector<1024xf32> to vector<1x1024xf32>
    %add3A_562 = vector.broadcast %broadcast_in_dim3A_560 : vector<1024x1xf32> to vector<1024x1024xf32>
    %add3A_563 = vector.broadcast %broadcast_in_dim3A_561 : vector<1x1024xf32> to vector<1024x1024xf32>
    %add3A_564 = arith.addf %add3A_562, %add3A_563 : vector<1024x1024xf32>
    %mul3A_565 = arith.constant 2.000000e-01 : f32
    %mul3A_566 = vector.broadcast %mul3A_565 : f32 to vector<1024xf32>
    %mul3A_567 = arith.mulf %mul3A_566, %squeeze3A_545 : vector<1024xf32>
    %sub3A_568 = arith.subf %mul3A_567, %max3A_558 : vector<1024xf32>
    %broadcast_in_dim3A_569 = vector.shape_cast %sub3A_568 : vector<1024xf32> to vector<1024x1xf32>
    %mul3A_570 = arith.constant 2.000000e-01 : f32
    %mul3A_571 = vector.broadcast %mul3A_570 : f32 to vector<1024xf32>
    %mul3A_572 = arith.mulf %mul3A_571, %squeeze3A_547 : vector<1024xf32>
    %broadcast_in_dim3A_573 = vector.shape_cast %mul3A_572 : vector<1024xf32> to vector<1x1024xf32>
    %add3A_574 = vector.broadcast %broadcast_in_dim3A_569 : vector<1024x1xf32> to vector<1024x1024xf32>
    %add3A_575 = vector.broadcast %broadcast_in_dim3A_573 : vector<1x1024xf32> to vector<1024x1024xf32>
    %add3A_576 = arith.addf %add3A_574, %add3A_575 : vector<1024x1024xf32>
    %max3A_577 = arith.maximumf %add3A_564, %add3A_576 : vector<1024x1024xf32>
    %exp3A_578 = math.exp %max3A_577 : vector<1024x1024xf32>
    %mul3A_579 = arith.mulf %exp3A_578, %convert_element_type3A : vector<1024x1024xf32>
    %slice3A_580 = vector.extract_strided_slice %add3A_440 {offsets = [0, 256], sizes = [1024, 128], strides = [1, 1]} : vector<1024x512xf32> to vector<1024x128xf32>
    %broadcast_in_dim3A_581 = arith.constant 1.000000e+00 : f32
    %broadcast_in_dim3A_582 = vector.broadcast %broadcast_in_dim3A_581 : f32 to vector<1024x128xf32>
    %concatenate3A_583 = tpu.concatenate %slice3A_580, %broadcast_in_dim3A_582 in 1 : vector<1024x128xf32>, vector<1024x128xf32> -> vector<1024x256xf32>
    %dot_general3A_584 = arith.constant dense<0.000000e+00> : vector<1024x256xf32>
    %dot_general3A_585 = tpu.matmul %mul3A_579, %concatenate3A_583, %dot_general3A_584 {dimension_numbers = #tpu.dot_dimension_numbers<[1], [0], [0], [1], [0, 0, 1, 1], [], []>, transpose_lhs_hint = false} : vector<1024x1024xf32>, vector<1024x256xf32>, vector<1024x256xf32> -> vector<1024x256xf32>
    %slice3A_586 = vector.extract_strided_slice %dot_general3A_585 {offsets = [0, 0], sizes = [1024, 128], strides = [1, 1]} : vector<1024x256xf32> to vector<1024x128xf32>
    %slice3A_587 = vector.extract_strided_slice %dot_general3A_585 {offsets = [0, 128], sizes = [1024, 1], strides = [1, 1]} : vector<1024x256xf32> to vector<1024x1xf32>
    %div3A_588 = arith.constant 1.000000e+00 : f32
    %div3A_589 = vector.broadcast %div3A_588 : f32 to vector<1024x1xf32>
    %div3A_590 = arith.divf %div3A_589, %slice3A_587 : vector<1024x1xf32>
    %mul3A_591 = vector.broadcast %div3A_590 : vector<1024x1xf32> to vector<1024x128xf32>
    %mul3A_592 = arith.mulf %slice3A_586, %mul3A_591 : vector<1024x128xf32>
    %slice3A_593 = vector.extract_strided_slice %dot_general3A_445 {offsets = [3, 0], sizes = [1, 1024], strides = [1, 1]} : vector<8x1024xf32> to vector<1x1024xf32>
    %squeeze3A_594 = vector.shape_cast %slice3A_593 : vector<1x1024xf32> to vector<1024xf32>
    %slice3A_595 = vector.extract_strided_slice %dot_general3A_445 {offsets = [7, 0], sizes = [1, 1024], strides = [1, 1]} : vector<8x1024xf32> to vector<1x1024xf32>
    %squeeze3A_596 = vector.shape_cast %slice3A_595 : vector<1x1024xf32> to vector<1024xf32>
    %reduce_max3A_597 = vector.shape_cast %squeeze3A_596 : vector<1024xf32> to vector<1x1024xf32>
    %reduce_max3A_598 = arith.constant dense<0xFF800000> : vector<1xf32>
    %reduce_max3A_599 = vector.multi_reduction <maximumf>, %reduce_max3A_597, %reduce_max3A_598 [1] : vector<1x1024xf32> to vector<1xf32>
    %reduce_max3A_600 = vector.shape_cast %reduce_max3A_599 : vector<1xf32> to vector<1x1xf32>
    %reduce_max3A_601 = vector.extract %reduce_max3A_600[0, 0] : f32 from vector<1x1xf32>
    %add3A_602 = vector.broadcast %reduce_max3A_601 : f32 to vector<1024xf32>
    %add3A_603 = arith.addf %squeeze3A_594, %add3A_602 : vector<1024xf32>
    %mul3A_604 = arith.constant 2.000000e-01 : f32
    %mul3A_605 = vector.broadcast %mul3A_604 : f32 to vector<1024xf32>
    %mul3A_606 = arith.mulf %mul3A_605, %add3A_603 : vector<1024xf32>
    %max3A_607 = arith.maximumf %add3A_603, %mul3A_606 : vector<1024xf32>
    %sub3A_608 = arith.subf %squeeze3A_594, %max3A_607 : vector<1024xf32>
    %broadcast_in_dim3A_609 = vector.shape_cast %sub3A_608 : vector<1024xf32> to vector<1024x1xf32>
    %broadcast_in_dim3A_610 = vector.shape_cast %squeeze3A_596 : vector<1024xf32> to vector<1x1024xf32>
    %add3A_611 = vector.broadcast %broadcast_in_dim3A_609 : vector<1024x1xf32> to vector<1024x1024xf32>
    %add3A_612 = vector.broadcast %broadcast_in_dim3A_610 : vector<1x1024xf32> to vector<1024x1024xf32>
    %add3A_613 = arith.addf %add3A_611, %add3A_612 : vector<1024x1024xf32>
    %mul3A_614 = arith.constant 2.000000e-01 : f32
    %mul3A_615 = vector.broadcast %mul3A_614 : f32 to vector<1024xf32>
    %mul3A_616 = arith.mulf %mul3A_615, %squeeze3A_594 : vector<1024xf32>
    %sub3A_617 = arith.subf %mul3A_616, %max3A_607 : vector<1024xf32>
    %broadcast_in_dim3A_618 = vector.shape_cast %sub3A_617 : vector<1024xf32> to vector<1024x1xf32>
    %mul3A_619 = arith.constant 2.000000e-01 : f32
    %mul3A_620 = vector.broadcast %mul3A_619 : f32 to vector<1024xf32>
    %mul3A_621 = arith.mulf %mul3A_620, %squeeze3A_596 : vector<1024xf32>
    %broadcast_in_dim3A_622 = vector.shape_cast %mul3A_621 : vector<1024xf32> to vector<1x1024xf32>
    %add3A_623 = vector.broadcast %broadcast_in_dim3A_618 : vector<1024x1xf32> to vector<1024x1024xf32>
    %add3A_624 = vector.broadcast %broadcast_in_dim3A_622 : vector<1x1024xf32> to vector<1024x1024xf32>
    %add3A_625 = arith.addf %add3A_623, %add3A_624 : vector<1024x1024xf32>
    %max3A_626 = arith.maximumf %add3A_613, %add3A_625 : vector<1024x1024xf32>
    %exp3A_627 = math.exp %max3A_626 : vector<1024x1024xf32>
    %mul3A_628 = arith.mulf %exp3A_627, %convert_element_type3A : vector<1024x1024xf32>
    %slice3A_629 = vector.extract_strided_slice %add3A_440 {offsets = [0, 384], sizes = [1024, 128], strides = [1, 1]} : vector<1024x512xf32> to vector<1024x128xf32>
    %broadcast_in_dim3A_630 = arith.constant 1.000000e+00 : f32
    %broadcast_in_dim3A_631 = vector.broadcast %broadcast_in_dim3A_630 : f32 to vector<1024x128xf32>
    %concatenate3A_632 = tpu.concatenate %slice3A_629, %broadcast_in_dim3A_631 in 1 : vector<1024x128xf32>, vector<1024x128xf32> -> vector<1024x256xf32>
    %dot_general3A_633 = arith.constant dense<0.000000e+00> : vector<1024x256xf32>
    %dot_general3A_634 = tpu.matmul %mul3A_628, %concatenate3A_632, %dot_general3A_633 {dimension_numbers = #tpu.dot_dimension_numbers<[1], [0], [0], [1], [0, 0, 1, 1], [], []>, transpose_lhs_hint = false} : vector<1024x1024xf32>, vector<1024x256xf32>, vector<1024x256xf32> -> vector<1024x256xf32>
    %slice3A_635 = vector.extract_strided_slice %dot_general3A_634 {offsets = [0, 0], sizes = [1024, 128], strides = [1, 1]} : vector<1024x256xf32> to vector<1024x128xf32>
    %slice3A_636 = vector.extract_strided_slice %dot_general3A_634 {offsets = [0, 128], sizes = [1024, 1], strides = [1, 1]} : vector<1024x256xf32> to vector<1024x1xf32>
    %div3A_637 = arith.constant 1.000000e+00 : f32
    %div3A_638 = vector.broadcast %div3A_637 : f32 to vector<1024x1xf32>
    %div3A_639 = arith.divf %div3A_638, %slice3A_636 : vector<1024x1xf32>
    %mul3A_640 = vector.broadcast %div3A_639 : vector<1024x1xf32> to vector<1024x128xf32>
    %mul3A_641 = arith.mulf %slice3A_635, %mul3A_640 : vector<1024x128xf32>
    %concatenate3A_642 = tpu.concatenate %mul3A_494, %mul3A_543, %mul3A_592, %mul3A_641 in 1 : vector<1024x128xf32>, vector<1024x128xf32>, vector<1024x128xf32>, vector<1024x128xf32> -> vector<1024x512xf32>
    %get3A_643 = arith.constant 0 : index
    %get3A_644 = arith.constant 0 : index
    %get3A_645 = vector.load %arg12[%get3A_643, %get3A_644] : memref<512x512xf32, #tpu.memory_space<vmem>>, vector<512x512xf32>
    %dot_general3A_646 = arith.constant dense<0.000000e+00> : vector<1024x512xf32>
    %dot_general3A_647 = tpu.matmul %concatenate3A_642, %get3A_645, %dot_general3A_646 {dimension_numbers = #tpu.dot_dimension_numbers<[1], [0], [0], [1], [0, 0, 1, 1], [], []>, transpose_lhs_hint = false} : vector<1024x512xf32>, vector<512x512xf32>, vector<1024x512xf32> -> vector<1024x512xf32>
    %get3A_648 = arith.constant 0 : index
    %get3A_649 = arith.constant 0 : index
    %get3A_650 = vector.load %arg13[%get3A_648, %get3A_649] : memref<512x8xf32, #tpu.memory_space<vmem>>, vector<512x8xf32>
    %dot_general3A_651 = arith.constant dense<0.000000e+00> : vector<8x1024xf32>
    %dot_general3A_652 = tpu.matmul %get3A_650, %dot_general3A_647, %dot_general3A_651 {dimension_numbers = #tpu.dot_dimension_numbers<[0], [1], [1], [0], [0, 1, 1, 0], [], []>, transpose_lhs_hint = false} : vector<512x8xf32>, vector<1024x512xf32>, vector<8x1024xf32> -> vector<8x1024xf32>
    %slice3A_653 = vector.extract_strided_slice %dot_general3A_652 {offsets = [0, 0], sizes = [1, 1024], strides = [1, 1]} : vector<8x1024xf32> to vector<1x1024xf32>
    %squeeze3A_654 = vector.shape_cast %slice3A_653 : vector<1x1024xf32> to vector<1024xf32>
    %slice3A_655 = vector.extract_strided_slice %dot_general3A_652 {offsets = [4, 0], sizes = [1, 1024], strides = [1, 1]} : vector<8x1024xf32> to vector<1x1024xf32>
    %squeeze3A_656 = vector.shape_cast %slice3A_655 : vector<1x1024xf32> to vector<1024xf32>
    %reduce_max3A_657 = vector.shape_cast %squeeze3A_656 : vector<1024xf32> to vector<1x1024xf32>
    %reduce_max3A_658 = arith.constant dense<0xFF800000> : vector<1xf32>
    %reduce_max3A_659 = vector.multi_reduction <maximumf>, %reduce_max3A_657, %reduce_max3A_658 [1] : vector<1x1024xf32> to vector<1xf32>
    %reduce_max3A_660 = vector.shape_cast %reduce_max3A_659 : vector<1xf32> to vector<1x1xf32>
    %reduce_max3A_661 = vector.extract %reduce_max3A_660[0, 0] : f32 from vector<1x1xf32>
    %add3A_662 = vector.broadcast %reduce_max3A_661 : f32 to vector<1024xf32>
    %add3A_663 = arith.addf %squeeze3A_654, %add3A_662 : vector<1024xf32>
    %mul3A_664 = arith.constant 2.000000e-01 : f32
    %mul3A_665 = vector.broadcast %mul3A_664 : f32 to vector<1024xf32>
    %mul3A_666 = arith.mulf %mul3A_665, %add3A_663 : vector<1024xf32>
    %max3A_667 = arith.maximumf %add3A_663, %mul3A_666 : vector<1024xf32>
    %sub3A_668 = arith.subf %squeeze3A_654, %max3A_667 : vector<1024xf32>
    %broadcast_in_dim3A_669 = vector.shape_cast %sub3A_668 : vector<1024xf32> to vector<1024x1xf32>
    %broadcast_in_dim3A_670 = vector.shape_cast %squeeze3A_656 : vector<1024xf32> to vector<1x1024xf32>
    %add3A_671 = vector.broadcast %broadcast_in_dim3A_669 : vector<1024x1xf32> to vector<1024x1024xf32>
    %add3A_672 = vector.broadcast %broadcast_in_dim3A_670 : vector<1x1024xf32> to vector<1024x1024xf32>
    %add3A_673 = arith.addf %add3A_671, %add3A_672 : vector<1024x1024xf32>
    %mul3A_674 = arith.constant 2.000000e-01 : f32
    %mul3A_675 = vector.broadcast %mul3A_674 : f32 to vector<1024xf32>
    %mul3A_676 = arith.mulf %mul3A_675, %squeeze3A_654 : vector<1024xf32>
    %sub3A_677 = arith.subf %mul3A_676, %max3A_667 : vector<1024xf32>
    %broadcast_in_dim3A_678 = vector.shape_cast %sub3A_677 : vector<1024xf32> to vector<1024x1xf32>
    %mul3A_679 = arith.constant 2.000000e-01 : f32
    %mul3A_680 = vector.broadcast %mul3A_679 : f32 to vector<1024xf32>
    %mul3A_681 = arith.mulf %mul3A_680, %squeeze3A_656 : vector<1024xf32>
    %broadcast_in_dim3A_682 = vector.shape_cast %mul3A_681 : vector<1024xf32> to vector<1x1024xf32>
    %add3A_683 = vector.broadcast %broadcast_in_dim3A_678 : vector<1024x1xf32> to vector<1024x1024xf32>
    %add3A_684 = vector.broadcast %broadcast_in_dim3A_682 : vector<1x1024xf32> to vector<1024x1024xf32>
    %add3A_685 = arith.addf %add3A_683, %add3A_684 : vector<1024x1024xf32>
    %max3A_686 = arith.maximumf %add3A_673, %add3A_685 : vector<1024x1024xf32>
    %exp3A_687 = math.exp %max3A_686 : vector<1024x1024xf32>
    %mul3A_688 = arith.mulf %exp3A_687, %convert_element_type3A : vector<1024x1024xf32>
    %slice3A_689 = vector.extract_strided_slice %dot_general3A_647 {offsets = [0, 0], sizes = [1024, 128], strides = [1, 1]} : vector<1024x512xf32> to vector<1024x128xf32>
    %broadcast_in_dim3A_690 = arith.constant 1.000000e+00 : f32
    %broadcast_in_dim3A_691 = vector.broadcast %broadcast_in_dim3A_690 : f32 to vector<1024x128xf32>
    %concatenate3A_692 = tpu.concatenate %slice3A_689, %broadcast_in_dim3A_691 in 1 : vector<1024x128xf32>, vector<1024x128xf32> -> vector<1024x256xf32>
    %dot_general3A_693 = arith.constant dense<0.000000e+00> : vector<1024x256xf32>
    %dot_general3A_694 = tpu.matmul %mul3A_688, %concatenate3A_692, %dot_general3A_693 {dimension_numbers = #tpu.dot_dimension_numbers<[1], [0], [0], [1], [0, 0, 1, 1], [], []>, transpose_lhs_hint = false} : vector<1024x1024xf32>, vector<1024x256xf32>, vector<1024x256xf32> -> vector<1024x256xf32>
    %slice3A_695 = vector.extract_strided_slice %dot_general3A_694 {offsets = [0, 0], sizes = [1024, 128], strides = [1, 1]} : vector<1024x256xf32> to vector<1024x128xf32>
    %slice3A_696 = vector.extract_strided_slice %dot_general3A_694 {offsets = [0, 128], sizes = [1024, 1], strides = [1, 1]} : vector<1024x256xf32> to vector<1024x1xf32>
    %div3A_697 = arith.constant 1.000000e+00 : f32
    %div3A_698 = vector.broadcast %div3A_697 : f32 to vector<1024x1xf32>
    %div3A_699 = arith.divf %div3A_698, %slice3A_696 : vector<1024x1xf32>
    %mul3A_700 = vector.broadcast %div3A_699 : vector<1024x1xf32> to vector<1024x128xf32>
    %mul3A_701 = arith.mulf %slice3A_695, %mul3A_700 : vector<1024x128xf32>
    %slice3A_702 = vector.extract_strided_slice %dot_general3A_652 {offsets = [1, 0], sizes = [1, 1024], strides = [1, 1]} : vector<8x1024xf32> to vector<1x1024xf32>
    %squeeze3A_703 = vector.shape_cast %slice3A_702 : vector<1x1024xf32> to vector<1024xf32>
    %slice3A_704 = vector.extract_strided_slice %dot_general3A_652 {offsets = [5, 0], sizes = [1, 1024], strides = [1, 1]} : vector<8x1024xf32> to vector<1x1024xf32>
    %squeeze3A_705 = vector.shape_cast %slice3A_704 : vector<1x1024xf32> to vector<1024xf32>
    %reduce_max3A_706 = vector.shape_cast %squeeze3A_705 : vector<1024xf32> to vector<1x1024xf32>
    %reduce_max3A_707 = arith.constant dense<0xFF800000> : vector<1xf32>
    %reduce_max3A_708 = vector.multi_reduction <maximumf>, %reduce_max3A_706, %reduce_max3A_707 [1] : vector<1x1024xf32> to vector<1xf32>
    %reduce_max3A_709 = vector.shape_cast %reduce_max3A_708 : vector<1xf32> to vector<1x1xf32>
    %reduce_max3A_710 = vector.extract %reduce_max3A_709[0, 0] : f32 from vector<1x1xf32>
    %add3A_711 = vector.broadcast %reduce_max3A_710 : f32 to vector<1024xf32>
    %add3A_712 = arith.addf %squeeze3A_703, %add3A_711 : vector<1024xf32>
    %mul3A_713 = arith.constant 2.000000e-01 : f32
    %mul3A_714 = vector.broadcast %mul3A_713 : f32 to vector<1024xf32>
    %mul3A_715 = arith.mulf %mul3A_714, %add3A_712 : vector<1024xf32>
    %max3A_716 = arith.maximumf %add3A_712, %mul3A_715 : vector<1024xf32>
    %sub3A_717 = arith.subf %squeeze3A_703, %max3A_716 : vector<1024xf32>
    %broadcast_in_dim3A_718 = vector.shape_cast %sub3A_717 : vector<1024xf32> to vector<1024x1xf32>
    %broadcast_in_dim3A_719 = vector.shape_cast %squeeze3A_705 : vector<1024xf32> to vector<1x1024xf32>
    %add3A_720 = vector.broadcast %broadcast_in_dim3A_718 : vector<1024x1xf32> to vector<1024x1024xf32>
    %add3A_721 = vector.broadcast %broadcast_in_dim3A_719 : vector<1x1024xf32> to vector<1024x1024xf32>
    %add3A_722 = arith.addf %add3A_720, %add3A_721 : vector<1024x1024xf32>
    %mul3A_723 = arith.constant 2.000000e-01 : f32
    %mul3A_724 = vector.broadcast %mul3A_723 : f32 to vector<1024xf32>
    %mul3A_725 = arith.mulf %mul3A_724, %squeeze3A_703 : vector<1024xf32>
    %sub3A_726 = arith.subf %mul3A_725, %max3A_716 : vector<1024xf32>
    %broadcast_in_dim3A_727 = vector.shape_cast %sub3A_726 : vector<1024xf32> to vector<1024x1xf32>
    %mul3A_728 = arith.constant 2.000000e-01 : f32
    %mul3A_729 = vector.broadcast %mul3A_728 : f32 to vector<1024xf32>
    %mul3A_730 = arith.mulf %mul3A_729, %squeeze3A_705 : vector<1024xf32>
    %broadcast_in_dim3A_731 = vector.shape_cast %mul3A_730 : vector<1024xf32> to vector<1x1024xf32>
    %add3A_732 = vector.broadcast %broadcast_in_dim3A_727 : vector<1024x1xf32> to vector<1024x1024xf32>
    %add3A_733 = vector.broadcast %broadcast_in_dim3A_731 : vector<1x1024xf32> to vector<1024x1024xf32>
    %add3A_734 = arith.addf %add3A_732, %add3A_733 : vector<1024x1024xf32>
    %max3A_735 = arith.maximumf %add3A_722, %add3A_734 : vector<1024x1024xf32>
    %exp3A_736 = math.exp %max3A_735 : vector<1024x1024xf32>
    %mul3A_737 = arith.mulf %exp3A_736, %convert_element_type3A : vector<1024x1024xf32>
    %slice3A_738 = vector.extract_strided_slice %dot_general3A_647 {offsets = [0, 128], sizes = [1024, 128], strides = [1, 1]} : vector<1024x512xf32> to vector<1024x128xf32>
    %broadcast_in_dim3A_739 = arith.constant 1.000000e+00 : f32
    %broadcast_in_dim3A_740 = vector.broadcast %broadcast_in_dim3A_739 : f32 to vector<1024x128xf32>
    %concatenate3A_741 = tpu.concatenate %slice3A_738, %broadcast_in_dim3A_740 in 1 : vector<1024x128xf32>, vector<1024x128xf32> -> vector<1024x256xf32>
    %dot_general3A_742 = arith.constant dense<0.000000e+00> : vector<1024x256xf32>
    %dot_general3A_743 = tpu.matmul %mul3A_737, %concatenate3A_741, %dot_general3A_742 {dimension_numbers = #tpu.dot_dimension_numbers<[1], [0], [0], [1], [0, 0, 1, 1], [], []>, transpose_lhs_hint = false} : vector<1024x1024xf32>, vector<1024x256xf32>, vector<1024x256xf32> -> vector<1024x256xf32>
    %slice3A_744 = vector.extract_strided_slice %dot_general3A_743 {offsets = [0, 0], sizes = [1024, 128], strides = [1, 1]} : vector<1024x256xf32> to vector<1024x128xf32>
    %slice3A_745 = vector.extract_strided_slice %dot_general3A_743 {offsets = [0, 128], sizes = [1024, 1], strides = [1, 1]} : vector<1024x256xf32> to vector<1024x1xf32>
    %div3A_746 = arith.constant 1.000000e+00 : f32
    %div3A_747 = vector.broadcast %div3A_746 : f32 to vector<1024x1xf32>
    %div3A_748 = arith.divf %div3A_747, %slice3A_745 : vector<1024x1xf32>
    %mul3A_749 = vector.broadcast %div3A_748 : vector<1024x1xf32> to vector<1024x128xf32>
    %mul3A_750 = arith.mulf %slice3A_744, %mul3A_749 : vector<1024x128xf32>
    %slice3A_751 = vector.extract_strided_slice %dot_general3A_652 {offsets = [2, 0], sizes = [1, 1024], strides = [1, 1]} : vector<8x1024xf32> to vector<1x1024xf32>
    %squeeze3A_752 = vector.shape_cast %slice3A_751 : vector<1x1024xf32> to vector<1024xf32>
    %slice3A_753 = vector.extract_strided_slice %dot_general3A_652 {offsets = [6, 0], sizes = [1, 1024], strides = [1, 1]} : vector<8x1024xf32> to vector<1x1024xf32>
    %squeeze3A_754 = vector.shape_cast %slice3A_753 : vector<1x1024xf32> to vector<1024xf32>
    %reduce_max3A_755 = vector.shape_cast %squeeze3A_754 : vector<1024xf32> to vector<1x1024xf32>
    %reduce_max3A_756 = arith.constant dense<0xFF800000> : vector<1xf32>
    %reduce_max3A_757 = vector.multi_reduction <maximumf>, %reduce_max3A_755, %reduce_max3A_756 [1] : vector<1x1024xf32> to vector<1xf32>
    %reduce_max3A_758 = vector.shape_cast %reduce_max3A_757 : vector<1xf32> to vector<1x1xf32>
    %reduce_max3A_759 = vector.extract %reduce_max3A_758[0, 0] : f32 from vector<1x1xf32>
    %add3A_760 = vector.broadcast %reduce_max3A_759 : f32 to vector<1024xf32>
    %add3A_761 = arith.addf %squeeze3A_752, %add3A_760 : vector<1024xf32>
    %mul3A_762 = arith.constant 2.000000e-01 : f32
    %mul3A_763 = vector.broadcast %mul3A_762 : f32 to vector<1024xf32>
    %mul3A_764 = arith.mulf %mul3A_763, %add3A_761 : vector<1024xf32>
    %max3A_765 = arith.maximumf %add3A_761, %mul3A_764 : vector<1024xf32>
    %sub3A_766 = arith.subf %squeeze3A_752, %max3A_765 : vector<1024xf32>
    %broadcast_in_dim3A_767 = vector.shape_cast %sub3A_766 : vector<1024xf32> to vector<1024x1xf32>
    %broadcast_in_dim3A_768 = vector.shape_cast %squeeze3A_754 : vector<1024xf32> to vector<1x1024xf32>
    %add3A_769 = vector.broadcast %broadcast_in_dim3A_767 : vector<1024x1xf32> to vector<1024x1024xf32>
    %add3A_770 = vector.broadcast %broadcast_in_dim3A_768 : vector<1x1024xf32> to vector<1024x1024xf32>
    %add3A_771 = arith.addf %add3A_769, %add3A_770 : vector<1024x1024xf32>
    %mul3A_772 = arith.constant 2.000000e-01 : f32
    %mul3A_773 = vector.broadcast %mul3A_772 : f32 to vector<1024xf32>
    %mul3A_774 = arith.mulf %mul3A_773, %squeeze3A_752 : vector<1024xf32>
    %sub3A_775 = arith.subf %mul3A_774, %max3A_765 : vector<1024xf32>
    %broadcast_in_dim3A_776 = vector.shape_cast %sub3A_775 : vector<1024xf32> to vector<1024x1xf32>
    %mul3A_777 = arith.constant 2.000000e-01 : f32
    %mul3A_778 = vector.broadcast %mul3A_777 : f32 to vector<1024xf32>
    %mul3A_779 = arith.mulf %mul3A_778, %squeeze3A_754 : vector<1024xf32>
    %broadcast_in_dim3A_780 = vector.shape_cast %mul3A_779 : vector<1024xf32> to vector<1x1024xf32>
    %add3A_781 = vector.broadcast %broadcast_in_dim3A_776 : vector<1024x1xf32> to vector<1024x1024xf32>
    %add3A_782 = vector.broadcast %broadcast_in_dim3A_780 : vector<1x1024xf32> to vector<1024x1024xf32>
    %add3A_783 = arith.addf %add3A_781, %add3A_782 : vector<1024x1024xf32>
    %max3A_784 = arith.maximumf %add3A_771, %add3A_783 : vector<1024x1024xf32>
    %exp3A_785 = math.exp %max3A_784 : vector<1024x1024xf32>
    %mul3A_786 = arith.mulf %exp3A_785, %convert_element_type3A : vector<1024x1024xf32>
    %slice3A_787 = vector.extract_strided_slice %dot_general3A_647 {offsets = [0, 256], sizes = [1024, 128], strides = [1, 1]} : vector<1024x512xf32> to vector<1024x128xf32>
    %broadcast_in_dim3A_788 = arith.constant 1.000000e+00 : f32
    %broadcast_in_dim3A_789 = vector.broadcast %broadcast_in_dim3A_788 : f32 to vector<1024x128xf32>
    %concatenate3A_790 = tpu.concatenate %slice3A_787, %broadcast_in_dim3A_789 in 1 : vector<1024x128xf32>, vector<1024x128xf32> -> vector<1024x256xf32>
    %dot_general3A_791 = arith.constant dense<0.000000e+00> : vector<1024x256xf32>
    %dot_general3A_792 = tpu.matmul %mul3A_786, %concatenate3A_790, %dot_general3A_791 {dimension_numbers = #tpu.dot_dimension_numbers<[1], [0], [0], [1], [0, 0, 1, 1], [], []>, transpose_lhs_hint = false} : vector<1024x1024xf32>, vector<1024x256xf32>, vector<1024x256xf32> -> vector<1024x256xf32>
    %slice3A_793 = vector.extract_strided_slice %dot_general3A_792 {offsets = [0, 0], sizes = [1024, 128], strides = [1, 1]} : vector<1024x256xf32> to vector<1024x128xf32>
    %slice3A_794 = vector.extract_strided_slice %dot_general3A_792 {offsets = [0, 128], sizes = [1024, 1], strides = [1, 1]} : vector<1024x256xf32> to vector<1024x1xf32>
    %div3A_795 = arith.constant 1.000000e+00 : f32
    %div3A_796 = vector.broadcast %div3A_795 : f32 to vector<1024x1xf32>
    %div3A_797 = arith.divf %div3A_796, %slice3A_794 : vector<1024x1xf32>
    %mul3A_798 = vector.broadcast %div3A_797 : vector<1024x1xf32> to vector<1024x128xf32>
    %mul3A_799 = arith.mulf %slice3A_793, %mul3A_798 : vector<1024x128xf32>
    %slice3A_800 = vector.extract_strided_slice %dot_general3A_652 {offsets = [3, 0], sizes = [1, 1024], strides = [1, 1]} : vector<8x1024xf32> to vector<1x1024xf32>
    %squeeze3A_801 = vector.shape_cast %slice3A_800 : vector<1x1024xf32> to vector<1024xf32>
    %slice3A_802 = vector.extract_strided_slice %dot_general3A_652 {offsets = [7, 0], sizes = [1, 1024], strides = [1, 1]} : vector<8x1024xf32> to vector<1x1024xf32>
    %squeeze3A_803 = vector.shape_cast %slice3A_802 : vector<1x1024xf32> to vector<1024xf32>
    %reduce_max3A_804 = vector.shape_cast %squeeze3A_803 : vector<1024xf32> to vector<1x1024xf32>
    %reduce_max3A_805 = arith.constant dense<0xFF800000> : vector<1xf32>
    %reduce_max3A_806 = vector.multi_reduction <maximumf>, %reduce_max3A_804, %reduce_max3A_805 [1] : vector<1x1024xf32> to vector<1xf32>
    %reduce_max3A_807 = vector.shape_cast %reduce_max3A_806 : vector<1xf32> to vector<1x1xf32>
    %reduce_max3A_808 = vector.extract %reduce_max3A_807[0, 0] : f32 from vector<1x1xf32>
    %add3A_809 = vector.broadcast %reduce_max3A_808 : f32 to vector<1024xf32>
    %add3A_810 = arith.addf %squeeze3A_801, %add3A_809 : vector<1024xf32>
    %mul3A_811 = arith.constant 2.000000e-01 : f32
    %mul3A_812 = vector.broadcast %mul3A_811 : f32 to vector<1024xf32>
    %mul3A_813 = arith.mulf %mul3A_812, %add3A_810 : vector<1024xf32>
    %max3A_814 = arith.maximumf %add3A_810, %mul3A_813 : vector<1024xf32>
    %sub3A_815 = arith.subf %squeeze3A_801, %max3A_814 : vector<1024xf32>
    %broadcast_in_dim3A_816 = vector.shape_cast %sub3A_815 : vector<1024xf32> to vector<1024x1xf32>
    %broadcast_in_dim3A_817 = vector.shape_cast %squeeze3A_803 : vector<1024xf32> to vector<1x1024xf32>
    %add3A_818 = vector.broadcast %broadcast_in_dim3A_816 : vector<1024x1xf32> to vector<1024x1024xf32>
    %add3A_819 = vector.broadcast %broadcast_in_dim3A_817 : vector<1x1024xf32> to vector<1024x1024xf32>
    %add3A_820 = arith.addf %add3A_818, %add3A_819 : vector<1024x1024xf32>
    %mul3A_821 = arith.constant 2.000000e-01 : f32
    %mul3A_822 = vector.broadcast %mul3A_821 : f32 to vector<1024xf32>
    %mul3A_823 = arith.mulf %mul3A_822, %squeeze3A_801 : vector<1024xf32>
    %sub3A_824 = arith.subf %mul3A_823, %max3A_814 : vector<1024xf32>
    %broadcast_in_dim3A_825 = vector.shape_cast %sub3A_824 : vector<1024xf32> to vector<1024x1xf32>
    %mul3A_826 = arith.constant 2.000000e-01 : f32
    %mul3A_827 = vector.broadcast %mul3A_826 : f32 to vector<1024xf32>
    %mul3A_828 = arith.mulf %mul3A_827, %squeeze3A_803 : vector<1024xf32>
    %broadcast_in_dim3A_829 = vector.shape_cast %mul3A_828 : vector<1024xf32> to vector<1x1024xf32>
    %add3A_830 = vector.broadcast %broadcast_in_dim3A_825 : vector<1024x1xf32> to vector<1024x1024xf32>
    %add3A_831 = vector.broadcast %broadcast_in_dim3A_829 : vector<1x1024xf32> to vector<1024x1024xf32>
    %add3A_832 = arith.addf %add3A_830, %add3A_831 : vector<1024x1024xf32>
    %max3A_833 = arith.maximumf %add3A_820, %add3A_832 : vector<1024x1024xf32>
    %exp3A_834 = math.exp %max3A_833 : vector<1024x1024xf32>
    %mul3A_835 = arith.mulf %exp3A_834, %convert_element_type3A : vector<1024x1024xf32>
    %slice3A_836 = vector.extract_strided_slice %dot_general3A_647 {offsets = [0, 384], sizes = [1024, 128], strides = [1, 1]} : vector<1024x512xf32> to vector<1024x128xf32>
    %broadcast_in_dim3A_837 = arith.constant 1.000000e+00 : f32
    %broadcast_in_dim3A_838 = vector.broadcast %broadcast_in_dim3A_837 : f32 to vector<1024x128xf32>
    %concatenate3A_839 = tpu.concatenate %slice3A_836, %broadcast_in_dim3A_838 in 1 : vector<1024x128xf32>, vector<1024x128xf32> -> vector<1024x256xf32>
    %dot_general3A_840 = arith.constant dense<0.000000e+00> : vector<1024x256xf32>
    %dot_general3A_841 = tpu.matmul %mul3A_835, %concatenate3A_839, %dot_general3A_840 {dimension_numbers = #tpu.dot_dimension_numbers<[1], [0], [0], [1], [0, 0, 1, 1], [], []>, transpose_lhs_hint = false} : vector<1024x1024xf32>, vector<1024x256xf32>, vector<1024x256xf32> -> vector<1024x256xf32>
    %slice3A_842 = vector.extract_strided_slice %dot_general3A_841 {offsets = [0, 0], sizes = [1024, 128], strides = [1, 1]} : vector<1024x256xf32> to vector<1024x128xf32>
    %slice3A_843 = vector.extract_strided_slice %dot_general3A_841 {offsets = [0, 128], sizes = [1024, 1], strides = [1, 1]} : vector<1024x256xf32> to vector<1024x1xf32>
    %div3A_844 = arith.constant 1.000000e+00 : f32
    %div3A_845 = vector.broadcast %div3A_844 : f32 to vector<1024x1xf32>
    %div3A_846 = arith.divf %div3A_845, %slice3A_843 : vector<1024x1xf32>
    %mul3A_847 = vector.broadcast %div3A_846 : vector<1024x1xf32> to vector<1024x128xf32>
    %mul3A_848 = arith.mulf %slice3A_842, %mul3A_847 : vector<1024x128xf32>
    %add3A_849 = arith.addf %mul3A_701, %mul3A_750 : vector<1024x128xf32>
    %add3A_850 = arith.addf %add3A_849, %mul3A_799 : vector<1024x128xf32>
    %add3A_851 = arith.addf %add3A_850, %mul3A_848 : vector<1024x128xf32>
    %mul3A_852 = arith.constant 2.500000e-01 : f32
    %mul3A_853 = vector.broadcast %mul3A_852 : f32 to vector<1024x128xf32>
    %mul3A_854 = arith.mulf %add3A_851, %mul3A_853 : vector<1024x128xf32>
    %max3A_855 = arith.constant 0.000000e+00 : f32
    %max3A_856 = vector.broadcast %max3A_855 : f32 to vector<1024x128xf32>
    %max3A_857 = arith.maximumf %mul3A_854, %max3A_856 : vector<1024x128xf32>
    %swap3A = arith.constant 0 : index
    %swap3A_858 = arith.constant 0 : index
    %swap3A_859 = arith.constant 0 : index
    %swap3A_860 = vector.load %arg14[%swap3A, %swap3A_858, %swap3A_859] : memref<1x1024x128xf32, #tpu.memory_space<vmem>>, vector<1x1024x128xf32>
    %swap3A_861 = vector.shape_cast %swap3A_860 : vector<1x1024x128xf32> to vector<1024x128xf32>
    %swap3A_862 = vector.shape_cast %max3A_857 : vector<1024x128xf32> to vector<1x1024x128xf32>
    tpu.vector_store %arg14[%swap3A, %swap3A_858, %swap3A_859], %swap3A_862 {strides = array<i32>} : memref<1x1024x128xf32, #tpu.memory_space<vmem>>, vector<1x1024x128xf32>,
    return
  }
  func.func @transform_0(%arg0: i32) -> (i32, i32, i32) {
    %c0_i32 = arith.constant 0 : i32
    %c0_i32_0 = arith.constant 0 : i32
    %c0_i32_1 = arith.constant 0 : i32
    return %arg0, %c0_i32, %c0_i32_0 : i32, i32, i32
  }
  func.func @transform_1(%arg0: i32) -> (i32, i32, i32) {
    %c0_i32 = arith.constant 0 : i32
    %c0_i32_0 = arith.constant 0 : i32
    %c0_i32_1 = arith.constant 0 : i32
    return %arg0, %c0_i32, %c0_i32_0 : i32, i32, i32
  }
  func.func @transform_2(%arg0: i32) -> (i32, i32, i32) {
    %c0_i32 = arith.constant 0 : i32
    %c0_i32_0 = arith.constant 0 : i32
    %c0_i32_1 = arith.constant 0 : i32
    return %arg0, %c0_i32, %c0_i32_0 : i32, i32, i32
  }
  func.func @transform_3(%arg0: i32) -> (i32, i32, i32) {
    %c0_i32 = arith.constant 0 : i32
    %c0_i32_0 = arith.constant 0 : i32
    %c0_i32_1 = arith.constant 0 : i32
    return %arg0, %c0_i32, %c0_i32_0 : i32, i32, i32
  }
  func.func @transform_4(%arg0: i32) -> (i32, i32) {
    %c0_i32 = arith.constant 0 : i32
    %c0_i32_0 = arith.constant 0 : i32
    %c0_i32_1 = arith.constant 0 : i32
    return %c0_i32, %c0_i32_0 : i32, i32
  }
  func.func @transform_5(%arg0: i32) -> (i32, i32) {
    %c0_i32 = arith.constant 0 : i32
    %c0_i32_0 = arith.constant 0 : i32
    %c0_i32_1 = arith.constant 0 : i32
    return %c0_i32, %c0_i32_0 : i32, i32
  }
  func.func @transform_6(%arg0: i32) -> (i32, i32) {
    %c0_i32 = arith.constant 0 : i32
    %c0_i32_0 = arith.constant 0 : i32
    %c0_i32_1 = arith.constant 0 : i32
    return %c0_i32, %c0_i32_0 : i32, i32
  }
  func.func @transform_7(%arg0: i32) -> (i32, i32) {
    %c0_i32 = arith.constant 0 : i32
    %c0_i32_0 = arith.constant 0 : i32
    %c0_i32_1 = arith.constant 0 : i32
    return %c0_i32, %c0_i32_0 : i32, i32
  }
  func.func @transform_8(%arg0: i32) -> (i32, i32) {
    %c0_i32 = arith.constant 0 : i32
    %c0_i32_0 = arith.constant 0 : i32
    %c0_i32_1 = arith.constant 0 : i32
    return %c0_i32, %c0_i32_0 : i32, i32
  }
  func.func @transform_9(%arg0: i32) -> (i32, i32) {
    %c0_i32 = arith.constant 0 : i32
    %c0_i32_0 = arith.constant 0 : i32
    %c0_i32_1 = arith.constant 0 : i32
    return %c0_i32, %c0_i32_0 : i32, i32
  }
  func.func @transform_10(%arg0: i32) -> (i32, i32) {
    %c0_i32 = arith.constant 0 : i32
    %c0_i32_0 = arith.constant 0 : i32
    %c0_i32_1 = arith.constant 0 : i32
    return %c0_i32, %c0_i32_0 : i32, i32
  }
  func.func @transform_11(%arg0: i32) -> (i32, i32) {
    %c0_i32 = arith.constant 0 : i32
    %c0_i32_0 = arith.constant 0 : i32
    %c0_i32_1 = arith.constant 0 : i32
    return %c0_i32, %c0_i32_0 : i32, i32
  }
  func.func @transform_12(%arg0: i32) -> (i32, i32) {
    %c0_i32 = arith.constant 0 : i32
    %c0_i32_0 = arith.constant 0 : i32
    %c0_i32_1 = arith.constant 0 : i32
    return %c0_i32, %c0_i32_0 : i32, i32
  }
  func.func @transform_13(%arg0: i32) -> (i32, i32, i32) {
    %c0_i32 = arith.constant 0 : i32
    %c0_i32_0 = arith.constant 0 : i32
    %c0_i32_1 = arith.constant 0 : i32
    return %arg0, %c0_i32, %c0_i32_0 : i32, i32, i32
  }
}

</mosaic_0001>

<sc_bundles>
// kernel: kernel.10.cloned.1.call-start
scs
__scs_entry_jumppad:
0x0: {  	(pc) =	sbr.rel $0x88, $3  }
0x1: {  	(tag) =	ssettag $0x0;
	lr =	simm.s32 $0x1  }
0x2: {  	[smem:$0x3F86] =	sst lr;
	_ =	strace $0xD0000000  }
0x3: {  	_ = 	snop  }
0x4: {  	_ = 	snop  }
0x5: {  	_ = 	snop  }
0x6: {  	_ = 	snop  }
0x7: {  	_ = 	snop  }
__scs_overlays_trampoline_lowered:
0x8: {  	[smem:$0x3F95] =	sst s0  }
0x9: {  	[smem:$0x3F96] =	sst s1  }
0xa: {  	[smem:$0x3F97] =	sst s2  }
0xb: {  	[smem:$0x3F98] =	sst s3  }
0xc: {  	[smem:$0x3F99] =	sst s4  }
0xd: {  	[smem:$0x3F9A] =	sst s5  }
0xe: {  	[smem:$0x3F9B] =	sst s6  }
0xf: {  	[smem:$0x3F9C] =	sst s7  }
0x10: {  	[smem:$0x3F9D] =	sst s8  }
0x11: {  	[smem:$0x3F9E] =	sst s9;
	s0 =	simm.s32 @!p0 $0x0  }
0x12: {  	s1 =	sld [smem:$0x3F84];
	s0 =	simm.s32 @p0 $0x1  }
0x13: {  	[smem:$0x3F9F] =	sst s0;
	s0 =	simm.s32 @!p1 $0x0  }
0x14: {  	s2 =	sld [smem:$0x3F83];
	s0 =	simm.s32 @p1 $0x1  }
0x15: {  	[smem:$0x3FA0] =	sst s0;
	s0 =	simm.s32 @!p2 $0x0  }
0x16: {  	s3 =	sld [smem:$0x3FDB];
	s0 =	simm.s32 @p2 $0x1  }
0x17: {  	s4 =	simm.s32 $0x1BF5;
	[smem:$0x3FA2] =	sst s0  }
0x18: {  	s0 =	sld [smem:$0x3F85];
	_ =	swait.ge [sflag:s4], $0x0  }
0x19: {  	s7 =	sld [smem:$0x3F86]  }
0x1a: {  	s8 =	sadd.s32 $0xFFFFE003, lr  }
0x1b: {  	s9 =	sadd.s32 $0xFFFFFEF7, lr;
	s5 =	simm.s32 $0xFFFFFFFF;
	p2 =	slt.u32 s8, $0xFFFFF086  }
0x1c: {  	p1 =	slt.u32 s9, $0xF7A;
	s5 =	simm.s32 @!p2 $0x0  }
0x1d: {  	s5 =	simm.s32 @p1 $0x1;
	p0 =	seq.s32 s7, s2  }
0x1e: {  	s7 =	smul.u32 @!p0 $0xF7A, s2;
	p2 =	seq.s32 @!p0 s5, $0x0  }
0x1f: {  	s9 =	smul.u32 $0xF7A, s1;
	s8 =	simm.s32 @!p0 $0x1BF5;
	p2 =	por !p2, p0  }
0x20: {  	[sflag:s8] =	ssyncset.s32 @!p0 $0xFFFFF086;
	s6 =	sadd.s32 @!p0 s3, s7;
	s7 =	simm.s32 @!p0 $0x108  }
0x21: {  	s3 =	sadd.s32 s3, s9;
	s6 =	sadd.s32 @!p0 $0x88, s6;
	s7 =	simm.s32 @p2 $0x1082  }
0x22: {  	[simem:s7], [sflag:s8] =	dma.local @!p0 [hbm:s6], $0xF7A  }
0x23: {  	s9 =	sor.u32 $0xD0000000, s2;
	s6 =	simm.s32 $0x108;
	_ =	swait.ge @!p0 [sflag:s8], $0x0  }
0x24: {  	s3 =	sadd.s32 $0x88, s3;
	s6 =	simm.s32 @!p1 $0x1082;
	[sflag:s4] =	ssyncset.s32 $0xFFFFF086  }
0x25: {  	[simem:s6], [sflag:s4] =	dma.local [hbm:s3], $0xF7A  }
0x26: {  	[smem:$0x3F86] =	sst s1;
	(tag) =	ssettag s2;
	_ =	strace s9  }
0x27: {  	s1 =	sld [smem:$0x3F96]  }
0x28: {  	s2 =	sld [smem:$0x3F97]  }
0x29: {  	s4 =	sld [smem:$0x3F99]  }
0x2a: {  	p0 =	seq.s32 s5, $0x0;
	s5 =	sld [smem:$0x3F9A]  }
0x2b: {  	s6 =	sld [smem:$0x3F9B]  }
0x2c: {  	s7 =	sld [smem:$0x3F9C]  }
0x2d: {  	s3 =	simm.s32 $0x108;
	s8 =	sld [smem:$0x3F9D]  }
0x2e: {  	s3 =	simm.s32 @!p0 $0x1082;
	s9 =	sld [smem:$0x3F9E]  }
0x2f: {  	lr =	sadd.s32 s0, s3;
	s0 =	sld [smem:$0x3F95]  }
0x30: {  	s3 =	sld [smem:$0x3F98]  }
0x31: {  	[smem:$0x3FA1] =	sst s10  }
0x32: {  	s10 =	sld [smem:$0x3F9F];
	_ =	sdelay $0x3  }
0x33: {  	p0 =	seq.s32 s10, $0x1;
	s10 =	sld [smem:$0x3FA1];
	_ =	sdelay $0x3  }
0x34: {  	[smem:$0x3FA1] =	sst s10  }
0x35: {  	s10 =	sld [smem:$0x3FA0];
	_ =	sdelay $0x3  }
0x36: {  	p1 =	seq.s32 s10, $0x1;
	s10 =	sld [smem:$0x3FA1];
	_ =	sdelay $0x3  }
0x37: {  	[smem:$0x3FA1] =	sst s10  }
0x38: {  	s10 =	sld [smem:$0x3FA2]  }
0x39: {  	_ = 	snop;
	(pc) =	sbr.ind lr, $3  }
0x3a: {  	_ = 	snop  }
0x3b: {  	_ = 	snop  }
0x3c: {  	p2 =	seq.s32 s10, $0x1;
	s10 =	sld [smem:$0x3FA1]  }
0x3d: {  	_ =	shalt  }
0x3e: {  	_ =	shalt  }
0x3f: {  	_ =	shalt  }
0x40: {  	_ =	shalt  }
0x41: {  	_ =	shalt  }
0x42: {  	_ =	shalt  }
0x43: {  	_ =	shalt  }
0x44: {  	_ =	shalt  }
0x45: {  	_ =	shalt  }
0x46: {  	_ =	shalt  }
0x47: {  	_ =	shalt  }
0x48: {  	_ =	shalt  }
0x49: {  	_ =	shalt  }
0x4a: {  	_ =	shalt  }
0x4b: {  	_ =	shalt  }
0x4c: {  	_ =	shalt  }
0x4d: {  	_ =	shalt  }
0x4e: {  	_ =	shalt  }
0x4f: {  	_ =	shalt  }
0x50: {  	_ =	shalt  }
0x51: {  	_ =	shalt  }
0x52: {  	_ =	shalt  }
0x53: {  	_ =	shalt  }
0x54: {  	_ =	shalt  }
0x55: {  	_ =	shalt  }
0x56: {  	_ =	shalt  }
0x57: {  	_ =	shalt  }
0x58: {  	_ =	shalt  }
0x59: {  	_ =	shalt  }
0x5a: {  	_ =	shalt  }
0x5b: {  	_ =	shalt  }
0x5c: {  	_ =	shalt  }
0x5d: {  	_ =	shalt  }
0x5e: {  	_ =	shalt  }
0x5f: {  	_ =	shalt  }
0x60: {  	_ =	shalt  }
0x61: {  	_ =	shalt  }
0x62: {  	_ =	shalt  }
0x63: {  	_ =	shalt  }
0x64: {  	_ =	shalt  }
0x65: {  	_ =	shalt  }
0x66: {  	_ =	shalt  }
0x67: {  	_ =	shalt  }
0x68: {  	_ =	shalt  }
0x69: {  	_ =	shalt  }
0x6a: {  	_ =	shalt  }
0x6b: {  	_ =	shalt  }
0x6c: {  	_ =	shalt  }
0x6d: {  	_ =	shalt  }
0x6e: {  	_ =	shalt  }
0x6f: {  	_ =	shalt  }
0x70: {  	_ =	shalt  }
0x71: {  	_ =	shalt  }
0x72: {  	_ =	shalt  }
0x73: {  	_ =	shalt  }
0x74: {  	_ =	shalt  }
0x75: {  	_ =	shalt  }
0x76: {  	_ =	shalt  }
0x77: {  	_ =	shalt  }
0x78: {  	_ =	shalt  }
0x79: {  	_ =	shalt  }
0x7a: {  	_ =	shalt  }
0x7b: {  	_ =	shalt  }
0x7c: {  	_ =	shalt  }
0x7d: {  	_ =	shalt  }
0x7e: {  	_ =	shalt  }
0x7f: {  	_ =	shalt  }
0x80: {  	_ =	shalt  }
0x81: {  	_ =	shalt  }
0x82: {  	_ =	shalt  }
0x83: {  	_ =	shalt  }
0x84: {  	_ =	shalt  }
0x85: {  	_ =	shalt  }
0x86: {  	_ =	shalt  }
0x87: {  	_ =	shalt  }
.Lfunc_end0:
.L_simem_size_0:
called_computation.1_lowered:
.L_overlay_start_0:
0x88: {  	s2 =	sld [smem:$0x3FD9]  }
0x89: {  	s3 =	sld [smem:$0x3FFE];
	_ =	sdelay $0x1  }
0x8a: {  	s1 =	srdreg.scid  }
0x8b: {  	s0 =	sand.u32 $0x1, s1  }
0x8c: {  	s17 =	sshll.u32 s0, $0xA;
	s2 =	sadd.s32 s3, s2  }
0x8d: {  	s2 =	sadd.s32 s2, s17  }
0x8e: {  	[smem:$0x3FAD] =	sst s2  }
0x8f: {  	_ = 	snop  }
0x90: {  	s2 =	sld [smem:$0x3FD0];
	(tm) =	ssettm $0x1  }
0x91: {  	s18 =	sld [smem:$0x3FFB];
	_ =	sdelay $0x3  }
0x92: {  	_ =	strace s18  }
0x93: {  	s3 =	sld [smem:$0x3FFC];
	_ =	sdelay $0x3  }
0x94: {  	_ =	strace s3  }
0x95: {  	s3 =	sld [smem:$0x3FFD];
	_ =	sdelay $0x3  }
0x96: {  	_ =	strace s3  }
0x97: {  	_ =	strace $0x8FFFFFFF  }
0x98: {  	s19 =	sld [smem:$0x3FDB];
	_ =	sdelay $0x1  }
0x99: {  	s4 =	simm.s32 $_scs_section_size  }
0x9a: {  	s5 =	simm.s32 $_size__tile_overlayer_lowered;
	s6 =	simm.s32 $_tile_overlayer_lowered  }
0x9b: {  	s22 =	simm.s32 $0x1BFF;
	s21 =	sshll.u32 s6, $0x1;
	s3 =	sadd.s32 s4, s19  }
0x9c: {  	s7 =	simm.s32 $0x0;
	s20 =	sshll.u32 s5, $0x1;
	s5 =	sadd.s32 s21, s3  }
0x9d: {  	[timem:s7], [sflag:s22] =	dma.local [hbm:s5], s20  }
0x9e: {  	_ =	swait.ge [sflag:s22], s20  }
0x9f: {  	s4 =	ssub.s32 $0x0, s20;
	[sflag:s22] =	ssyncset.done $0x0  }
0xa0: {  	[sflag:s22] =	ssyncadd.s32 s4;
	_ =	sdelay $0x1  }
0xa1: {  	s23 =	simm.s32 $0x1B8B  }
0xa2: {  	_ =	swait.ge [sflag:s23], $0x1  }
0xa3: {  	[sflag:s23] =	ssyncset.done $0x0  }
0xa4: {  	s25 =	simm.s32 $0x1B8E;
	s24 =	sld [smem:$0x3FFE];
	[sflag:s23] =	ssyncadd.s32 $0xFFFFFFFF  }
0xa5: {  	s26 =	simm.s32 $execute0_lowered;
	[smem:$0x3FD2] =	sst s25  }
0xa6: {  	s5 =	sshll.u32 s26, $0x1;
	_ =	strace $0x80000049;
	[dreg:$0x1] =	wrdreg $0xFFFFFFFF  }
0xa7: {  	s28 =	simm.s32 $_size_execute0_lowered;
	s3 =	sadd.s32 s3, s5;
	[dreg:$0x0] =	wrdreg $0x0  }
0xa8: {  	s5 =	sshll.u32 s28, $0x1;
	[dreg:$0x2] =	wrdreg s3  }
0xa9: {  	[dreg:$0x3] =	wrdreg s5  }
0xaa: {  	[dreg:$0x4] =	wrdreg $0xC0  }
0xab: {  	_ =	task [dreg:s7], $0x5FFFF  }
0xac: {  	[dreg:$0x1] =	wrdreg $0xFFFFFFFF  }
0xad: {  	[dreg:$0x0] =	wrdreg $0x60  }
0xae: {  	[dreg:$0x2] =	wrdreg s24  }
0xaf: {  	[dreg:$0x3] =	wrdreg s2  }
0xb0: {  	[dreg:$0x4] =	wrdreg $0x9  }
0xb1: {  	_ =	task.clear_ibuf [dreg:s7], $0x5FFFF;
	_ =	strace $0x90000049  }
0xb2: {  	s29 =	simm.s32 $0x9;
	_ =	strace $0x8000004B  }
0xb3: {  	_ =	swait.ge [sflag:s29], $0x1  }
0xb4: {  	[sflag:s29] =	ssyncadd.s32 $0xFFFFFFFF  }
0xb5: {  	_ =	strace $0x9000004B  }
0xb6: {  	_ =	sfence  }
0xb7: {  	s30 =	sld [smem:$0x0];
	_ =	sdelay $0x2  }
0xb8: {  	s31 =	sshll.u32 s1, $0xD;
	s1 =	sshrl.u32 s1, $0x2  }
0xb9: {  	s3 =	sand.u32 $0x4000, s31;
	s1 =	sadd.s32 s1, s30  }
0xba: {  	s0 =	sor.u32 s3, s0;
	s1 =	sshll.u32 s1, $0x11  }
0xbb: {  	s0 =	sor.u32 s1, s0  }
0xbc: {  	s0 =	sadd.s32 $0x8F2B, s0  }
0xbd: {  	[sflag:s0] =	ssyncadd.remote.s32 $0x1  }
0xbe: {  	_ =	sfence.sel $0xFFFF  }
0xbf: {  	[dreg:$0x0] =	wrdreg $0xFFFFFFFF;
	(pc) =	sbr.abs _section_cstart, $3  }
0xc0: {  	[dreg:$0x1] =	wrdreg $0xFFFFFFFF  }
0xc1: {  	_ =	task.clear_ibuf [dreg:s7], $0x2FFFF;
	_ =	strace $0x9FFFFFFF  }
0xc2: {  	(tm) =	ssettm $0x7FFFFFFF  }
0xc3: {  	_ =	shalt  }
tec
execute0_lowered:
.L_overlay_start_1:
0x0: {  	(tag) =	ssettag $0x1  }
0x1: {  	s10 =	rddreg [dreg:$0x0]  }
0x2: {  	s2 =	rddreg [dreg:$0x1]  }
0x3: {  	s0 =	rddreg [dreg:$0x2];
	s3 =	simm.s32 $0x0;
	s5 =	srdreg.scid  }
0x4: {  	s1 =	stileid.u32;
	[smem:$0x7FF] =	sst s3  }
0x5: {  	s4 =	sadd.s32 $0xD600, s10;
	s15 =	sand.u32 $0x1, s5;
	s7 =	sshll.u32 s1, $0x6  }
0x6: {  	s5 =	simm.s32 $0x2;
	_ =	strace $0x8000004A;
	s11 =	sshll.u32 s15, $0xB  }
0x7: {  	[tilespmem:s3], [sflag:$0x2] =	stream.linear.gather [hbm4b:s4+s3], $0x2000, $0x38;
	[tilespmem:$0x3080] =	vst v63  }
0x8: {  	s6 =	sor.u32 s7, s11;
	_ =	swait.ge [sflag:s5], $0x2000  }
0x9: {  	s12 =	sshllo.u32 s15, $0x1;
	s6 =	sshll.u32 s6, $0x4;
	[sflag:s5] =	ssyncset.done $0x0  }
0xa: {  	s16 =	sshll.u32 s12, $0xA;
	s6 =	sadd.s32 s2, s6;
	[sflag:s5] =	ssyncadd.s32 $0xFFFFE000  }
0xb: {  	[hbm4b:s6+s3] =	stream.linear.scatter [tilespmem:s3], [sflag:$0x2], $0x2000, $0x38;
	[tilespmem:$0x3080] =	vst v63  }
0xc: {  	s7 =	sor.u32 s7, s16;
	_ =	swait.ge [sflag:s5], $0x2000  }
0xd: {  	s7 =	sshll.u32 s7, $0x4;
	[sflag:s5] =	ssyncset.done $0x0  }
0xe: {  	s7 =	sadd.s32 s2, s7;
	[sflag:s5] =	ssyncadd.s32 $0xFFFFE000  }
0xf: {  	[hbm4b:s7+s3] =	stream.linear.scatter [tilespmem:s3], [sflag:$0x2], $0x2000, $0x38;
	[tilespmem:$0x3080] =	vst v63  }
0x10: {  	s14 =	sshll.u32 s1, $0x5;
	s8 =	sshll.u32 s15, $0xA;
	_ =	swait.ge [sflag:s5], $0x2000  }
0x11: {  	s13 =	sor.u32 s14, s8;
	[sflag:s5] =	ssyncset.done $0x0  }
0x12: {  	s17 =	sadd.s32 $0xD400, s10;
	s8 =	sshrl.u32 s13, $0x3;
	[sflag:s5] =	ssyncadd.s32 $0xFFFFE000  }
0x13: {  	s9 =	simm.s32 $0x3000;
	s8 =	sadd.s32 s17, s8;
	[bflag:$0x0] =	sbarrier.arrive $0xFFFF  }
0x14: {  	[tilespmem:s9], [sflag:$0x2] =	stream.linear.gather [hbm4b:s8+s3], $0x20, $0x38;
	[tilespmem:$0x3080] =	vst v63  }
0x15: {  	_ =	swait.ge [sflag:s5], $0x20  }
0x16: {  	[sflag:s5] =	ssyncset.done $0x0  }
0x17: {  	[sflag:s5] =	ssyncadd.s32 $0xFFFFFFE0  }
0x18: {  	v1 =	vld [tilespmem:$0x3000]  }
0x19: {  	v2 =	vld [tilespmem:$0x3010];
	_ =	sdelay $0x2  }
0x1a: {  	v0 =	vmov s11  }
0x1b: {  	v1 =	vadd.s32 v0, v1  }
0x1c: {  	s18 =	sadd.s32 $0x4E00, s10;
	s28 =	sshll.u32 s13, $0x4;
	[tilespmem:$0x3000] =	vst v1;
	v1 =	vadd.s32 v0, v2  }
0x1d: {  	s11 =	simm.s32 $0x2000;
	s10 =	sadd.s32 s18, s28;
	[tilespmem:$0x3010] =	vst v1  }
0x1e: {  	[tilespmem:s11], [sflag:$0x2] =	stream.linear.gather [hbm4b:s10+s3], $0x1000, $0x38;
	[tilespmem:$0x3080] =	vst v63  }
0x1f: {  	_ =	swait.ge [sflag:s5], $0x1000  }
0x20: {  	s19 =	sshll.u32 s12, $0x9;
	[sflag:s5] =	ssyncset.done $0x0  }
0x21: {  	s12 =	simm.s32 $0x1;
	s13 =	simm.s32 $0x20;
	[sflag:s5] =	ssyncadd.s32 $0xFFFFF000  }
0x22: {  	[hbm4b:s2+s13] =	stream.indirect.scatter [tilespmem:s11], [sflag:$0x1], $0x80, s9, s13, $0xb8;
	[tilespmem:$0x3080] =	vst v63  }
0x23: {  	s19 =	sor.u32 s14, s19;
	_ =	swait.ge [sflag:s12], $0x1000  }
0x24: {  	s14 =	sshrl.u32 s19, $0x3;
	[sflag:s12] =	ssyncset.done $0x0  }
0x25: {  	s14 =	sadd.s32 s17, s14;
	[sflag:s12] =	ssyncadd.s32 $0xFFFFF000  }
0x26: {  	[tilespmem:s9], [sflag:$0x2] =	stream.linear.gather [hbm4b:s14+s3], $0x20, $0x38;
	[tilespmem:$0x3080] =	vst v63  }
0x27: {  	_ =	swait.ge [sflag:s5], $0x20  }
0x28: {  	[sflag:s5] =	ssyncset.done $0x0  }
0x29: {  	[sflag:s5] =	ssyncadd.s32 $0xFFFFFFE0  }
0x2a: {  	v2 =	vld [tilespmem:$0x3000]  }
0x2b: {  	v3 =	vld [tilespmem:$0x3010];
	_ =	sdelay $0x1  }
0x2c: {  	s30 =	ssub.s32 $0x2, s15  }
0x2d: {  	s31 =	sshrl.u32 s30, $0x1;
	v1 =	vmov s16  }
0x2e: {  	s16 =	ssub.s32 s30, s31;
	v2 =	vadd.s32 v1, v2  }
0x2f: {  	s29 =	sshll.u32 s19, $0x4;
	s16 =	smax.u32 s16, $0x1;
	[tilespmem:$0x3000] =	vst v2;
	v2 =	vadd.s32 v1, v3  }
0x30: {  	s15 =	sadd.s32 s18, s29;
	p0 =	sne.s32 s16, $0x1;
	[tilespmem:$0x3010] =	vst v2  }
0x31: {  	[tilespmem:s11], [sflag:$0x2] =	stream.linear.gather [hbm4b:s15+s3], $0x1000, $0x38;
	[tilespmem:$0x3080] =	vst v63  }
.Ltmp0:
0x32: {  	_ = 	snop;
	(pc) =	sbr.rel @!p0 .LBB2_2-.Ltmp0, $4  }
0x33: {  	_ =	swait.ge [sflag:s5], $0x1000  }
0x34: {  	[sflag:s5] =	ssyncset.done $0x0  }
0x35: {  	s16 =	sadd.s32 $0xFFFFFFFF, s16;
	[sflag:s5] =	ssyncadd.s32 $0xFFFFF000  }
0x36: {  	[hbm4b:s2+s13] =	stream.indirect.scatter [tilespmem:s11], [sflag:$0x1], $0x80, s9, s13, $0xb8;
	[tilespmem:$0x3080] =	vst v63  }
.LBB2_1:
0x37: {  	p0 =	sne.s32 s16, $0x1;
	s16 =	sadd.s32 $0xFFFFFFFF, s16;
	_ =	swait.ge [sflag:s12], $0x1000  }
0x38: {  	[sflag:s12] =	ssyncset.done $0x0  }
0x39: {  	[sflag:s12] =	ssyncadd.s32 $0xFFFFF000  }
0x3a: {  	[tilespmem:s3], [sflag:$0x2] =	stream.linear.gather [hbm4b:s4+s3], $0x2000, $0x38;
	[tilespmem:$0x3080] =	vst v63  }
0x3b: {  	_ =	swait.ge [sflag:s5], $0x2000  }
0x3c: {  	[sflag:s5] =	ssyncset.done $0x0  }
0x3d: {  	[sflag:s5] =	ssyncadd.s32 $0xFFFFE000  }
0x3e: {  	[hbm4b:s6+s3] =	stream.linear.scatter [tilespmem:s3], [sflag:$0x2], $0x2000, $0x38;
	[tilespmem:$0x3080] =	vst v63  }
0x3f: {  	_ =	swait.ge [sflag:s5], $0x2000  }
0x40: {  	[sflag:s5] =	ssyncset.done $0x0  }
0x41: {  	[sflag:s5] =	ssyncadd.s32 $0xFFFFE000  }
0x42: {  	[hbm4b:s7+s3] =	stream.linear.scatter [tilespmem:s3], [sflag:$0x2], $0x2000, $0x38;
	[tilespmem:$0x3080] =	vst v63  }
0x43: {  	_ =	swait.ge [sflag:s5], $0x2000  }
0x44: {  	[sflag:s5] =	ssyncset.done $0x0  }
0x45: {  	[sflag:s5] =	ssyncadd.s32 $0xFFFFE000  }
0x46: {  	[bflag:$0x0] =	sbarrier.arrive $0xFFFF  }
0x47: {  	[tilespmem:s9], [sflag:$0x2] =	stream.linear.gather [hbm4b:s8+s3], $0x20, $0x38;
	[tilespmem:$0x3080] =	vst v63  }
0x48: {  	_ =	swait.ge [sflag:s5], $0x20  }
0x49: {  	[sflag:s5] =	ssyncset.done $0x0  }
0x4a: {  	[sflag:s5] =	ssyncadd.s32 $0xFFFFFFE0  }
0x4b: {  	v2 =	vld [tilespmem:$0x3000]  }
0x4c: {  	v3 =	vld [tilespmem:$0x3010];
	_ =	sdelay $0x3  }
0x4d: {  	v2 =	vadd.s32 v0, v2  }
0x4e: {  	[tilespmem:$0x3000] =	vst v2;
	v2 =	vadd.s32 v0, v3  }
0x4f: {  	[tilespmem:$0x3010] =	vst v2  }
0x50: {  	[tilespmem:s11], [sflag:$0x2] =	stream.linear.gather [hbm4b:s10+s3], $0x1000, $0x38;
	[tilespmem:$0x3080] =	vst v63  }
0x51: {  	_ =	swait.ge [sflag:s5], $0x1000  }
0x52: {  	[sflag:s5] =	ssyncset.done $0x0  }
0x53: {  	[sflag:s5] =	ssyncadd.s32 $0xFFFFF000  }
0x54: {  	[hbm4b:s2+s13] =	stream.indirect.scatter [tilespmem:s11], [sflag:$0x1], $0x80, s9, s13, $0xb8;
	[tilespmem:$0x3080] =	vst v63  }
0x55: {  	_ =	swait.ge [sflag:s12], $0x1000  }
0x56: {  	[sflag:s12] =	ssyncset.done $0x0  }
0x57: {  	[sflag:s12] =	ssyncadd.s32 $0xFFFFF000  }
0x58: {  	[tilespmem:s9], [sflag:$0x2] =	stream.linear.gather [hbm4b:s14+s3], $0x20, $0x38;
	[tilespmem:$0x3080] =	vst v63  }
0x59: {  	_ =	swait.ge [sflag:s5], $0x20  }
0x5a: {  	[sflag:s5] =	ssyncset.done $0x0  }
0x5b: {  	[sflag:s5] =	ssyncadd.s32 $0xFFFFFFE0  }
0x5c: {  	v2 =	vld [tilespmem:$0x3000]  }
0x5d: {  	v3 =	vld [tilespmem:$0x3010];
	_ =	sdelay $0x3  }
0x5e: {  	v2 =	vadd.s32 v1, v2  }
0x5f: {  	[tilespmem:$0x3000] =	vst v2;
	v2 =	vadd.s32 v1, v3  }
0x60: {  	[tilespmem:$0x3010] =	vst v2  }
0x61: {  	[tilespmem:s11], [sflag:$0x2] =	stream.linear.gather [hbm4b:s15+s3], $0x1000, $0x38;
	[tilespmem:$0x3080] =	vst v63  }
.Ltmp1:
0x62: {  	_ = 	snop;
	(pc) =	sbr.rel @p0 .LBB2_1-.Ltmp1, $4  }
0x63: {  	_ =	swait.ge [sflag:s5], $0x1000  }
0x64: {  	[sflag:s5] =	ssyncset.done $0x0  }
0x65: {  	[sflag:s5] =	ssyncadd.s32 $0xFFFFF000  }
0x66: {  	[hbm4b:s2+s13] =	stream.indirect.scatter [tilespmem:s11], [sflag:$0x1], $0x80, s9, s13, $0xb8;
	[tilespmem:$0x3080] =	vst v63  }
.LBB2_2:
0x67: {  	_ =	swait.ge [sflag:s12], $0x1000  }
0x68: {  	[sflag:s12] =	ssyncset.done $0x0  }
0x69: {  	[sflag:s12] =	ssyncadd.s32 $0xFFFFF000  }
0x6a: {  	_ =	sfence.sel $0x180000  }
0x6b: {  	[bflag:$0x0] =	sbarrier.arrive $0xFFFF  }
0x6c: {  	p0 =	sne.s32 s1, $0x0;
	_ =	strace $0x9000004A  }
0x6d: {  	s0 =	sadd.s32 @!p0 $0x100000, s0;
	[bflag:$0x2] =	sbarrier.arrive $0xFFFF  }
0x6e: {  	[sflag:s0] =	ssyncadd.tile.s32 @!p0 $0x1;
	_ =	shalt  }
.Lfunc_end2:
_tile_overlayer_lowered:
.L_overlay_start_2:
0x6f: {  	(tag) =	ssettag $0x2  }
0x70: {  	s0 =	rddreg [dreg:$0x0];
	s2 =	stileid.u32  }
0x71: {  	s1 =	rddreg [dreg:$0x1];
	p0 =	sne.s32 s2, $0x0  }
0x72: {  	s3 =	rddreg [dreg:$0x2];
	[bflag:$0x3] =	sbarrier.arrive $0xFFFF;
	s2 =	simm.s32 @!p0 $0x1C02  }
0x73: {  	[timem:s3], [sflag:s2] =	dma.local @!p0 [hbm:s0], s1  }
0x74: {  	s0 =	simm.s32 @!p0 $0x2  }
0x75: {  	_ =	swait.ge @!p0 [sflag:s0], s1  }
0x76: {  	s1 =	ssub.s32 @!p0 $0x0, s1;
	[sflag:s0] =	ssyncset.done @!p0 $0x0  }
0x77: {  	[sflag:s0] =	ssyncadd.s32 @!p0 s1  }
0x78: {  	[bflag:$0x3] =	sbarrier.arrive $0xFFFF  }
0x79: {  	_ =	shalt  }

// kernel: kernel.7.cloned.1.call-start
scs
__scs_entry_jumppad:
0x0: {  	(pc) =	sbr.rel $0x88, $3  }
0x1: {  	(tag) =	ssettag $0x0;
	lr =	simm.s32 $0x1  }
0x2: {  	[smem:$0x3F86] =	sst lr;
	_ =	strace $0xD0000000  }
0x3: {  	_ = 	snop  }
0x4: {  	_ = 	snop  }
0x5: {  	_ = 	snop  }
0x6: {  	_ = 	snop  }
0x7: {  	_ = 	snop  }
__scs_overlays_trampoline_lowered:
0x8: {  	[smem:$0x3F95] =	sst s0  }
0x9: {  	[smem:$0x3F96] =	sst s1  }
0xa: {  	[smem:$0x3F97] =	sst s2  }
0xb: {  	[smem:$0x3F98] =	sst s3  }
0xc: {  	[smem:$0x3F99] =	sst s4  }
0xd: {  	[smem:$0x3F9A] =	sst s5  }
0xe: {  	[smem:$0x3F9B] =	sst s6  }
0xf: {  	[smem:$0x3F9C] =	sst s7  }
0x10: {  	[smem:$0x3F9D] =	sst s8  }
0x11: {  	[smem:$0x3F9E] =	sst s9;
	s0 =	simm.s32 @!p0 $0x0  }
0x12: {  	s1 =	sld [smem:$0x3F84];
	s0 =	simm.s32 @p0 $0x1  }
0x13: {  	[smem:$0x3F9F] =	sst s0;
	s0 =	simm.s32 @!p1 $0x0  }
0x14: {  	s2 =	sld [smem:$0x3F83];
	s0 =	simm.s32 @p1 $0x1  }
0x15: {  	[smem:$0x3FA0] =	sst s0;
	s0 =	simm.s32 @!p2 $0x0  }
0x16: {  	s3 =	sld [smem:$0x3FDB];
	s0 =	simm.s32 @p2 $0x1  }
0x17: {  	s4 =	simm.s32 $0x1BF5;
	[smem:$0x3FA2] =	sst s0  }
0x18: {  	s0 =	sld [smem:$0x3F85];
	_ =	swait.ge [sflag:s4], $0x0  }
0x19: {  	s7 =	sld [smem:$0x3F86]  }
0x1a: {  	s8 =	sadd.s32 $0xFFFFE003, lr  }
0x1b: {  	s9 =	sadd.s32 $0xFFFFFEF7, lr;
	s5 =	simm.s32 $0xFFFFFFFF;
	p2 =	slt.u32 s8, $0xFFFFF086  }
0x1c: {  	p1 =	slt.u32 s9, $0xF7A;
	s5 =	simm.s32 @!p2 $0x0  }
0x1d: {  	s5 =	simm.s32 @p1 $0x1;
	p0 =	seq.s32 s7, s2  }
0x1e: {  	s7 =	smul.u32 @!p0 $0xF7A, s2;
	p2 =	seq.s32 @!p0 s5, $0x0  }
0x1f: {  	s9 =	smul.u32 $0xF7A, s1;
	s8 =	simm.s32 @!p0 $0x1BF5;
	p2 =	por !p2, p0  }
0x20: {  	[sflag:s8] =	ssyncset.s32 @!p0 $0xFFFFF086;
	s6 =	sadd.s32 @!p0 s3, s7;
	s7 =	simm.s32 @!p0 $0x108  }
0x21: {  	s3 =	sadd.s32 s3, s9;
	s6 =	sadd.s32 @!p0 $0x88, s6;
	s7 =	simm.s32 @p2 $0x1082  }
0x22: {  	[simem:s7], [sflag:s8] =	dma.local @!p0 [hbm:s6], $0xF7A  }
0x23: {  	s9 =	sor.u32 $0xD0000000, s2;
	s6 =	simm.s32 $0x108;
	_ =	swait.ge @!p0 [sflag:s8], $0x0  }
0x24: {  	s3 =	sadd.s32 $0x88, s3;
	s6 =	simm.s32 @!p1 $0x1082;
	[sflag:s4] =	ssyncset.s32 $0xFFFFF086  }
0x25: {  	[simem:s6], [sflag:s4] =	dma.local [hbm:s3], $0xF7A  }
0x26: {  	[smem:$0x3F86] =	sst s1;
	(tag) =	ssettag s2;
	_ =	strace s9  }
0x27: {  	s1 =	sld [smem:$0x3F96]  }
0x28: {  	s2 =	sld [smem:$0x3F97]  }
0x29: {  	s4 =	sld [smem:$0x3F99]  }
0x2a: {  	p0 =	seq.s32 s5, $0x0;
	s5 =	sld [smem:$0x3F9A]  }
0x2b: {  	s6 =	sld [smem:$0x3F9B]  }
0x2c: {  	s7 =	sld [smem:$0x3F9C]  }
0x2d: {  	s3 =	simm.s32 $0x108;
	s8 =	sld [smem:$0x3F9D]  }
0x2e: {  	s3 =	simm.s32 @!p0 $0x1082;
	s9 =	sld [smem:$0x3F9E]  }
0x2f: {  	lr =	sadd.s32 s0, s3;
	s0 =	sld [smem:$0x3F95]  }
0x30: {  	s3 =	sld [smem:$0x3F98]  }
0x31: {  	[smem:$0x3FA1] =	sst s10  }
0x32: {  	s10 =	sld [smem:$0x3F9F];
	_ =	sdelay $0x3  }
0x33: {  	p0 =	seq.s32 s10, $0x1;
	s10 =	sld [smem:$0x3FA1];
	_ =	sdelay $0x3  }
0x34: {  	[smem:$0x3FA1] =	sst s10  }
0x35: {  	s10 =	sld [smem:$0x3FA0];
	_ =	sdelay $0x3  }
0x36: {  	p1 =	seq.s32 s10, $0x1;
	s10 =	sld [smem:$0x3FA1];
	_ =	sdelay $0x3  }
0x37: {  	[smem:$0x3FA1] =	sst s10  }
0x38: {  	s10 =	sld [smem:$0x3FA2]  }
0x39: {  	_ = 	snop;
	(pc) =	sbr.ind lr, $3  }
0x3a: {  	_ = 	snop  }
0x3b: {  	_ = 	snop  }
0x3c: {  	p2 =	seq.s32 s10, $0x1;
	s10 =	sld [smem:$0x3FA1]  }
0x3d: {  	_ =	shalt  }
0x3e: {  	_ =	shalt  }
0x3f: {  	_ =	shalt  }
0x40: {  	_ =	shalt  }
0x41: {  	_ =	shalt  }
0x42: {  	_ =	shalt  }
0x43: {  	_ =	shalt  }
0x44: {  	_ =	shalt  }
0x45: {  	_ =	shalt  }
0x46: {  	_ =	shalt  }
0x47: {  	_ =	shalt  }
0x48: {  	_ =	shalt  }
0x49: {  	_ =	shalt  }
0x4a: {  	_ =	shalt  }
0x4b: {  	_ =	shalt  }
0x4c: {  	_ =	shalt  }
0x4d: {  	_ =	shalt  }
0x4e: {  	_ =	shalt  }
0x4f: {  	_ =	shalt  }
0x50: {  	_ =	shalt  }
0x51: {  	_ =	shalt  }
0x52: {  	_ =	shalt  }
0x53: {  	_ =	shalt  }
0x54: {  	_ =	shalt  }
0x55: {  	_ =	shalt  }
0x56: {  	_ =	shalt  }
0x57: {  	_ =	shalt  }
0x58: {  	_ =	shalt  }
0x59: {  	_ =	shalt  }
0x5a: {  	_ =	shalt  }
0x5b: {  	_ =	shalt  }
0x5c: {  	_ =	shalt  }
0x5d: {  	_ =	shalt  }
0x5e: {  	_ =	shalt  }
0x5f: {  	_ =	shalt  }
0x60: {  	_ =	shalt  }
0x61: {  	_ =	shalt  }
0x62: {  	_ =	shalt  }
0x63: {  	_ =	shalt  }
0x64: {  	_ =	shalt  }
0x65: {  	_ =	shalt  }
0x66: {  	_ =	shalt  }
0x67: {  	_ =	shalt  }
0x68: {  	_ =	shalt  }
0x69: {  	_ =	shalt  }
0x6a: {  	_ =	shalt  }
0x6b: {  	_ =	shalt  }
0x6c: {  	_ =	shalt  }
0x6d: {  	_ =	shalt  }
0x6e: {  	_ =	shalt  }
0x6f: {  	_ =	shalt  }
0x70: {  	_ =	shalt  }
0x71: {  	_ =	shalt  }
0x72: {  	_ =	shalt  }
0x73: {  	_ =	shalt  }
0x74: {  	_ =	shalt  }
0x75: {  	_ =	shalt  }
0x76: {  	_ =	shalt  }
0x77: {  	_ =	shalt  }
0x78: {  	_ =	shalt  }
0x79: {  	_ =	shalt  }
0x7a: {  	_ =	shalt  }
0x7b: {  	_ =	shalt  }
0x7c: {  	_ =	shalt  }
0x7d: {  	_ =	shalt  }
0x7e: {  	_ =	shalt  }
0x7f: {  	_ =	shalt  }
0x80: {  	_ =	shalt  }
0x81: {  	_ =	shalt  }
0x82: {  	_ =	shalt  }
0x83: {  	_ =	shalt  }
0x84: {  	_ =	shalt  }
0x85: {  	_ =	shalt  }
0x86: {  	_ =	shalt  }
0x87: {  	_ =	shalt  }
.Lfunc_end0:
.L_simem_size_0:
called_computation_lowered:
.L_overlay_start_0:
0x88: {  	s2 =	sld [smem:$0x3FD9]  }
0x89: {  	s3 =	sld [smem:$0x3FFE];
	_ =	sdelay $0x1  }
0x8a: {  	s1 =	srdreg.scid  }
0x8b: {  	s0 =	sand.u32 $0x1, s1  }
0x8c: {  	s17 =	sshll.u32 s0, $0xA;
	s2 =	sadd.s32 s3, s2  }
0x8d: {  	s2 =	sadd.s32 s2, s17  }
0x8e: {  	[smem:$0x3FAD] =	sst s2  }
0x8f: {  	_ = 	snop  }
0x90: {  	s2 =	sld [smem:$0x3FC8]  }
0x91: {  	s18 =	sld [smem:$0x3FD0];
	(tm) =	ssettm $0x1  }
0x92: {  	s4 =	sld [smem:$0x3FFB];
	_ =	sdelay $0x3  }
0x93: {  	_ =	strace s4  }
0x94: {  	s4 =	sld [smem:$0x3FFC];
	_ =	sdelay $0x3  }
0x95: {  	_ =	strace s4  }
0x96: {  	s4 =	sld [smem:$0x3FFD];
	_ =	sdelay $0x3  }
0x97: {  	_ =	strace s4  }
0x98: {  	_ =	strace $0x8FFFFFFF  }
0x99: {  	s19 =	sld [smem:$0x3FDB];
	_ =	sdelay $0x1  }
0x9a: {  	s5 =	simm.s32 $_scs_section_size  }
0x9b: {  	s6 =	simm.s32 $_size__tile_overlayer_lowered;
	s7 =	simm.s32 $_tile_overlayer_lowered  }
0x9c: {  	s22 =	simm.s32 $0x1BFF;
	s21 =	sshll.u32 s7, $0x1;
	s4 =	sadd.s32 s5, s19  }
0x9d: {  	s8 =	simm.s32 $0x0;
	s20 =	sshll.u32 s6, $0x1;
	s6 =	sadd.s32 s21, s4  }
0x9e: {  	[timem:s8], [sflag:s22] =	dma.local [hbm:s6], s20  }
0x9f: {  	_ =	swait.ge [sflag:s22], s20  }
0xa0: {  	s5 =	ssub.s32 $0x0, s20;
	[sflag:s22] =	ssyncset.done $0x0  }
0xa1: {  	[sflag:s22] =	ssyncadd.s32 s5;
	_ =	sdelay $0x1  }
0xa2: {  	s23 =	simm.s32 $0x1B8B  }
0xa3: {  	_ =	swait.ge [sflag:s23], $0x1  }
0xa4: {  	[sflag:s23] =	ssyncset.done $0x0  }
0xa5: {  	s25 =	simm.s32 $0x1B8E;
	s24 =	sld [smem:$0x3FFE];
	[sflag:s23] =	ssyncadd.s32 $0xFFFFFFFF  }
0xa6: {  	s26 =	simm.s32 $execute0_lowered;
	[smem:$0x3FD2] =	sst s25  }
0xa7: {  	s6 =	sshll.u32 s26, $0x1;
	_ =	strace $0x80000046;
	[dreg:$0x1] =	wrdreg $0xFFFFFFFF  }
0xa8: {  	s28 =	simm.s32 $_size_execute0_lowered;
	s4 =	sadd.s32 s4, s6;
	[dreg:$0x0] =	wrdreg $0x0  }
0xa9: {  	s6 =	sshll.u32 s28, $0x1;
	[dreg:$0x2] =	wrdreg s4  }
0xaa: {  	[dreg:$0x3] =	wrdreg s6  }
0xab: {  	[dreg:$0x4] =	wrdreg $0xC0  }
0xac: {  	_ =	task [dreg:s8], $0x5FFFF  }
0xad: {  	[dreg:$0x1] =	wrdreg $0xFFFFFFFF  }
0xae: {  	[dreg:$0x0] =	wrdreg $0x60  }
0xaf: {  	[dreg:$0x2] =	wrdreg s2  }
0xb0: {  	[dreg:$0x3] =	wrdreg s18  }
0xb1: {  	[dreg:$0x4] =	wrdreg s24  }
0xb2: {  	[dreg:$0x5] =	wrdreg $0x9  }
0xb3: {  	_ =	task.clear_ibuf [dreg:s8], $0x6FFFF;
	_ =	strace $0x90000046  }
0xb4: {  	s29 =	simm.s32 $0x9;
	_ =	strace $0x80000048  }
0xb5: {  	_ =	swait.ge [sflag:s29], $0x1  }
0xb6: {  	[sflag:s29] =	ssyncadd.s32 $0xFFFFFFFF  }
0xb7: {  	_ =	strace $0x90000048  }
0xb8: {  	_ =	sfence  }
0xb9: {  	s30 =	sld [smem:$0x0];
	_ =	sdelay $0x2  }
0xba: {  	s31 =	sshll.u32 s1, $0xD;
	s1 =	sshrl.u32 s1, $0x2  }
0xbb: {  	s3 =	sand.u32 $0x4000, s31;
	s1 =	sadd.s32 s1, s30  }
0xbc: {  	s0 =	sor.u32 s3, s0;
	s1 =	sshll.u32 s1, $0x11  }
0xbd: {  	s0 =	sor.u32 s1, s0  }
0xbe: {  	s0 =	sadd.s32 $0x8F2B, s0  }
0xbf: {  	[sflag:s0] =	ssyncadd.remote.s32 $0x1  }
0xc0: {  	_ =	sfence.sel $0xFFFF  }
0xc1: {  	[dreg:$0x0] =	wrdreg $0xFFFFFFFF;
	(pc) =	sbr.abs _section_cstart, $3  }
0xc2: {  	[dreg:$0x1] =	wrdreg $0xFFFFFFFF  }
0xc3: {  	_ =	task.clear_ibuf [dreg:s8], $0x2FFFF;
	_ =	strace $0x9FFFFFFF  }
0xc4: {  	(tm) =	ssettm $0x7FFFFFFF  }
0xc5: {  	_ =	shalt  }
tec
execute0_lowered:
.L_overlay_start_1:
0x0: {  	(tag) =	ssettag $0x1  }
0x1: {  	s1 =	rddreg [dreg:$0x0]  }
0x2: {  	s0 =	rddreg [dreg:$0x1]  }
0x3: {  	[dreg:$0x4] =	wrdreg s0  }
0x4: {  	s2 =	srdreg.scid;
	s3 =	simm.s32 $0x0;
	s0 =	rddreg [dreg:$0x2]  }
0x5: {  	s6 =	sand.u32 $0x1, s2;
	[smem:$0x7FF] =	sst s3;
	s2 =	simm.s32 $0x880  }
0x6: {  	s13 =	simm.s32 $0x2880;
	_ =	strace $0x80000047;
	[dreg:$0xb] =	wrdreg s2  }
0x7: {  	s14 =	simm.s32 $0x3080;
	[dreg:$0xf] =	wrdreg s13  }
0x8: {  	s15 =	simm.s32 $0x3880;
	[dreg:$0x10] =	wrdreg s14  }
0x9: {  	s16 =	simm.s32 $0x4080;
	[dreg:$0x11] =	wrdreg s15  }
0xa: {  	s17 =	simm.s32 $0x4880;
	[dreg:$0x12] =	wrdreg s16  }
0xb: {  	s18 =	simm.s32 $0x5080;
	[dreg:$0x13] =	wrdreg s17  }
0xc: {  	s19 =	simm.s32 $0x5880;
	[dreg:$0x14] =	wrdreg s18  }
0xd: {  	s20 =	simm.s32 $0x6080;
	[dreg:$0x15] =	wrdreg s19  }
0xe: {  	s23 =	stileid.u32;
	s21 =	simm.s32 $0x6880;
	[dreg:$0x16] =	wrdreg s20  }
0xf: {  	s8 =	sand.u32 $0x7, s23;
	s24 =	sadd.s32 $0xD600, s0;
	[dreg:$0x17] =	wrdreg s21  }
0x10: {  	s9 =	sshll.u32 s8, $0xC;
	s2 =	simm.s32 $0x8080;
	[dreg:$0x5] =	wrdreg s24  }
0x11: {  	p1 =	sne.s32 s8, $0x0;
	s8 =	simm.s32 $0x9080;
	[dreg:$0x1a] =	wrdreg s2  }
0x12: {  	s28 =	simm.s32 $0x18080;
	s13 =	simm.s32 $0xA880;
	[dreg:$0x1c] =	wrdreg s8  }
0x13: {  	s29 =	simm.s32 $0x18880;
	s14 =	simm.s32 $0xB080;
	[dreg:$0x1f] =	wrdreg s13  }
0x14: {  	s30 =	simm.s32 $0x19080;
	s15 =	simm.s32 $0xB880;
	[smem:$0x7F2] =	sst s14  }
0x15: {  	s31 =	simm.s32 $0x19880;
	s16 =	simm.s32 $0xC080;
	[smem:$0x7F3] =	sst s15  }
0x16: {  	s4 =	sshll.u32 s6, $0x4;
	s17 =	simm.s32 $0xC880;
	[smem:$0x7F4] =	sst s16  }
0x17: {  	s6 =	ssub.s32 $0x2, s6;
	s18 =	simm.s32 $0xD080;
	[smem:$0x7F5] =	sst s17  }
0x18: {  	s19 =	simm.s32 $0xD880;
	s20 =	simm.s32 $0xE080;
	[smem:$0x7F6] =	sst s18  }
0x19: {  	s21 =	simm.s32 $0xE880;
	s7 =	sor.u32 s23, s4;
	[smem:$0x7F7] =	sst s19  }
0x1a: {  	s9 =	sadd.s32 s9, s0;
	s22 =	sshrl.u32 s6, $0x1;
	[smem:$0x7F8] =	sst s20  }
0x1b: {  	s23 =	simm.s32 $0x7080;
	s8 =	simm.s32 $0x1;
	[smem:$0x7F9] =	sst s21  }
0x1c: {  	s13 =	simm.s32 $0x80;
	s14 =	simm.s32 $0x10080;
	s15 =	simm.s32 $0x12080  }
0x1d: {  	s16 =	simm.s32 $0x2;
	s19 =	simm.s32 $0x14080;
	s20 =	simm.s32 $0x14880  }
0x1e: {  	s21 =	simm.s32 $0x15080;
	s4 =	sshll.u32 s7, $0x3;
	s10 =	sshll.u32 s7, $0xD  }
0x1f: {  	s25 =	sshll.u32 s7, $0xA;
	s9 =	sadd.s32 $0x4E00, s9;
	s24 =	ssub.s32 s6, s22  }
0x20: {  	[dreg:$0x18] =	wrdreg s23;
	p0 =	seq.s32 s7, $0x0;
	s6 =	simm.s32 $0x1  }
0x21: {  	s22 =	simm.s32 $0xF080;
	s23 =	simm.s32 $0xF880;
	s5 =	sadd.s32 s4, s0  }
0x22: {  	s4 =	sadd.s32 $0x4E600, s0;
	s11 =	sadd.s32 s10, s0;
	[dreg:$0xa] =	wrdreg s9  }
0x23: {  	p0 =	por !p1, !p0;
	s9 =	sadd.s32 $0x300, s1;
	[smem:$0x7FA] =	sst s22  }
0x24: {  	[smem:$0x7FB] =	sst s23;
	s22 =	simm.s32 $0x15880;
	s12 =	sadd.s32 $0xD400, s5  }
0x25: {  	s5 =	sadd.s32 s4, s10;
	s11 =	sadd.s32 $0xE600, s11;
	[dreg:$0x6] =	wrdreg s12  }
0x26: {  	s10 =	sadd.s32 s25, s0;
	s25 =	simm.s32 $0x7880;
	[dreg:$0x8] =	wrdreg s11  }
0x27: {  	s23 =	simm.s32 $0x16080;
	s26 =	sadd.s32 $0x1000, s5;
	[dreg:$0x19] =	wrdreg s25  }
0x28: {  	p0 =	por !p0, !p0;
	s10 =	sadd.s32 $0x8E600, s10;
	[dreg:$0x7] =	wrdreg s26  }
0x29: {  	s11 =	simm.s32 $0x1880;
	s12 =	simm.s32 $0x2080;
	[dreg:$0x9] =	wrdreg s10  }
0x2a: {  	s8 =	simm.s32 @!p0 $0x0;
	s25 =	simm.s32 $0x12880;
	[dreg:$0xd] =	wrdreg s11  }
0x2b: {  	s10 =	simm.s32 $0x1080;
	[dreg:$0xe] =	wrdreg s12;
	s26 =	sshrl.u32 s7, $0x3  }
0x2c: {  	s7 =	simm.s32 $0x8880;
	s12 =	simm.s32 $0xA080;
	[smem:$0x7FD] =	sst s25  }
0x2d: {  	s11 =	smax.u32 s24, $0x1;
	s24 =	simm.s32 $0x40;
	[dreg:$0xc] =	wrdreg s10  }
0x2e: {  	s25 =	simm.s32 $0x17080;
	[dreg:$0x1b] =	wrdreg s7;
	s10 =	simm.s32 $0x9880  }
0x2f: {  	[dreg:$0x1e] =	wrdreg s12;
	s8 =	ssub.s32 s26, s8;
	s7 =	sadd.s32 $0x100, s1  }
0x30: {  	v3 =	vlaneseq.u32;
	s12 =	simm.s32 $0x4;
	[smem:$0x7FC] =	sst s24;
	s24 =	simm.s32 $0x16880  }
0x31: {  	vm0 =	vmmov $0xffff;
	v1 =	vand.u32 $0x7, v3;
	v2 =	vshrl.u32 v3, $0x3;
	[dreg:$0x1d] =	wrdreg s10;
	s26 =	sshll.u32 s8, $0xA;
	s8 =	sadd.s32 $0x200, s1  }
0x32: {  	v3 =	vor.u32 $0x8, v3;
	v2 =	vmul.u32 $0x8, v2;
	s10 =	sadd.s32 $0x4E700, s0;
	s0 =	simm.s32 $0x3;
	v0 =	vmov s26;
	s26 =	simm.s32 $0x17880  }
.LBB2_1:
0x33: {  	s2 =	rddreg [dreg:$0x6]  }
0x34: {  	[tilespmem:s3], [sflag:$0x4] =	stream.linear.gather [hbm4b:s2+s3], $0x40, $0x38;
	[tilespmem:$0x1A080] =	vst v63  }
0x35: {  	_ =	swait.ge [sflag:s12], $0x40  }
0x36: {  	[sflag:s12] =	ssyncset.done $0x0  }
0x37: {  	[sflag:s12] =	ssyncadd.s32 $0xFFFFFFC0  }
0x38: {  	v4 =	vld [tilespmem:$0x0];
	_ =	sdelay $0x4  }
0x39: {  	v5 =	vadd.s32 v0, v4  }
0x3a: {  	v6 =	vshll.u32 v5, $0x3  }
0x3b: {  	v7 =	vld [tilespmem:$0x10];
	v4 =	vand.u32 $0x7, v4;
	v6 =	vand.u32 $0xFFFFFFC0, v6  }
0x3c: {  	v8 =	vld [tilespmem:$0x20];
	v4 =	vor.u32 v4, v6  }
0x3d: {  	v63 =	vld [tilespmem:$0x30];
	v9 =	vperm.xlane v4, v1;
	_ =	sdelay $0x1  }
0x3e: {  	v9 =	vadd.s32 v2, v9  }
0x3f: {  	[tilespmem:$0x0] =	vst v5;
	v5 =	vadd.s32 v0, v7  }
0x40: {  	[tilespmem:$0x10] =	vst v5;
	v5 =	vadd.s32 v0, v8  }
0x41: {  	[tilespmem:$0x20] =	vst v5;
	v5 =	vadd.s32 v0, v63  }
0x42: {  	[tilespmem:$0x30] =	vst v5  }
0x43: {  	[tilespmem:s13], [sflag:$0x1] =	stream.indirect_vreg.gather [hbm4b:s1+s3], $0x80, v9, vm0, $0xb8;
	[tilespmem:$0x1A080] =	vst v63  }
0x44: {  	s18 =	rddreg [dreg:$0xb];
	v4 =	vperm.xlane v4, v3  }
0x45: {  	[tilespmem:s18], [sflag:$0x1] =	stream.indirect_vreg.gather [hbm4b:s7+s3], $0x80, v9, vm0, $0xb8;
	[tilespmem:$0x1A080] =	vst v63  }
0x46: {  	s17 =	rddreg [dreg:$0xc];
	v4 =	vadd.s32 v2, v4  }
0x47: {  	[tilespmem:s17], [sflag:$0x1] =	stream.indirect_vreg.gather [hbm4b:s8+s3], $0x80, v9, vm0, $0xb8;
	[tilespmem:$0x1A080] =	vst v63  }
0x48: {  	s18 =	rddreg [dreg:$0xd]  }
0x49: {  	[tilespmem:s18], [sflag:$0x1] =	stream.indirect_vreg.gather [hbm4b:s9+s3], $0x80, v9, vm0, $0xb8;
	[tilespmem:$0x1A080] =	vst v63  }
0x4a: {  	s17 =	rddreg [dreg:$0xe]  }
0x4b: {  	[tilespmem:s17], [sflag:$0x1] =	stream.indirect_vreg.gather [hbm4b:s1+s3], $0x80, v4, vm0, $0xb8;
	[tilespmem:$0x1A080] =	vst v63  }
0x4c: {  	s18 =	rddreg [dreg:$0xf]  }
0x4d: {  	[tilespmem:s18], [sflag:$0x1] =	stream.indirect_vreg.gather [hbm4b:s7+s3], $0x80, v4, vm0, $0xb8;
	[tilespmem:$0x1A080] =	vst v63  }
0x4e: {  	s17 =	rddreg [dreg:$0x10]  }
0x4f: {  	[tilespmem:s17], [sflag:$0x1] =	stream.indirect_vreg.gather [hbm4b:s8+s3], $0x80, v4, vm0, $0xb8;
	[tilespmem:$0x1A080] =	vst v63  }
0x50: {  	s18 =	rddreg [dreg:$0x11]  }
0x51: {  	[tilespmem:s18], [sflag:$0x1] =	stream.indirect_vreg.gather [hbm4b:s9+s3], $0x80, v4, vm0, $0xb8;
	[tilespmem:$0x1A080] =	vst v63  }
0x52: {  	v4 =	vld [tilespmem:$0x10];
	_ =	sdelay $0x4  }
0x53: {  	v5 =	vshll.u32 v4, $0x3  }
0x54: {  	v4 =	vand.u32 $0x7, v4;
	v5 =	vand.u32 $0xFFFFFFC0, v5  }
0x55: {  	v4 =	vor.u32 v4, v5  }
0x56: {  	v5 =	vperm.xlane v4, v1;
	_ =	sdelay $0x1  }
0x57: {  	v5 =	vadd.s32 v2, v5;
	_ =	sdelay $0x3  }
0x58: {  	s17 =	rddreg [dreg:$0x12]  }
0x59: {  	[tilespmem:s17], [sflag:$0x1] =	stream.indirect_vreg.gather [hbm4b:s1+s3], $0x80, v5, vm0, $0xb8;
	[tilespmem:$0x1A080] =	vst v63  }
0x5a: {  	s18 =	rddreg [dreg:$0x13];
	v4 =	vperm.xlane v4, v3  }
0x5b: {  	[tilespmem:s18], [sflag:$0x1] =	stream.indirect_vreg.gather [hbm4b:s7+s3], $0x80, v5, vm0, $0xb8;
	[tilespmem:$0x1A080] =	vst v63  }
0x5c: {  	s2 =	rddreg [dreg:$0x14];
	v4 =	vadd.s32 v2, v4  }
0x5d: {  	[tilespmem:s2], [sflag:$0x1] =	stream.indirect_vreg.gather [hbm4b:s8+s3], $0x80, v5, vm0, $0xb8;
	[tilespmem:$0x1A080] =	vst v63  }
0x5e: {  	s18 =	rddreg [dreg:$0x15]  }
0x5f: {  	[tilespmem:s18], [sflag:$0x1] =	stream.indirect_vreg.gather [hbm4b:s9+s3], $0x80, v5, vm0, $0xb8;
	[tilespmem:$0x1A080] =	vst v63  }
0x60: {  	s2 =	rddreg [dreg:$0x16]  }
0x61: {  	[tilespmem:s2], [sflag:$0x1] =	stream.indirect_vreg.gather [hbm4b:s1+s3], $0x80, v4, vm0, $0xb8;
	[tilespmem:$0x1A080] =	vst v63  }
0x62: {  	s18 =	rddreg [dreg:$0x17]  }
0x63: {  	[tilespmem:s18], [sflag:$0x1] =	stream.indirect_vreg.gather [hbm4b:s7+s3], $0x80, v4, vm0, $0xb8;
	[tilespmem:$0x1A080] =	vst v63  }
0x64: {  	s2 =	rddreg [dreg:$0x18]  }
0x65: {  	[tilespmem:s2], [sflag:$0x1] =	stream.indirect_vreg.gather [hbm4b:s8+s3], $0x80, v4, vm0, $0xb8;
	[tilespmem:$0x1A080] =	vst v63  }
0x66: {  	s18 =	rddreg [dreg:$0x19]  }
0x67: {  	[tilespmem:s18], [sflag:$0x1] =	stream.indirect_vreg.gather [hbm4b:s9+s3], $0x80, v4, vm0, $0xb8;
	[tilespmem:$0x1A080] =	vst v63  }
0x68: {  	v4 =	vld [tilespmem:$0x20];
	_ =	sdelay $0x4  }
0x69: {  	v5 =	vshll.u32 v4, $0x3  }
0x6a: {  	v4 =	vand.u32 $0x7, v4;
	v5 =	vand.u32 $0xFFFFFFC0, v5  }
0x6b: {  	v4 =	vor.u32 v4, v5  }
0x6c: {  	v5 =	vperm.xlane v4, v1;
	_ =	sdelay $0x1  }
0x6d: {  	v5 =	vadd.s32 v2, v5;
	_ =	sdelay $0x2  }
0x6e: {  	s17 =	rddreg [dreg:$0x1a]  }
0x6f: {  	s2 =	rddreg [dreg:$0x1c]  }
0x70: {  	[tilespmem:s17], [sflag:$0x1] =	stream.indirect_vreg.gather [hbm4b:s1+s3], $0x80, v5, vm0, $0xb8;
	[tilespmem:$0x1A080] =	vst v63  }
0x71: {  	s18 =	rddreg [dreg:$0x1b];
	v4 =	vperm.xlane v4, v3  }
0x72: {  	[tilespmem:s18], [sflag:$0x1] =	stream.indirect_vreg.gather [hbm4b:s7+s3], $0x80, v5, vm0, $0xb8;
	[tilespmem:$0x1A080] =	vst v63  }
0x73: {  	v4 =	vadd.s32 v2, v4;
	s18 =	rddreg [dreg:$0x1d]  }
0x74: {  	[tilespmem:s2], [sflag:$0x1] =	stream.indirect_vreg.gather [hbm4b:s8+s3], $0x80, v5, vm0, $0xb8;
	[tilespmem:$0x1A080] =	vst v63  }
0x75: {  	s2 =	rddreg [dreg:$0x1e]  }
0x76: {  	[tilespmem:s18], [sflag:$0x1] =	stream.indirect_vreg.gather [hbm4b:s9+s3], $0x80, v5, vm0, $0xb8;
	[tilespmem:$0x1A080] =	vst v63  }
0x77: {  	s18 =	rddreg [dreg:$0x1f]  }
0x78: {  	[tilespmem:s2], [sflag:$0x1] =	stream.indirect_vreg.gather [hbm4b:s1+s3], $0x80, v4, vm0, $0xb8;
	[tilespmem:$0x1A080] =	vst v63  }
0x79: {  	s2 =	sld [smem:$0x7F2]  }
0x7a: {  	[tilespmem:s18], [sflag:$0x1] =	stream.indirect_vreg.gather [hbm4b:s7+s3], $0x80, v4, vm0, $0xb8;
	[tilespmem:$0x1A080] =	vst v63  }
0x7b: {  	s18 =	sld [smem:$0x7F3]  }
0x7c: {  	[tilespmem:s2], [sflag:$0x1] =	stream.indirect_vreg.gather [hbm4b:s8+s3], $0x80, v4, vm0, $0xb8;
	[tilespmem:$0x1A080] =	vst v63  }
0x7d: {  	_ = 	snop  }
0x7e: {  	[tilespmem:s18], [sflag:$0x1] =	stream.indirect_vreg.gather [hbm4b:s9+s3], $0x80, v4, vm0, $0xb8;
	[tilespmem:$0x1A080] =	vst v63  }
0x7f: {  	v4 =	vld [tilespmem:$0x30];
	_ =	sdelay $0x4  }
0x80: {  	v5 =	vshll.u32 v4, $0x3  }
0x81: {  	v4 =	vand.u32 $0x7, v4;
	v5 =	vand.u32 $0xFFFFFFC0, v5  }
0x82: {  	v4 =	vor.u32 v4, v5  }
0x83: {  	v5 =	vperm.xlane v4, v1;
	_ =	sdelay $0x1  }
0x84: {  	v5 =	vadd.s32 v2, v5;
	_ =	sdelay $0x1  }
0x85: {  	s18 =	sld [smem:$0x7F4];
	_ =	sdelay $0x1  }
0x86: {  	s17 =	sld [smem:$0x7F5]  }
0x87: {  	[tilespmem:s18], [sflag:$0x1] =	stream.indirect_vreg.gather [hbm4b:s1+s3], $0x80, v5, vm0, $0xb8;
	[tilespmem:$0x1A080] =	vst v63  }
0x88: {  	v4 =	vperm.xlane v4, v3;
	s18 =	sld [smem:$0x7F6]  }
0x89: {  	[tilespmem:s17], [sflag:$0x1] =	stream.indirect_vreg.gather [hbm4b:s7+s3], $0x80, v5, vm0, $0xb8;
	[tilespmem:$0x1A080] =	vst v63  }
0x8a: {  	v4 =	vadd.s32 v2, v4;
	s17 =	sld [smem:$0x7F7]  }
0x8b: {  	[tilespmem:s18], [sflag:$0x1] =	stream.indirect_vreg.gather [hbm4b:s8+s3], $0x80, v5, vm0, $0xb8;
	[tilespmem:$0x1A080] =	vst v63  }
0x8c: {  	s18 =	sld [smem:$0x7F8]  }
0x8d: {  	[tilespmem:s17], [sflag:$0x1] =	stream.indirect_vreg.gather [hbm4b:s9+s3], $0x80, v5, vm0, $0xb8;
	[tilespmem:$0x1A080] =	vst v63  }
0x8e: {  	s17 =	sld [smem:$0x7F9]  }
0x8f: {  	[tilespmem:s18], [sflag:$0x1] =	stream.indirect_vreg.gather [hbm4b:s1+s3], $0x80, v4, vm0, $0xb8;
	[tilespmem:$0x1A080] =	vst v63  }
0x90: {  	s18 =	sld [smem:$0x7FA]  }
0x91: {  	[tilespmem:s17], [sflag:$0x1] =	stream.indirect_vreg.gather [hbm4b:s7+s3], $0x80, v4, vm0, $0xb8;
	[tilespmem:$0x1A080] =	vst v63  }
0x92: {  	s2 =	sld [smem:$0x7FB]  }
0x93: {  	[tilespmem:s18], [sflag:$0x1] =	stream.indirect_vreg.gather [hbm4b:s8+s3], $0x80, v4, vm0, $0xb8;
	[tilespmem:$0x1A080] =	vst v63  }
0x94: {  	s18 =	sld [smem:$0x7FC]  }
0x95: {  	[tilespmem:s2], [sflag:$0x1] =	stream.indirect_vreg.gather [hbm4b:s9+s3], $0x80, v4, vm0, $0xb8;
	[tilespmem:$0x1A080] =	vst v63  }
0x96: {  	s17 =	rddreg [dreg:$0x4]  }
0x97: {  	[tilespmem:s14], [sflag:$0x2] =	stream.indirect.gather [hbm4b:s17+s18], $0x80, s3, s18, $0xb8;
	[tilespmem:$0x1A080] =	vst v63  }
0x98: {  	s2 =	rddreg [dreg:$0x5]  }
0x99: {  	[tilespmem:s15], [sflag:$0x4] =	stream.linear.gather [hbm4b:s2+s3], $0x8000, $0x38;
	[tilespmem:$0x1A080] =	vst v63  }
0x9a: {  	_ =	swait.ge [sflag:s12], $0x8000  }
0x9b: {  	[sflag:s12] =	ssyncset.done $0x0  }
0x9c: {  	[sflag:s12] =	ssyncadd.s32 $0xFFFF8000  }
0x9d: {  	[hbm4b:s5+s3] =	stream.linear.scatter [tilespmem:s15], [sflag:$0x4], $0x8000, $0x38;
	[tilespmem:$0x1A080] =	vst v63  }
0x9e: {  	_ =	swait.ge [sflag:s12], $0x8000  }
0x9f: {  	[sflag:s12] =	ssyncset.done $0x0  }
0xa0: {  	s18 =	rddreg [dreg:$0x7];
	[sflag:s12] =	ssyncadd.s32 $0xFFFF8000  }
0xa1: {  	[hbm4b:s18+s3] =	stream.linear.scatter [tilespmem:s15], [sflag:$0x4], $0x8000, $0x38;
	[tilespmem:$0x1A080] =	vst v63  }
0xa2: {  	_ =	swait.ge [sflag:s12], $0x8000  }
0xa3: {  	[sflag:s12] =	ssyncset.done $0x0  }
0xa4: {  	[sflag:s12] =	ssyncadd.s32 $0xFFFF8000  }
0xa5: {  	_ =	swait.ge [sflag:s6], $0x10000  }
0xa6: {  	[sflag:s6] =	ssyncset.done $0x0  }
0xa7: {  	[sflag:s6] =	ssyncadd.s32 $0xFFFF0000  }
0xa8: {  	_ =	swait.ge [sflag:s16], $0x2000  }
0xa9: {  	[sflag:s16] =	ssyncset.done $0x0  }
0xaa: {  	s17 =	rddreg [dreg:$0x8];
	[sflag:s16] =	ssyncadd.s32 $0xFFFFE000  }
0xab: {  	[hbm4b:s17+s3] =	stream.linear.scatter [tilespmem:s13], [sflag:$0x4], $0x10000, $0x38;
	[tilespmem:$0x1A080] =	vst v63  }
0xac: {  	_ =	swait.ge [sflag:s12], $0x10000  }
0xad: {  	[sflag:s12] =	ssyncset.done $0x0  }
0xae: {  	s18 =	rddreg [dreg:$0x9];
	[sflag:s12] =	ssyncadd.s32 $0xFFFF0000  }
0xaf: {  	[hbm4b:s18+s3] =	stream.linear.scatter [tilespmem:s14], [sflag:$0x4], $0x2000, $0x38;
	[tilespmem:$0x1A080] =	vst v63  }
0xb0: {  	_ =	swait.ge [sflag:s12], $0x2000  }
0xb1: {  	[sflag:s12] =	ssyncset.done $0x0  }
0xb2: {  	[sflag:s12] =	ssyncadd.s32 $0xFFFFE000  }
0xb3: {  	[bflag:$0x0] =	sbarrier.arrive $0xFFFF  }
0xb4: {  	s17 =	rddreg [dreg:$0xa]  }
0xb5: {  	[tilespmem:s15], [sflag:$0x4] =	stream.linear.gather [hbm4b:s17+s3], $0x8000, $0x38;
	[tilespmem:$0x1A080] =	vst v63  }
0xb6: {  	_ =	swait.ge [sflag:s12], $0x8000  }
0xb7: {  	[sflag:s12] =	ssyncset.done $0x0  }
0xb8: {  	[sflag:s12] =	ssyncadd.s32 $0xFFFF8000  }
0xb9: {  	v4 =	vld [tilespmem:$0x0];
	_ =	sdelay $0x4  }
0xba: {  	v5 =	vshll.u32 v4, $0x2  }
0xbb: {  	v4 =	vand.u32 $0x7, v4;
	v5 =	vand.u32 $0xFFFFFFE0, v5  }
0xbc: {  	v4 =	vor.u32 v4, v5  }
0xbd: {  	v5 =	vperm.xlane v4, v1;
	_ =	sdelay $0x1  }
0xbe: {  	v5 =	vadd.s32 v2, v5;
	_ =	sdelay $0x1  }
0xbf: {  	v4 =	vperm.xlane v4, v3;
	_ =	sdelay $0x1  }
0xc0: {  	s18 =	sld [smem:$0x7FD];
	v4 =	vadd.s32 v2, v4  }
0xc1: {  	[hbm4b:s4+s3] =	stream.indirect_vreg.scatter [tilespmem:s15], [sflag:$0x3], $0x80, v5, vm0, $0xb8;
	[tilespmem:$0x1A080] =	vst v63  }
0xc2: {  	_ = 	snop  }
0xc3: {  	[hbm4b:s10+s3] =	stream.indirect_vreg.scatter [tilespmem:s18], [sflag:$0x3], $0x80, v5, vm0, $0xb8;
	[tilespmem:$0x1A080] =	vst v63  }
0xc4: {  	s17 =	simm.s32 $0x13080  }
0xc5: {  	[hbm4b:s4+s3] =	stream.indirect_vreg.scatter [tilespmem:s17], [sflag:$0x3], $0x80, v4, vm0, $0xb8;
	[tilespmem:$0x1A080] =	vst v63  }
0xc6: {  	s18 =	simm.s32 $0x13880  }
0xc7: {  	[hbm4b:s10+s3] =	stream.indirect_vreg.scatter [tilespmem:s18], [sflag:$0x3], $0x80, v4, vm0, $0xb8;
	[tilespmem:$0x1A080] =	vst v63  }
0xc8: {  	v4 =	vld [tilespmem:$0x10];
	_ =	sdelay $0x4  }
0xc9: {  	v5 =	vshll.u32 v4, $0x2  }
0xca: {  	v4 =	vand.u32 $0x7, v4;
	v5 =	vand.u32 $0xFFFFFFE0, v5  }
0xcb: {  	v4 =	vor.u32 v4, v5  }
0xcc: {  	v5 =	vperm.xlane v4, v1;
	_ =	sdelay $0x1  }
0xcd: {  	v5 =	vadd.s32 v2, v5;
	_ =	sdelay $0x1  }
0xce: {  	v4 =	vperm.xlane v4, v3;
	_ =	sdelay $0x1  }
0xcf: {  	v4 =	vadd.s32 v2, v4  }
0xd0: {  	[hbm4b:s4+s3] =	stream.indirect_vreg.scatter [tilespmem:s19], [sflag:$0x3], $0x80, v5, vm0, $0xb8;
	[tilespmem:$0x1A080] =	vst v63  }
0xd1: {  	_ = 	snop  }
0xd2: {  	[hbm4b:s10+s3] =	stream.indirect_vreg.scatter [tilespmem:s20], [sflag:$0x3], $0x80, v5, vm0, $0xb8;
	[tilespmem:$0x1A080] =	vst v63  }
0xd3: {  	_ = 	snop  }
0xd4: {  	[hbm4b:s4+s3] =	stream.indirect_vreg.scatter [tilespmem:s21], [sflag:$0x3], $0x80, v4, vm0, $0xb8;
	[tilespmem:$0x1A080] =	vst v63  }
0xd5: {  	_ = 	snop  }
0xd6: {  	[hbm4b:s10+s3] =	stream.indirect_vreg.scatter [tilespmem:s22], [sflag:$0x3], $0x80, v4, vm0, $0xb8;
	[tilespmem:$0x1A080] =	vst v63  }
0xd7: {  	v4 =	vld [tilespmem:$0x20];
	_ =	sdelay $0x4  }
0xd8: {  	v5 =	vshll.u32 v4, $0x2  }
0xd9: {  	v4 =	vand.u32 $0x7, v4;
	v5 =	vand.u32 $0xFFFFFFE0, v5  }
0xda: {  	v4 =	vor.u32 v4, v5  }
0xdb: {  	v5 =	vperm.xlane v4, v1;
	_ =	sdelay $0x1  }
0xdc: {  	v5 =	vadd.s32 v2, v5;
	_ =	sdelay $0x1  }
0xdd: {  	v4 =	vperm.xlane v4, v3;
	_ =	sdelay $0x1  }
0xde: {  	v4 =	vadd.s32 v2, v4  }
0xdf: {  	[hbm4b:s4+s3] =	stream.indirect_vreg.scatter [tilespmem:s23], [sflag:$0x3], $0x80, v5, vm0, $0xb8;
	[tilespmem:$0x1A080] =	vst v63  }
0xe0: {  	_ = 	snop  }
0xe1: {  	[hbm4b:s10+s3] =	stream.indirect_vreg.scatter [tilespmem:s24], [sflag:$0x3], $0x80, v5, vm0, $0xb8;
	[tilespmem:$0x1A080] =	vst v63  }
0xe2: {  	_ = 	snop  }
0xe3: {  	[hbm4b:s4+s3] =	stream.indirect_vreg.scatter [tilespmem:s25], [sflag:$0x3], $0x80, v4, vm0, $0xb8;
	[tilespmem:$0x1A080] =	vst v63  }
0xe4: {  	_ = 	snop  }
0xe5: {  	[hbm4b:s10+s3] =	stream.indirect_vreg.scatter [tilespmem:s26], [sflag:$0x3], $0x80, v4, vm0, $0xb8;
	[tilespmem:$0x1A080] =	vst v63  }
0xe6: {  	v4 =	vld [tilespmem:$0x30];
	_ =	sdelay $0x4  }
0xe7: {  	v5 =	vshll.u32 v4, $0x2  }
0xe8: {  	v4 =	vand.u32 $0x7, v4;
	v5 =	vand.u32 $0xFFFFFFE0, v5  }
0xe9: {  	v4 =	vor.u32 v4, v5  }
0xea: {  	v5 =	vperm.xlane v4, v1;
	_ =	sdelay $0x1  }
0xeb: {  	v5 =	vadd.s32 v2, v5;
	_ =	sdelay $0x1  }
0xec: {  	v4 =	vperm.xlane v4, v3;
	_ =	sdelay $0x1  }
0xed: {  	v4 =	vadd.s32 v2, v4  }
0xee: {  	[hbm4b:s4+s3] =	stream.indirect_vreg.scatter [tilespmem:s28], [sflag:$0x3], $0x80, v5, vm0, $0xb8;
	[tilespmem:$0x1A080] =	vst v63  }
0xef: {  	_ = 	snop  }
0xf0: {  	[hbm4b:s10+s3] =	stream.indirect_vreg.scatter [tilespmem:s29], [sflag:$0x3], $0x80, v5, vm0, $0xb8;
	[tilespmem:$0x1A080] =	vst v63  }
0xf1: {  	p0 =	sne.s32 s11, $0x1  }
0xf2: {  	[hbm4b:s4+s3] =	stream.indirect_vreg.scatter [tilespmem:s30], [sflag:$0x3], $0x80, v4, vm0, $0xb8;
	[tilespmem:$0x1A080] =	vst v63  }
.Ltmp0:
0xf3: {  	_ = 	snop;
	(pc) =	sbr.rel @p0 .LBB2_1-.Ltmp0, $4  }
0xf4: {  	[hbm4b:s10+s3] =	stream.indirect_vreg.scatter [tilespmem:s31], [sflag:$0x3], $0x80, v4, vm0, $0xb8;
	[tilespmem:$0x1A080] =	vst v63  }
0xf5: {  	_ =	swait.ge [sflag:s0], $0x8000  }
0xf6: {  	[sflag:s0] =	ssyncset.done $0x0  }
0xf7: {  	s11 =	sadd.s32 $0xFFFFFFFF, s11;
	[sflag:s0] =	ssyncadd.s32 $0xFFFF8000  }
0xf8: {  	_ =	sfence.sel $0x180000  }
0xf9: {  	[bflag:$0x0] =	sbarrier.arrive $0xFFFF  }
0xfa: {  	_ =	strace $0x90000047  }
0xfb: {  	s0 =	stileid.u32;
	[bflag:$0x2] =	sbarrier.arrive $0xFFFF  }
0xfc: {  	p0 =	sne.s32 s0, $0x0;
	s0 =	rddreg [dreg:$0x3]  }
0xfd: {  	s0 =	sadd.s32 @!p0 $0x100000, s0  }
0xfe: {  	[sflag:s0] =	ssyncadd.tile.s32 @!p0 $0x1;
	_ =	shalt  }
.Lfunc_end2:
_tile_overlayer_lowered:
.L_overlay_start_2:
0xff: {  	(tag) =	ssettag $0x2  }
0x100: {  	s0 =	rddreg [dreg:$0x0];
	s2 =	stileid.u32  }
0x101: {  	s1 =	rddreg [dreg:$0x1];
	p0 =	sne.s32 s2, $0x0  }
0x102: {  	s3 =	rddreg [dreg:$0x2];
	[bflag:$0x3] =	sbarrier.arrive $0xFFFF;
	s2 =	simm.s32 @!p0 $0x1C04  }
0x103: {  	[timem:s3], [sflag:s2] =	dma.local @!p0 [hbm:s0], s1  }
0x104: {  	s0 =	simm.s32 @!p0 $0x4  }
0x105: {  	_ =	swait.ge @!p0 [sflag:s0], s1  }
0x106: {  	s1 =	ssub.s32 @!p0 $0x0, s1;
	[sflag:s0] =	ssyncset.done @!p0 $0x0  }
0x107: {  	[sflag:s0] =	ssyncadd.s32 @!p0 s1  }
0x108: {  	[bflag:$0x3] =	sbarrier.arrive $0xFFFF  }
0x109: {  	_ =	shalt  }

</sc_bundles>
